<compile_context>
chip_gen: v7x
topology: tpu7x:2x2x1
jax: 0.10.2.dev20260603
libtpu: 0.0.44.dev20260713+nightly
codegen_flags: <defaults>
</compile_context>

<pallas_src>
import functools

import jax
import jax.numpy as jnp
from jax import lax
from jax.experimental import pallas as pl
from jax.experimental.pallas import tpu as pltpu
from jax.experimental.pallas import tpu_sc as plsc

N = 10000
E = 160000
D = 256
DQ = 64
NC = 2
NS = 16
L = 16
CH = 80
NCHT = 125
ECH = NS * NCHT
EPAD = ECH * CH - E
NB = 4
NP = 10240
NRT = NP // NS
DW = 16
SS = NRT // CH


def _sc_body(tbl, sq0, sq1, sq2, sq3, d2d, zeros, zeros_d,
             out_q0, out_q1, out_q2, out_q3, out_deg,
             idx_all, dst_all, rows0, rows1, ones_v, dstage_v,
             acc_s, deg_s,
             sg0, sg1, ss0, ss1, sd0, sd1):
    c = lax.axis_index("c")
    s = lax.axis_index("s")
    row0 = s * NRT
    slab0 = s * NCHT

    ones = jnp.full((L,), 1.0, dtype=jnp.float32)
    for r in range(CH):
        ones_v[r, :] = ones
    pltpu.sync_copy(d2d.at[pl.ds(slab0, NCHT)], dst_all)
    pltpu.sync_copy(zeros_d, dstage_v)
    pltpu.sync_copy(dstage_v, deg_s.at[pl.ds(row0, NRT)])

    rows_b = (rows0, rows1)
    sg = (sg0, sg1)
    ss = (ss0, ss1)
    sd = (sd0, sd1)

    def scat_start(j, b, do_deg):
        pltpu.async_copy(rows_b[b], acc_s.at[dst_all.at[j]], ss[b], add=True)
        if do_deg:
            pltpu.async_copy(ones_v, deg_s.at[dst_all.at[j]], sd[b], add=True)

    def scat_wait(b, do_deg):
        pltpu.make_async_copy(rows_b[b], acc_s.at[dst_all.at[0]], ss[b]).wait()
        if do_deg:
            pltpu.make_async_copy(ones_v, deg_s.at[dst_all.at[0]], sd[b]).wait()

    for p in range(2):
        do_deg = p == 0

        src_lo = (sq0, sq1)[p]
        src_hi = (sq2, sq3)[p]

        @pl.when(c == 0)
        def _(src=src_lo):
            pltpu.sync_copy(src.at[pl.ds(slab0, NCHT)], idx_all)

        @pl.when(c == 1)
        def _(src=src_hi):
            pltpu.sync_copy(src.at[pl.ds(slab0, NCHT)], idx_all)

        def gather_start(j, b):
            pltpu.async_copy(tbl.at[idx_all.at[j]], rows_b[b], sg[b])

        def gather_wait(b):
            pltpu.make_async_copy(tbl.at[idx_all.at[0]], rows_b[b], sg[b]).wait()

        pltpu.sync_copy(zeros, rows0)
        for k in range(SS):
            pltpu.sync_copy(rows0, acc_s.at[pl.ds(row0 + k * CH, CH)])
        plsc.subcore_barrier()

        gather_start(0, 0)

        def body(k, carry):
            a = 2 * k
            gather_wait(0)
            scat_start(a, 0, do_deg)

            @pl.when(k > 0)
            def _():
                scat_wait(1, do_deg)

            gather_start(a + 1, 1)
            gather_wait(1)
            scat_start(a + 1, 1, do_deg)
            scat_wait(0, do_deg)
            gather_start(a + 2, 0)
            return carry

        lax.fori_loop(0, (NCHT - 1) // 2, body, 0)

        gather_wait(0)
        scat_start(NCHT - 1, 0, do_deg)
        scat_wait(1, do_deg)
        scat_wait(0, do_deg)
        plsc.subcore_barrier()

        dst_lo = (out_q0, out_q1)[p]
        dst_hi = (out_q2, out_q3)[p]
        for k in range(SS):
            pltpu.sync_copy(acc_s.at[pl.ds(row0 + k * CH, CH)], rows0)

            @pl.when(c == 0)
            def _(dst=dst_lo, k=k):
                pltpu.sync_copy(rows0, dst.at[pl.ds(row0 + k * CH, CH)])

            @pl.when(c == 1)
            def _(dst=dst_hi, k=k):
                pltpu.sync_copy(rows0, dst.at[pl.ds(row0 + k * CH, CH)])

        if p == 0:
            @pl.when(c == 0)
            def _():
                pltpu.sync_copy(deg_s.at[pl.ds(row0, NRT)], dstage_v)
                pltpu.sync_copy(dstage_v, out_deg.at[pl.ds(row0, NRT)])


_sc_agg = functools.partial(
    pl.kernel,
    out_type=[
        jax.ShapeDtypeStruct((NP, DQ), jnp.float32),
        jax.ShapeDtypeStruct((NP, DQ), jnp.float32),
        jax.ShapeDtypeStruct((NP, DQ), jnp.float32),
        jax.ShapeDtypeStruct((NP, DQ), jnp.float32),
        jax.ShapeDtypeStruct((NP, DW), jnp.float32),
    ],
    mesh=plsc.VectorSubcoreMesh(core_axis_name="c", subcore_axis_name="s"),
    compiler_params=pltpu.CompilerParams(use_tc_tiling_on_sc=False),
    scratch_types=[
        pltpu.VMEM((NCHT, CH), jnp.int32),
        pltpu.VMEM((NCHT, CH), jnp.int32),
        pltpu.VMEM((CH, DQ), jnp.float32),
        pltpu.VMEM((CH, DQ), jnp.float32),
        pltpu.VMEM((CH, DW), jnp.float32),
        pltpu.VMEM((NRT, DW), jnp.float32),
        pltpu.VMEM_SHARED((NP, DQ), jnp.float32),
        pltpu.VMEM_SHARED((NP, DW), jnp.float32),
    ] + [pltpu.SemaphoreType.DMA] * 6,
)(_sc_body)


BR = 1000


def _tc_self_body(feat_b, ws, bias, out_b):
    out_b[...] = jnp.dot(feat_b[...], ws[...],
                         preferred_element_type=jnp.float32) + bias[...]


def _tc_neigh_body(self_b, n0_b, n1_b, n2_b, n3_b, deg_b,
                   wn0, wn1, wn2, wn3, out_b):
    inv = 1.0 / jnp.maximum(deg_b[...], 1.0)
    acc = self_b[...]
    acc += jnp.dot(n0_b[...] * inv, wn0[...], preferred_element_type=jnp.float32)
    acc += jnp.dot(n1_b[...] * inv, wn1[...], preferred_element_type=jnp.float32)
    acc += jnp.dot(n2_b[...] * inv, wn2[...], preferred_element_type=jnp.float32)
    acc += jnp.dot(n3_b[...] * inv, wn3[...], preferred_element_type=jnp.float32)
    out_b[...] = acc


def kernel(feat, edge_index, W_self, b_self, W_neigh, b_neigh):
    feat = feat.astype(jnp.float32)
    srcs = edge_index[0].astype(jnp.int32)
    dsts = edge_index[1].astype(jnp.int32)
    sq = [jnp.concatenate([srcs + q * N, jnp.zeros((EPAD,), jnp.int32)]
                          ).reshape(ECH, CH) for q in range(4)]
    d2d = jnp.concatenate(
        [dsts, jnp.full((EPAD,), N, jnp.int32)]).reshape(ECH, CH)
    zeros = jnp.zeros((CH, DQ), dtype=jnp.float32)
    zeros_d = jnp.zeros((NRT, DW), dtype=jnp.float32)

    tbl = jnp.concatenate(
        [feat[:, 0 * DQ:1 * DQ], feat[:, 1 * DQ:2 * DQ],
         feat[:, 2 * DQ:3 * DQ], feat[:, 3 * DQ:4 * DQ]], axis=0)
    n0, n1, n2, n3, deg16 = _sc_agg(tbl, sq[0], sq[1], sq[2], sq[3], d2d,
                                    zeros, zeros_d)
    deg = deg16[:N, :1]

    nblk = N // BR
    out_self = pl.pallas_call(
        _tc_self_body,
        grid=(nblk,),
        in_specs=[
            pl.BlockSpec((BR, D), lambda i: (i, 0)),
            pl.BlockSpec((D, D), lambda i: (0, 0)),
            pl.BlockSpec((1, D), lambda i: (0, 0)),
        ],
        out_specs=pl.BlockSpec((BR, D), lambda i: (i, 0)),
        out_shape=jax.ShapeDtypeStruct((N, D), jnp.float32),
    )(feat, W_self, (b_self + b_neigh).reshape(1, D))

    qspec = pl.BlockSpec((BR, DQ), lambda i: (i, 0))
    wspec = pl.BlockSpec((DQ, D), lambda i: (0, 0))
    out = pl.pallas_call(
        _tc_neigh_body,
        grid=(nblk,),
        in_specs=[
            pl.BlockSpec((BR, D), lambda i: (i, 0)),
            qspec, qspec, qspec, qspec,
            pl.BlockSpec((BR, 1), lambda i: (i, 0)),
            wspec, wspec, wspec, wspec,
        ],
        out_specs=pl.BlockSpec((BR, D), lambda i: (i, 0)),
        out_shape=jax.ShapeDtypeStruct((N, D), jnp.float32),
    )(out_self, n0, n1, n2, n3, deg,
      W_neigh[0 * DQ:1 * DQ], W_neigh[1 * DQ:2 * DQ],
      W_neigh[2 * DQ:3 * DQ], W_neigh[3 * DQ:4 * DQ])
    return out

# --- scband reference (transcript-rebuilt; emitter-appended) ---
"""Pipeline reference for scband-sageconv-41386304864604 (READ-ONLY COPY).

The authoritative reference and input builder live on the scoring server;
editing this copy changes nothing except your own understanding.
"""

import jax, jax.numpy as jnp
import numpy as np

N = 10000
E = 160000
D_IN = 256
D_OUT = 256


def setup_inputs(seed: int = 0) -> dict:
    key = jax.random.key(seed)
    k1, k2, k3, k4, k5, k6 = jax.random.split(key, 6)
    feat = jax.random.normal(k1, (N, D_IN), dtype=jnp.float32)
    edge_index = jax.random.randint(k2, (2, E), 0, N)
    # Xavier-style initialized linear weights (fc_self, fc_neigh)
    scale_self = float(np.sqrt(2.0 / (D_IN + D_OUT)))
    W_self = jax.random.normal(k3, (D_IN, D_OUT), dtype=jnp.float32) * scale_self
    b_self = jnp.zeros((D_OUT,), dtype=jnp.float32)
    W_neigh = jax.random.normal(k4, (D_IN, D_OUT), dtype=jnp.float32) * scale_self
    b_neigh = jnp.zeros((D_OUT,), dtype=jnp.float32)
    return {
        "feat": feat,
        "edge_index": edge_index,
        "W_self": W_self,
        "b_self": b_self,
        "W_neigh": W_neigh,
        "b_neigh": b_neigh,
    }


def reference(feat, edge_index, W_self, b_self, W_neigh, b_neigh):
    # SAGEConv with aggregator_type='mean', feat_drop=0 (identity), no norm/activation.
    # h_self = feat_dst = feat; h_neigh = mean over in-edge messages (copy_src -> mean)
    src = edge_index[0]
    dst = edge_index[1]
    n = feat.shape[0]
    msgs = jnp.take(feat, src, axis=0)  # gather source features [E, D]
    neigh_sum = jax.ops.segment_sum(msgs, dst, num_segments=n)  # scatter-add to dst
    deg = jax.ops.segment_sum(jnp.ones((src.shape[0],), dtype=feat.dtype), dst, num_segments=n)
    h_neigh = neigh_sum / jnp.maximum(deg, 1.0)[:, None]  # mean reduce (0 for isolated nodes)
    # rst = fc_self(h_self) + fc_neigh(h_neigh)
    rst = feat @ W_self + b_self + h_neigh @ W_neigh + b_neigh
    return rst

if __name__ == "__main__":
    import jax
    _d = setup_inputs()
    print(jax.jit(kernel)(*tuple(_d.values())))

</pallas_src>

<mosaic_0001>
#map = affine_map<(d0, d1) -> (0, 0)>
module attributes {stable_mosaic.version = 14 : i64} {
  func.func @_sc_body(%arg0: i32, %arg1: i32, %arg2: memref<40000x64xf32, #tpu.memory_space<hbm>>, %arg3: memref<2000x80xi32, #tpu.memory_space<hbm>>, %arg4: memref<2000x80xi32, #tpu.memory_space<hbm>>, %arg5: memref<2000x80xi32, #tpu.memory_space<hbm>>, %arg6: memref<2000x80xi32, #tpu.memory_space<hbm>>, %arg7: memref<2000x80xi32, #tpu.memory_space<hbm>>, %arg8: memref<80x64xf32, #tpu.memory_space<hbm>>, %arg9: memref<640x16xf32, #tpu.memory_space<hbm>>, %arg10: memref<10240x64xf32, #tpu.memory_space<hbm>>, %arg11: memref<10240x64xf32, #tpu.memory_space<hbm>>, %arg12: memref<10240x64xf32, #tpu.memory_space<hbm>>, %arg13: memref<10240x64xf32, #tpu.memory_space<hbm>>, %arg14: memref<10240x16xf32, #tpu.memory_space<hbm>>, %arg15: memref<125x80xi32, #tpu.memory_space<vmem>>, %arg16: memref<125x80xi32, #tpu.memory_space<vmem>>, %arg17: memref<80x64xf32, #tpu.memory_space<vmem>>, %arg18: memref<80x64xf32, #tpu.memory_space<vmem>>, %arg19: memref<80x16xf32, #tpu.memory_space<vmem>>, %arg20: memref<640x16xf32, #tpu.memory_space<vmem>>, %arg21: memref<10240x64xf32, #tpu.memory_space<vmem_shared>>, %arg22: memref<10240x16xf32, #tpu.memory_space<vmem_shared>>, %arg23: memref<!tpu.dma_semaphore, #tpu.memory_space<semaphore_mem>>, %arg24: memref<!tpu.dma_semaphore, #tpu.memory_space<semaphore_mem>>, %arg25: memref<!tpu.dma_semaphore, #tpu.memory_space<semaphore_mem>>, %arg26: memref<!tpu.dma_semaphore, #tpu.memory_space<semaphore_mem>>, %arg27: memref<!tpu.dma_semaphore, #tpu.memory_space<semaphore_mem>>, %arg28: memref<!tpu.dma_semaphore, #tpu.memory_space<semaphore_mem>>) attributes {dimension_semantics = [#tpu.dimension_semantics<core_parallel>, #tpu.dimension_semantics<subcore_parallel>], iteration_bounds = array<i64: 2, 16>, scalar_prefetch = 0 : i64, scratch_operands = 14 : i64, tpu.core_type = #tpu.core_type<sc_vector_subcore>, window_params = [{transform_indices = #map}, {transform_indices = #map}, {transform_indices = #map}, {transform_indices = #map}, {transform_indices = #map}, {transform_indices = #map}, {transform_indices = #map}, {transform_indices = #map}, {transform_indices = #map}, {transform_indices = #map}, {transform_indices = #map}, {transform_indices = #map}, {transform_indices = #map}]} {
    %mul3A = arith.constant 640 : i32
    %mul3A_0 = arith.muli %arg1, %mul3A : i32
    %mul3A_1 = arith.constant 125 : i32
    %mul3A_2 = arith.muli %arg1, %mul3A_1 : i32
    %broadcast_in_dim3A = arith.constant 1.000000e+00 : f32
    %broadcast_in_dim3A_3 = vector.broadcast %broadcast_in_dim3A : f32 to vector<16xf32>
    %swap3A = arith.constant 0 : i32
    %swap3A_4 = arith.index_cast %swap3A : i32 to index
    %swap3A_5 = arith.constant 0 : index
    %swap3A_6 = tpu.vector_load %arg19[%swap3A_4, %swap3A_5] {strides = array<i32>} : memref<80x16xf32, #tpu.memory_space<vmem>>, vector<1x16xf32>,
    %swap3A_7 = vector.shape_cast %swap3A_6 : vector<1x16xf32> to vector<16xf32>
    %swap3A_8 = vector.shape_cast %broadcast_in_dim3A_3 : vector<16xf32> to vector<1x16xf32>
    tpu.vector_store %arg19[%swap3A_4, %swap3A_5], %swap3A_8 {strides = array<i32>} : memref<80x16xf32, #tpu.memory_space<vmem>>, vector<1x16xf32>,
    %swap3A_9 = arith.constant 1 : i32
    %swap3A_10 = arith.index_cast %swap3A_9 : i32 to index
    %swap3A_11 = arith.constant 0 : index
    %swap3A_12 = tpu.vector_load %arg19[%swap3A_10, %swap3A_11] {strides = array<i32>} : memref<80x16xf32, #tpu.memory_space<vmem>>, vector<1x16xf32>,
    %swap3A_13 = vector.shape_cast %swap3A_12 : vector<1x16xf32> to vector<16xf32>
    %swap3A_14 = vector.shape_cast %broadcast_in_dim3A_3 : vector<16xf32> to vector<1x16xf32>
    tpu.vector_store %arg19[%swap3A_10, %swap3A_11], %swap3A_14 {strides = array<i32>} : memref<80x16xf32, #tpu.memory_space<vmem>>, vector<1x16xf32>,
    %swap3A_15 = arith.constant 2 : i32
    %swap3A_16 = arith.index_cast %swap3A_15 : i32 to index
    %swap3A_17 = arith.constant 0 : index
    %swap3A_18 = tpu.vector_load %arg19[%swap3A_16, %swap3A_17] {strides = array<i32>} : memref<80x16xf32, #tpu.memory_space<vmem>>, vector<1x16xf32>,
    %swap3A_19 = vector.shape_cast %swap3A_18 : vector<1x16xf32> to vector<16xf32>
    %swap3A_20 = vector.shape_cast %broadcast_in_dim3A_3 : vector<16xf32> to vector<1x16xf32>
    tpu.vector_store %arg19[%swap3A_16, %swap3A_17], %swap3A_20 {strides = array<i32>} : memref<80x16xf32, #tpu.memory_space<vmem>>, vector<1x16xf32>,
    %swap3A_21 = arith.constant 3 : i32
    %swap3A_22 = arith.index_cast %swap3A_21 : i32 to index
    %swap3A_23 = arith.constant 0 : index
    %swap3A_24 = tpu.vector_load %arg19[%swap3A_22, %swap3A_23] {strides = array<i32>} : memref<80x16xf32, #tpu.memory_space<vmem>>, vector<1x16xf32>,
    %swap3A_25 = vector.shape_cast %swap3A_24 : vector<1x16xf32> to vector<16xf32>
    %swap3A_26 = vector.shape_cast %broadcast_in_dim3A_3 : vector<16xf32> to vector<1x16xf32>
    tpu.vector_store %arg19[%swap3A_22, %swap3A_23], %swap3A_26 {strides = array<i32>} : memref<80x16xf32, #tpu.memory_space<vmem>>, vector<1x16xf32>,
    %swap3A_27 = arith.constant 4 : i32
    %swap3A_28 = arith.index_cast %swap3A_27 : i32 to index
    %swap3A_29 = arith.constant 0 : index
    %swap3A_30 = tpu.vector_load %arg19[%swap3A_28, %swap3A_29] {strides = array<i32>} : memref<80x16xf32, #tpu.memory_space<vmem>>, vector<1x16xf32>,
    %swap3A_31 = vector.shape_cast %swap3A_30 : vector<1x16xf32> to vector<16xf32>
    %swap3A_32 = vector.shape_cast %broadcast_in_dim3A_3 : vector<16xf32> to vector<1x16xf32>
    tpu.vector_store %arg19[%swap3A_28, %swap3A_29], %swap3A_32 {strides = array<i32>} : memref<80x16xf32, #tpu.memory_space<vmem>>, vector<1x16xf32>,
    %swap3A_33 = arith.constant 5 : i32
    %swap3A_34 = arith.index_cast %swap3A_33 : i32 to index
    %swap3A_35 = arith.constant 0 : index
    %swap3A_36 = tpu.vector_load %arg19[%swap3A_34, %swap3A_35] {strides = array<i32>} : memref<80x16xf32, #tpu.memory_space<vmem>>, vector<1x16xf32>,
    %swap3A_37 = vector.shape_cast %swap3A_36 : vector<1x16xf32> to vector<16xf32>
    %swap3A_38 = vector.shape_cast %broadcast_in_dim3A_3 : vector<16xf32> to vector<1x16xf32>
    tpu.vector_store %arg19[%swap3A_34, %swap3A_35], %swap3A_38 {strides = array<i32>} : memref<80x16xf32, #tpu.memory_space<vmem>>, vector<1x16xf32>,
    %swap3A_39 = arith.constant 6 : i32
    %swap3A_40 = arith.index_cast %swap3A_39 : i32 to index
    %swap3A_41 = arith.constant 0 : index
    %swap3A_42 = tpu.vector_load %arg19[%swap3A_40, %swap3A_41] {strides = array<i32>} : memref<80x16xf32, #tpu.memory_space<vmem>>, vector<1x16xf32>,
    %swap3A_43 = vector.shape_cast %swap3A_42 : vector<1x16xf32> to vector<16xf32>
    %swap3A_44 = vector.shape_cast %broadcast_in_dim3A_3 : vector<16xf32> to vector<1x16xf32>
    tpu.vector_store %arg19[%swap3A_40, %swap3A_41], %swap3A_44 {strides = array<i32>} : memref<80x16xf32, #tpu.memory_space<vmem>>, vector<1x16xf32>,
    %swap3A_45 = arith.constant 7 : i32
    %swap3A_46 = arith.index_cast %swap3A_45 : i32 to index
    %swap3A_47 = arith.constant 0 : index
    %swap3A_48 = tpu.vector_load %arg19[%swap3A_46, %swap3A_47] {strides = array<i32>} : memref<80x16xf32, #tpu.memory_space<vmem>>, vector<1x16xf32>,
    %swap3A_49 = vector.shape_cast %swap3A_48 : vector<1x16xf32> to vector<16xf32>
    %swap3A_50 = vector.shape_cast %broadcast_in_dim3A_3 : vector<16xf32> to vector<1x16xf32>
    tpu.vector_store %arg19[%swap3A_46, %swap3A_47], %swap3A_50 {strides = array<i32>} : memref<80x16xf32, #tpu.memory_space<vmem>>, vector<1x16xf32>,
    %swap3A_51 = arith.constant 8 : i32
    %swap3A_52 = arith.index_cast %swap3A_51 : i32 to index
    %swap3A_53 = arith.constant 0 : index
    %swap3A_54 = tpu.vector_load %arg19[%swap3A_52, %swap3A_53] {strides = array<i32>} : memref<80x16xf32, #tpu.memory_space<vmem>>, vector<1x16xf32>,
    %swap3A_55 = vector.shape_cast %swap3A_54 : vector<1x16xf32> to vector<16xf32>
    %swap3A_56 = vector.shape_cast %broadcast_in_dim3A_3 : vector<16xf32> to vector<1x16xf32>
    tpu.vector_store %arg19[%swap3A_52, %swap3A_53], %swap3A_56 {strides = array<i32>} : memref<80x16xf32, #tpu.memory_space<vmem>>, vector<1x16xf32>,
    %swap3A_57 = arith.constant 9 : i32
    %swap3A_58 = arith.index_cast %swap3A_57 : i32 to index
    %swap3A_59 = arith.constant 0 : index
    %swap3A_60 = tpu.vector_load %arg19[%swap3A_58, %swap3A_59] {strides = array<i32>} : memref<80x16xf32, #tpu.memory_space<vmem>>, vector<1x16xf32>,
    %swap3A_61 = vector.shape_cast %swap3A_60 : vector<1x16xf32> to vector<16xf32>
    %swap3A_62 = vector.shape_cast %broadcast_in_dim3A_3 : vector<16xf32> to vector<1x16xf32>
    tpu.vector_store %arg19[%swap3A_58, %swap3A_59], %swap3A_62 {strides = array<i32>} : memref<80x16xf32, #tpu.memory_space<vmem>>, vector<1x16xf32>,
    %swap3A_63 = arith.constant 10 : i32
    %swap3A_64 = arith.index_cast %swap3A_63 : i32 to index
    %swap3A_65 = arith.constant 0 : index
    %swap3A_66 = tpu.vector_load %arg19[%swap3A_64, %swap3A_65] {strides = array<i32>} : memref<80x16xf32, #tpu.memory_space<vmem>>, vector<1x16xf32>,
    %swap3A_67 = vector.shape_cast %swap3A_66 : vector<1x16xf32> to vector<16xf32>
    %swap3A_68 = vector.shape_cast %broadcast_in_dim3A_3 : vector<16xf32> to vector<1x16xf32>
    tpu.vector_store %arg19[%swap3A_64, %swap3A_65], %swap3A_68 {strides = array<i32>} : memref<80x16xf32, #tpu.memory_space<vmem>>, vector<1x16xf32>,
    %swap3A_69 = arith.constant 11 : i32
    %swap3A_70 = arith.index_cast %swap3A_69 : i32 to index
    %swap3A_71 = arith.constant 0 : index
    %swap3A_72 = tpu.vector_load %arg19[%swap3A_70, %swap3A_71] {strides = array<i32>} : memref<80x16xf32, #tpu.memory_space<vmem>>, vector<1x16xf32>,
    %swap3A_73 = vector.shape_cast %swap3A_72 : vector<1x16xf32> to vector<16xf32>
    %swap3A_74 = vector.shape_cast %broadcast_in_dim3A_3 : vector<16xf32> to vector<1x16xf32>
    tpu.vector_store %arg19[%swap3A_70, %swap3A_71], %swap3A_74 {strides = array<i32>} : memref<80x16xf32, #tpu.memory_space<vmem>>, vector<1x16xf32>,
    %swap3A_75 = arith.constant 12 : i32
    %swap3A_76 = arith.index_cast %swap3A_75 : i32 to index
    %swap3A_77 = arith.constant 0 : index
    %swap3A_78 = tpu.vector_load %arg19[%swap3A_76, %swap3A_77] {strides = array<i32>} : memref<80x16xf32, #tpu.memory_space<vmem>>, vector<1x16xf32>,
    %swap3A_79 = vector.shape_cast %swap3A_78 : vector<1x16xf32> to vector<16xf32>
    %swap3A_80 = vector.shape_cast %broadcast_in_dim3A_3 : vector<16xf32> to vector<1x16xf32>
    tpu.vector_store %arg19[%swap3A_76, %swap3A_77], %swap3A_80 {strides = array<i32>} : memref<80x16xf32, #tpu.memory_space<vmem>>, vector<1x16xf32>,
    %swap3A_81 = arith.constant 13 : i32
    %swap3A_82 = arith.index_cast %swap3A_81 : i32 to index
    %swap3A_83 = arith.constant 0 : index
    %swap3A_84 = tpu.vector_load %arg19[%swap3A_82, %swap3A_83] {strides = array<i32>} : memref<80x16xf32, #tpu.memory_space<vmem>>, vector<1x16xf32>,
    %swap3A_85 = vector.shape_cast %swap3A_84 : vector<1x16xf32> to vector<16xf32>
    %swap3A_86 = vector.shape_cast %broadcast_in_dim3A_3 : vector<16xf32> to vector<1x16xf32>
    tpu.vector_store %arg19[%swap3A_82, %swap3A_83], %swap3A_86 {strides = array<i32>} : memref<80x16xf32, #tpu.memory_space<vmem>>, vector<1x16xf32>,
    %swap3A_87 = arith.constant 14 : i32
    %swap3A_88 = arith.index_cast %swap3A_87 : i32 to index
    %swap3A_89 = arith.constant 0 : index
    %swap3A_90 = tpu.vector_load %arg19[%swap3A_88, %swap3A_89] {strides = array<i32>} : memref<80x16xf32, #tpu.memory_space<vmem>>, vector<1x16xf32>,
    %swap3A_91 = vector.shape_cast %swap3A_90 : vector<1x16xf32> to vector<16xf32>
    %swap3A_92 = vector.shape_cast %broadcast_in_dim3A_3 : vector<16xf32> to vector<1x16xf32>
    tpu.vector_store %arg19[%swap3A_88, %swap3A_89], %swap3A_92 {strides = array<i32>} : memref<80x16xf32, #tpu.memory_space<vmem>>, vector<1x16xf32>,
    %swap3A_93 = arith.constant 15 : i32
    %swap3A_94 = arith.index_cast %swap3A_93 : i32 to index
    %swap3A_95 = arith.constant 0 : index
    %swap3A_96 = tpu.vector_load %arg19[%swap3A_94, %swap3A_95] {strides = array<i32>} : memref<80x16xf32, #tpu.memory_space<vmem>>, vector<1x16xf32>,
    %swap3A_97 = vector.shape_cast %swap3A_96 : vector<1x16xf32> to vector<16xf32>
    %swap3A_98 = vector.shape_cast %broadcast_in_dim3A_3 : vector<16xf32> to vector<1x16xf32>
    tpu.vector_store %arg19[%swap3A_94, %swap3A_95], %swap3A_98 {strides = array<i32>} : memref<80x16xf32, #tpu.memory_space<vmem>>, vector<1x16xf32>,
    %swap3A_99 = arith.constant 16 : i32
    %swap3A_100 = arith.index_cast %swap3A_99 : i32 to index
    %swap3A_101 = arith.constant 0 : index
    %swap3A_102 = tpu.vector_load %arg19[%swap3A_100, %swap3A_101] {strides = array<i32>} : memref<80x16xf32, #tpu.memory_space<vmem>>, vector<1x16xf32>,
    %swap3A_103 = vector.shape_cast %swap3A_102 : vector<1x16xf32> to vector<16xf32>
    %swap3A_104 = vector.shape_cast %broadcast_in_dim3A_3 : vector<16xf32> to vector<1x16xf32>
    tpu.vector_store %arg19[%swap3A_100, %swap3A_101], %swap3A_104 {strides = array<i32>} : memref<80x16xf32, #tpu.memory_space<vmem>>, vector<1x16xf32>,
    %swap3A_105 = arith.constant 17 : i32
    %swap3A_106 = arith.index_cast %swap3A_105 : i32 to index
    %swap3A_107 = arith.constant 0 : index
    %swap3A_108 = tpu.vector_load %arg19[%swap3A_106, %swap3A_107] {strides = array<i32>} : memref<80x16xf32, #tpu.memory_space<vmem>>, vector<1x16xf32>,
    %swap3A_109 = vector.shape_cast %swap3A_108 : vector<1x16xf32> to vector<16xf32>
    %swap3A_110 = vector.shape_cast %broadcast_in_dim3A_3 : vector<16xf32> to vector<1x16xf32>
    tpu.vector_store %arg19[%swap3A_106, %swap3A_107], %swap3A_110 {strides = array<i32>} : memref<80x16xf32, #tpu.memory_space<vmem>>, vector<1x16xf32>,
    %swap3A_111 = arith.constant 18 : i32
    %swap3A_112 = arith.index_cast %swap3A_111 : i32 to index
    %swap3A_113 = arith.constant 0 : index
    %swap3A_114 = tpu.vector_load %arg19[%swap3A_112, %swap3A_113] {strides = array<i32>} : memref<80x16xf32, #tpu.memory_space<vmem>>, vector<1x16xf32>,
    %swap3A_115 = vector.shape_cast %swap3A_114 : vector<1x16xf32> to vector<16xf32>
    %swap3A_116 = vector.shape_cast %broadcast_in_dim3A_3 : vector<16xf32> to vector<1x16xf32>
    tpu.vector_store %arg19[%swap3A_112, %swap3A_113], %swap3A_116 {strides = array<i32>} : memref<80x16xf32, #tpu.memory_space<vmem>>, vector<1x16xf32>,
    %swap3A_117 = arith.constant 19 : i32
    %swap3A_118 = arith.index_cast %swap3A_117 : i32 to index
    %swap3A_119 = arith.constant 0 : index
    %swap3A_120 = tpu.vector_load %arg19[%swap3A_118, %swap3A_119] {strides = array<i32>} : memref<80x16xf32, #tpu.memory_space<vmem>>, vector<1x16xf32>,
    %swap3A_121 = vector.shape_cast %swap3A_120 : vector<1x16xf32> to vector<16xf32>
    %swap3A_122 = vector.shape_cast %broadcast_in_dim3A_3 : vector<16xf32> to vector<1x16xf32>
    tpu.vector_store %arg19[%swap3A_118, %swap3A_119], %swap3A_122 {strides = array<i32>} : memref<80x16xf32, #tpu.memory_space<vmem>>, vector<1x16xf32>,
    %swap3A_123 = arith.constant 20 : i32
    %swap3A_124 = arith.index_cast %swap3A_123 : i32 to index
    %swap3A_125 = arith.constant 0 : index
    %swap3A_126 = tpu.vector_load %arg19[%swap3A_124, %swap3A_125] {strides = array<i32>} : memref<80x16xf32, #tpu.memory_space<vmem>>, vector<1x16xf32>,
    %swap3A_127 = vector.shape_cast %swap3A_126 : vector<1x16xf32> to vector<16xf32>
    %swap3A_128 = vector.shape_cast %broadcast_in_dim3A_3 : vector<16xf32> to vector<1x16xf32>
    tpu.vector_store %arg19[%swap3A_124, %swap3A_125], %swap3A_128 {strides = array<i32>} : memref<80x16xf32, #tpu.memory_space<vmem>>, vector<1x16xf32>,
    %swap3A_129 = arith.constant 21 : i32
    %swap3A_130 = arith.index_cast %swap3A_129 : i32 to index
    %swap3A_131 = arith.constant 0 : index
    %swap3A_132 = tpu.vector_load %arg19[%swap3A_130, %swap3A_131] {strides = array<i32>} : memref<80x16xf32, #tpu.memory_space<vmem>>, vector<1x16xf32>,
    %swap3A_133 = vector.shape_cast %swap3A_132 : vector<1x16xf32> to vector<16xf32>
    %swap3A_134 = vector.shape_cast %broadcast_in_dim3A_3 : vector<16xf32> to vector<1x16xf32>
    tpu.vector_store %arg19[%swap3A_130, %swap3A_131], %swap3A_134 {strides = array<i32>} : memref<80x16xf32, #tpu.memory_space<vmem>>, vector<1x16xf32>,
    %swap3A_135 = arith.constant 22 : i32
    %swap3A_136 = arith.index_cast %swap3A_135 : i32 to index
    %swap3A_137 = arith.constant 0 : index
    %swap3A_138 = tpu.vector_load %arg19[%swap3A_136, %swap3A_137] {strides = array<i32>} : memref<80x16xf32, #tpu.memory_space<vmem>>, vector<1x16xf32>,
    %swap3A_139 = vector.shape_cast %swap3A_138 : vector<1x16xf32> to vector<16xf32>
    %swap3A_140 = vector.shape_cast %broadcast_in_dim3A_3 : vector<16xf32> to vector<1x16xf32>
    tpu.vector_store %arg19[%swap3A_136, %swap3A_137], %swap3A_140 {strides = array<i32>} : memref<80x16xf32, #tpu.memory_space<vmem>>, vector<1x16xf32>,
    %swap3A_141 = arith.constant 23 : i32
    %swap3A_142 = arith.index_cast %swap3A_141 : i32 to index
    %swap3A_143 = arith.constant 0 : index
    %swap3A_144 = tpu.vector_load %arg19[%swap3A_142, %swap3A_143] {strides = array<i32>} : memref<80x16xf32, #tpu.memory_space<vmem>>, vector<1x16xf32>,
    %swap3A_145 = vector.shape_cast %swap3A_144 : vector<1x16xf32> to vector<16xf32>
    %swap3A_146 = vector.shape_cast %broadcast_in_dim3A_3 : vector<16xf32> to vector<1x16xf32>
    tpu.vector_store %arg19[%swap3A_142, %swap3A_143], %swap3A_146 {strides = array<i32>} : memref<80x16xf32, #tpu.memory_space<vmem>>, vector<1x16xf32>,
    %swap3A_147 = arith.constant 24 : i32
    %swap3A_148 = arith.index_cast %swap3A_147 : i32 to index
    %swap3A_149 = arith.constant 0 : index
    %swap3A_150 = tpu.vector_load %arg19[%swap3A_148, %swap3A_149] {strides = array<i32>} : memref<80x16xf32, #tpu.memory_space<vmem>>, vector<1x16xf32>,
    %swap3A_151 = vector.shape_cast %swap3A_150 : vector<1x16xf32> to vector<16xf32>
    %swap3A_152 = vector.shape_cast %broadcast_in_dim3A_3 : vector<16xf32> to vector<1x16xf32>
    tpu.vector_store %arg19[%swap3A_148, %swap3A_149], %swap3A_152 {strides = array<i32>} : memref<80x16xf32, #tpu.memory_space<vmem>>, vector<1x16xf32>,
    %swap3A_153 = arith.constant 25 : i32
    %swap3A_154 = arith.index_cast %swap3A_153 : i32 to index
    %swap3A_155 = arith.constant 0 : index
    %swap3A_156 = tpu.vector_load %arg19[%swap3A_154, %swap3A_155] {strides = array<i32>} : memref<80x16xf32, #tpu.memory_space<vmem>>, vector<1x16xf32>,
    %swap3A_157 = vector.shape_cast %swap3A_156 : vector<1x16xf32> to vector<16xf32>
    %swap3A_158 = vector.shape_cast %broadcast_in_dim3A_3 : vector<16xf32> to vector<1x16xf32>
    tpu.vector_store %arg19[%swap3A_154, %swap3A_155], %swap3A_158 {strides = array<i32>} : memref<80x16xf32, #tpu.memory_space<vmem>>, vector<1x16xf32>,
    %swap3A_159 = arith.constant 26 : i32
    %swap3A_160 = arith.index_cast %swap3A_159 : i32 to index
    %swap3A_161 = arith.constant 0 : index
    %swap3A_162 = tpu.vector_load %arg19[%swap3A_160, %swap3A_161] {strides = array<i32>} : memref<80x16xf32, #tpu.memory_space<vmem>>, vector<1x16xf32>,
    %swap3A_163 = vector.shape_cast %swap3A_162 : vector<1x16xf32> to vector<16xf32>
    %swap3A_164 = vector.shape_cast %broadcast_in_dim3A_3 : vector<16xf32> to vector<1x16xf32>
    tpu.vector_store %arg19[%swap3A_160, %swap3A_161], %swap3A_164 {strides = array<i32>} : memref<80x16xf32, #tpu.memory_space<vmem>>, vector<1x16xf32>,
    %swap3A_165 = arith.constant 27 : i32
    %swap3A_166 = arith.index_cast %swap3A_165 : i32 to index
    %swap3A_167 = arith.constant 0 : index
    %swap3A_168 = tpu.vector_load %arg19[%swap3A_166, %swap3A_167] {strides = array<i32>} : memref<80x16xf32, #tpu.memory_space<vmem>>, vector<1x16xf32>,
    %swap3A_169 = vector.shape_cast %swap3A_168 : vector<1x16xf32> to vector<16xf32>
    %swap3A_170 = vector.shape_cast %broadcast_in_dim3A_3 : vector<16xf32> to vector<1x16xf32>
    tpu.vector_store %arg19[%swap3A_166, %swap3A_167], %swap3A_170 {strides = array<i32>} : memref<80x16xf32, #tpu.memory_space<vmem>>, vector<1x16xf32>,
    %swap3A_171 = arith.constant 28 : i32
    %swap3A_172 = arith.index_cast %swap3A_171 : i32 to index
    %swap3A_173 = arith.constant 0 : index
    %swap3A_174 = tpu.vector_load %arg19[%swap3A_172, %swap3A_173] {strides = array<i32>} : memref<80x16xf32, #tpu.memory_space<vmem>>, vector<1x16xf32>,
    %swap3A_175 = vector.shape_cast %swap3A_174 : vector<1x16xf32> to vector<16xf32>
    %swap3A_176 = vector.shape_cast %broadcast_in_dim3A_3 : vector<16xf32> to vector<1x16xf32>
    tpu.vector_store %arg19[%swap3A_172, %swap3A_173], %swap3A_176 {strides = array<i32>} : memref<80x16xf32, #tpu.memory_space<vmem>>, vector<1x16xf32>,
    %swap3A_177 = arith.constant 29 : i32
    %swap3A_178 = arith.index_cast %swap3A_177 : i32 to index
    %swap3A_179 = arith.constant 0 : index
    %swap3A_180 = tpu.vector_load %arg19[%swap3A_178, %swap3A_179] {strides = array<i32>} : memref<80x16xf32, #tpu.memory_space<vmem>>, vector<1x16xf32>,
    %swap3A_181 = vector.shape_cast %swap3A_180 : vector<1x16xf32> to vector<16xf32>
    %swap3A_182 = vector.shape_cast %broadcast_in_dim3A_3 : vector<16xf32> to vector<1x16xf32>
    tpu.vector_store %arg19[%swap3A_178, %swap3A_179], %swap3A_182 {strides = array<i32>} : memref<80x16xf32, #tpu.memory_space<vmem>>, vector<1x16xf32>,
    %swap3A_183 = arith.constant 30 : i32
    %swap3A_184 = arith.index_cast %swap3A_183 : i32 to index
    %swap3A_185 = arith.constant 0 : index
    %swap3A_186 = tpu.vector_load %arg19[%swap3A_184, %swap3A_185] {strides = array<i32>} : memref<80x16xf32, #tpu.memory_space<vmem>>, vector<1x16xf32>,
    %swap3A_187 = vector.shape_cast %swap3A_186 : vector<1x16xf32> to vector<16xf32>
    %swap3A_188 = vector.shape_cast %broadcast_in_dim3A_3 : vector<16xf32> to vector<1x16xf32>
    tpu.vector_store %arg19[%swap3A_184, %swap3A_185], %swap3A_188 {strides = array<i32>} : memref<80x16xf32, #tpu.memory_space<vmem>>, vector<1x16xf32>,
    %swap3A_189 = arith.constant 31 : i32
    %swap3A_190 = arith.index_cast %swap3A_189 : i32 to index
    %swap3A_191 = arith.constant 0 : index
    %swap3A_192 = tpu.vector_load %arg19[%swap3A_190, %swap3A_191] {strides = array<i32>} : memref<80x16xf32, #tpu.memory_space<vmem>>, vector<1x16xf32>,
    %swap3A_193 = vector.shape_cast %swap3A_192 : vector<1x16xf32> to vector<16xf32>
    %swap3A_194 = vector.shape_cast %broadcast_in_dim3A_3 : vector<16xf32> to vector<1x16xf32>
    tpu.vector_store %arg19[%swap3A_190, %swap3A_191], %swap3A_194 {strides = array<i32>} : memref<80x16xf32, #tpu.memory_space<vmem>>, vector<1x16xf32>,
    %swap3A_195 = arith.constant 32 : i32
    %swap3A_196 = arith.index_cast %swap3A_195 : i32 to index
    %swap3A_197 = arith.constant 0 : index
    %swap3A_198 = tpu.vector_load %arg19[%swap3A_196, %swap3A_197] {strides = array<i32>} : memref<80x16xf32, #tpu.memory_space<vmem>>, vector<1x16xf32>,
    %swap3A_199 = vector.shape_cast %swap3A_198 : vector<1x16xf32> to vector<16xf32>
    %swap3A_200 = vector.shape_cast %broadcast_in_dim3A_3 : vector<16xf32> to vector<1x16xf32>
    tpu.vector_store %arg19[%swap3A_196, %swap3A_197], %swap3A_200 {strides = array<i32>} : memref<80x16xf32, #tpu.memory_space<vmem>>, vector<1x16xf32>,
    %swap3A_201 = arith.constant 33 : i32
    %swap3A_202 = arith.index_cast %swap3A_201 : i32 to index
    %swap3A_203 = arith.constant 0 : index
    %swap3A_204 = tpu.vector_load %arg19[%swap3A_202, %swap3A_203] {strides = array<i32>} : memref<80x16xf32, #tpu.memory_space<vmem>>, vector<1x16xf32>,
    %swap3A_205 = vector.shape_cast %swap3A_204 : vector<1x16xf32> to vector<16xf32>
    %swap3A_206 = vector.shape_cast %broadcast_in_dim3A_3 : vector<16xf32> to vector<1x16xf32>
    tpu.vector_store %arg19[%swap3A_202, %swap3A_203], %swap3A_206 {strides = array<i32>} : memref<80x16xf32, #tpu.memory_space<vmem>>, vector<1x16xf32>,
    %swap3A_207 = arith.constant 34 : i32
    %swap3A_208 = arith.index_cast %swap3A_207 : i32 to index
    %swap3A_209 = arith.constant 0 : index
    %swap3A_210 = tpu.vector_load %arg19[%swap3A_208, %swap3A_209] {strides = array<i32>} : memref<80x16xf32, #tpu.memory_space<vmem>>, vector<1x16xf32>,
    %swap3A_211 = vector.shape_cast %swap3A_210 : vector<1x16xf32> to vector<16xf32>
    %swap3A_212 = vector.shape_cast %broadcast_in_dim3A_3 : vector<16xf32> to vector<1x16xf32>
    tpu.vector_store %arg19[%swap3A_208, %swap3A_209], %swap3A_212 {strides = array<i32>} : memref<80x16xf32, #tpu.memory_space<vmem>>, vector<1x16xf32>,
    %swap3A_213 = arith.constant 35 : i32
    %swap3A_214 = arith.index_cast %swap3A_213 : i32 to index
    %swap3A_215 = arith.constant 0 : index
    %swap3A_216 = tpu.vector_load %arg19[%swap3A_214, %swap3A_215] {strides = array<i32>} : memref<80x16xf32, #tpu.memory_space<vmem>>, vector<1x16xf32>,
    %swap3A_217 = vector.shape_cast %swap3A_216 : vector<1x16xf32> to vector<16xf32>
    %swap3A_218 = vector.shape_cast %broadcast_in_dim3A_3 : vector<16xf32> to vector<1x16xf32>
    tpu.vector_store %arg19[%swap3A_214, %swap3A_215], %swap3A_218 {strides = array<i32>} : memref<80x16xf32, #tpu.memory_space<vmem>>, vector<1x16xf32>,
    %swap3A_219 = arith.constant 36 : i32
    %swap3A_220 = arith.index_cast %swap3A_219 : i32 to index
    %swap3A_221 = arith.constant 0 : index
    %swap3A_222 = tpu.vector_load %arg19[%swap3A_220, %swap3A_221] {strides = array<i32>} : memref<80x16xf32, #tpu.memory_space<vmem>>, vector<1x16xf32>,
    %swap3A_223 = vector.shape_cast %swap3A_222 : vector<1x16xf32> to vector<16xf32>
    %swap3A_224 = vector.shape_cast %broadcast_in_dim3A_3 : vector<16xf32> to vector<1x16xf32>
    tpu.vector_store %arg19[%swap3A_220, %swap3A_221], %swap3A_224 {strides = array<i32>} : memref<80x16xf32, #tpu.memory_space<vmem>>, vector<1x16xf32>,
    %swap3A_225 = arith.constant 37 : i32
    %swap3A_226 = arith.index_cast %swap3A_225 : i32 to index
    %swap3A_227 = arith.constant 0 : index
    %swap3A_228 = tpu.vector_load %arg19[%swap3A_226, %swap3A_227] {strides = array<i32>} : memref<80x16xf32, #tpu.memory_space<vmem>>, vector<1x16xf32>,
    %swap3A_229 = vector.shape_cast %swap3A_228 : vector<1x16xf32> to vector<16xf32>
    %swap3A_230 = vector.shape_cast %broadcast_in_dim3A_3 : vector<16xf32> to vector<1x16xf32>
    tpu.vector_store %arg19[%swap3A_226, %swap3A_227], %swap3A_230 {strides = array<i32>} : memref<80x16xf32, #tpu.memory_space<vmem>>, vector<1x16xf32>,
    %swap3A_231 = arith.constant 38 : i32
    %swap3A_232 = arith.index_cast %swap3A_231 : i32 to index
    %swap3A_233 = arith.constant 0 : index
    %swap3A_234 = tpu.vector_load %arg19[%swap3A_232, %swap3A_233] {strides = array<i32>} : memref<80x16xf32, #tpu.memory_space<vmem>>, vector<1x16xf32>,
    %swap3A_235 = vector.shape_cast %swap3A_234 : vector<1x16xf32> to vector<16xf32>
    %swap3A_236 = vector.shape_cast %broadcast_in_dim3A_3 : vector<16xf32> to vector<1x16xf32>
    tpu.vector_store %arg19[%swap3A_232, %swap3A_233], %swap3A_236 {strides = array<i32>} : memref<80x16xf32, #tpu.memory_space<vmem>>, vector<1x16xf32>,
    %swap3A_237 = arith.constant 39 : i32
    %swap3A_238 = arith.index_cast %swap3A_237 : i32 to index
    %swap3A_239 = arith.constant 0 : index
    %swap3A_240 = tpu.vector_load %arg19[%swap3A_238, %swap3A_239] {strides = array<i32>} : memref<80x16xf32, #tpu.memory_space<vmem>>, vector<1x16xf32>,
    %swap3A_241 = vector.shape_cast %swap3A_240 : vector<1x16xf32> to vector<16xf32>
    %swap3A_242 = vector.shape_cast %broadcast_in_dim3A_3 : vector<16xf32> to vector<1x16xf32>
    tpu.vector_store %arg19[%swap3A_238, %swap3A_239], %swap3A_242 {strides = array<i32>} : memref<80x16xf32, #tpu.memory_space<vmem>>, vector<1x16xf32>,
    %swap3A_243 = arith.constant 40 : i32
    %swap3A_244 = arith.index_cast %swap3A_243 : i32 to index
    %swap3A_245 = arith.constant 0 : index
    %swap3A_246 = tpu.vector_load %arg19[%swap3A_244, %swap3A_245] {strides = array<i32>} : memref<80x16xf32, #tpu.memory_space<vmem>>, vector<1x16xf32>,
    %swap3A_247 = vector.shape_cast %swap3A_246 : vector<1x16xf32> to vector<16xf32>
    %swap3A_248 = vector.shape_cast %broadcast_in_dim3A_3 : vector<16xf32> to vector<1x16xf32>
    tpu.vector_store %arg19[%swap3A_244, %swap3A_245], %swap3A_248 {strides = array<i32>} : memref<80x16xf32, #tpu.memory_space<vmem>>, vector<1x16xf32>,
    %swap3A_249 = arith.constant 41 : i32
    %swap3A_250 = arith.index_cast %swap3A_249 : i32 to index
    %swap3A_251 = arith.constant 0 : index
    %swap3A_252 = tpu.vector_load %arg19[%swap3A_250, %swap3A_251] {strides = array<i32>} : memref<80x16xf32, #tpu.memory_space<vmem>>, vector<1x16xf32>,
    %swap3A_253 = vector.shape_cast %swap3A_252 : vector<1x16xf32> to vector<16xf32>
    %swap3A_254 = vector.shape_cast %broadcast_in_dim3A_3 : vector<16xf32> to vector<1x16xf32>
    tpu.vector_store %arg19[%swap3A_250, %swap3A_251], %swap3A_254 {strides = array<i32>} : memref<80x16xf32, #tpu.memory_space<vmem>>, vector<1x16xf32>,
    %swap3A_255 = arith.constant 42 : i32
    %swap3A_256 = arith.index_cast %swap3A_255 : i32 to index
    %swap3A_257 = arith.constant 0 : index
    %swap3A_258 = tpu.vector_load %arg19[%swap3A_256, %swap3A_257] {strides = array<i32>} : memref<80x16xf32, #tpu.memory_space<vmem>>, vector<1x16xf32>,
    %swap3A_259 = vector.shape_cast %swap3A_258 : vector<1x16xf32> to vector<16xf32>
    %swap3A_260 = vector.shape_cast %broadcast_in_dim3A_3 : vector<16xf32> to vector<1x16xf32>
    tpu.vector_store %arg19[%swap3A_256, %swap3A_257], %swap3A_260 {strides = array<i32>} : memref<80x16xf32, #tpu.memory_space<vmem>>, vector<1x16xf32>,
    %swap3A_261 = arith.constant 43 : i32
    %swap3A_262 = arith.index_cast %swap3A_261 : i32 to index
    %swap3A_263 = arith.constant 0 : index
    %swap3A_264 = tpu.vector_load %arg19[%swap3A_262, %swap3A_263] {strides = array<i32>} : memref<80x16xf32, #tpu.memory_space<vmem>>, vector<1x16xf32>,
    %swap3A_265 = vector.shape_cast %swap3A_264 : vector<1x16xf32> to vector<16xf32>
    %swap3A_266 = vector.shape_cast %broadcast_in_dim3A_3 : vector<16xf32> to vector<1x16xf32>
    tpu.vector_store %arg19[%swap3A_262, %swap3A_263], %swap3A_266 {strides = array<i32>} : memref<80x16xf32, #tpu.memory_space<vmem>>, vector<1x16xf32>,
    %swap3A_267 = arith.constant 44 : i32
    %swap3A_268 = arith.index_cast %swap3A_267 : i32 to index
    %swap3A_269 = arith.constant 0 : index
    %swap3A_270 = tpu.vector_load %arg19[%swap3A_268, %swap3A_269] {strides = array<i32>} : memref<80x16xf32, #tpu.memory_space<vmem>>, vector<1x16xf32>,
    %swap3A_271 = vector.shape_cast %swap3A_270 : vector<1x16xf32> to vector<16xf32>
    %swap3A_272 = vector.shape_cast %broadcast_in_dim3A_3 : vector<16xf32> to vector<1x16xf32>
    tpu.vector_store %arg19[%swap3A_268, %swap3A_269], %swap3A_272 {strides = array<i32>} : memref<80x16xf32, #tpu.memory_space<vmem>>, vector<1x16xf32>,
    %swap3A_273 = arith.constant 45 : i32
    %swap3A_274 = arith.index_cast %swap3A_273 : i32 to index
    %swap3A_275 = arith.constant 0 : index
    %swap3A_276 = tpu.vector_load %arg19[%swap3A_274, %swap3A_275] {strides = array<i32>} : memref<80x16xf32, #tpu.memory_space<vmem>>, vector<1x16xf32>,
    %swap3A_277 = vector.shape_cast %swap3A_276 : vector<1x16xf32> to vector<16xf32>
    %swap3A_278 = vector.shape_cast %broadcast_in_dim3A_3 : vector<16xf32> to vector<1x16xf32>
    tpu.vector_store %arg19[%swap3A_274, %swap3A_275], %swap3A_278 {strides = array<i32>} : memref<80x16xf32, #tpu.memory_space<vmem>>, vector<1x16xf32>,
    %swap3A_279 = arith.constant 46 : i32
    %swap3A_280 = arith.index_cast %swap3A_279 : i32 to index
    %swap3A_281 = arith.constant 0 : index
    %swap3A_282 = tpu.vector_load %arg19[%swap3A_280, %swap3A_281] {strides = array<i32>} : memref<80x16xf32, #tpu.memory_space<vmem>>, vector<1x16xf32>,
    %swap3A_283 = vector.shape_cast %swap3A_282 : vector<1x16xf32> to vector<16xf32>
    %swap3A_284 = vector.shape_cast %broadcast_in_dim3A_3 : vector<16xf32> to vector<1x16xf32>
    tpu.vector_store %arg19[%swap3A_280, %swap3A_281], %swap3A_284 {strides = array<i32>} : memref<80x16xf32, #tpu.memory_space<vmem>>, vector<1x16xf32>,
    %swap3A_285 = arith.constant 47 : i32
    %swap3A_286 = arith.index_cast %swap3A_285 : i32 to index
    %swap3A_287 = arith.constant 0 : index
    %swap3A_288 = tpu.vector_load %arg19[%swap3A_286, %swap3A_287] {strides = array<i32>} : memref<80x16xf32, #tpu.memory_space<vmem>>, vector<1x16xf32>,
    %swap3A_289 = vector.shape_cast %swap3A_288 : vector<1x16xf32> to vector<16xf32>
    %swap3A_290 = vector.shape_cast %broadcast_in_dim3A_3 : vector<16xf32> to vector<1x16xf32>
    tpu.vector_store %arg19[%swap3A_286, %swap3A_287], %swap3A_290 {strides = array<i32>} : memref<80x16xf32, #tpu.memory_space<vmem>>, vector<1x16xf32>,
    %swap3A_291 = arith.constant 48 : i32
    %swap3A_292 = arith.index_cast %swap3A_291 : i32 to index
    %swap3A_293 = arith.constant 0 : index
    %swap3A_294 = tpu.vector_load %arg19[%swap3A_292, %swap3A_293] {strides = array<i32>} : memref<80x16xf32, #tpu.memory_space<vmem>>, vector<1x16xf32>,
    %swap3A_295 = vector.shape_cast %swap3A_294 : vector<1x16xf32> to vector<16xf32>
    %swap3A_296 = vector.shape_cast %broadcast_in_dim3A_3 : vector<16xf32> to vector<1x16xf32>
    tpu.vector_store %arg19[%swap3A_292, %swap3A_293], %swap3A_296 {strides = array<i32>} : memref<80x16xf32, #tpu.memory_space<vmem>>, vector<1x16xf32>,
    %swap3A_297 = arith.constant 49 : i32
    %swap3A_298 = arith.index_cast %swap3A_297 : i32 to index
    %swap3A_299 = arith.constant 0 : index
    %swap3A_300 = tpu.vector_load %arg19[%swap3A_298, %swap3A_299] {strides = array<i32>} : memref<80x16xf32, #tpu.memory_space<vmem>>, vector<1x16xf32>,
    %swap3A_301 = vector.shape_cast %swap3A_300 : vector<1x16xf32> to vector<16xf32>
    %swap3A_302 = vector.shape_cast %broadcast_in_dim3A_3 : vector<16xf32> to vector<1x16xf32>
    tpu.vector_store %arg19[%swap3A_298, %swap3A_299], %swap3A_302 {strides = array<i32>} : memref<80x16xf32, #tpu.memory_space<vmem>>, vector<1x16xf32>,
    %swap3A_303 = arith.constant 50 : i32
    %swap3A_304 = arith.index_cast %swap3A_303 : i32 to index
    %swap3A_305 = arith.constant 0 : index
    %swap3A_306 = tpu.vector_load %arg19[%swap3A_304, %swap3A_305] {strides = array<i32>} : memref<80x16xf32, #tpu.memory_space<vmem>>, vector<1x16xf32>,
    %swap3A_307 = vector.shape_cast %swap3A_306 : vector<1x16xf32> to vector<16xf32>
    %swap3A_308 = vector.shape_cast %broadcast_in_dim3A_3 : vector<16xf32> to vector<1x16xf32>
    tpu.vector_store %arg19[%swap3A_304, %swap3A_305], %swap3A_308 {strides = array<i32>} : memref<80x16xf32, #tpu.memory_space<vmem>>, vector<1x16xf32>,
    %swap3A_309 = arith.constant 51 : i32
    %swap3A_310 = arith.index_cast %swap3A_309 : i32 to index
    %swap3A_311 = arith.constant 0 : index
    %swap3A_312 = tpu.vector_load %arg19[%swap3A_310, %swap3A_311] {strides = array<i32>} : memref<80x16xf32, #tpu.memory_space<vmem>>, vector<1x16xf32>,
    %swap3A_313 = vector.shape_cast %swap3A_312 : vector<1x16xf32> to vector<16xf32>
    %swap3A_314 = vector.shape_cast %broadcast_in_dim3A_3 : vector<16xf32> to vector<1x16xf32>
    tpu.vector_store %arg19[%swap3A_310, %swap3A_311], %swap3A_314 {strides = array<i32>} : memref<80x16xf32, #tpu.memory_space<vmem>>, vector<1x16xf32>,
    %swap3A_315 = arith.constant 52 : i32
    %swap3A_316 = arith.index_cast %swap3A_315 : i32 to index
    %swap3A_317 = arith.constant 0 : index
    %swap3A_318 = tpu.vector_load %arg19[%swap3A_316, %swap3A_317] {strides = array<i32>} : memref<80x16xf32, #tpu.memory_space<vmem>>, vector<1x16xf32>,
    %swap3A_319 = vector.shape_cast %swap3A_318 : vector<1x16xf32> to vector<16xf32>
    %swap3A_320 = vector.shape_cast %broadcast_in_dim3A_3 : vector<16xf32> to vector<1x16xf32>
    tpu.vector_store %arg19[%swap3A_316, %swap3A_317], %swap3A_320 {strides = array<i32>} : memref<80x16xf32, #tpu.memory_space<vmem>>, vector<1x16xf32>,
    %swap3A_321 = arith.constant 53 : i32
    %swap3A_322 = arith.index_cast %swap3A_321 : i32 to index
    %swap3A_323 = arith.constant 0 : index
    %swap3A_324 = tpu.vector_load %arg19[%swap3A_322, %swap3A_323] {strides = array<i32>} : memref<80x16xf32, #tpu.memory_space<vmem>>, vector<1x16xf32>,
    %swap3A_325 = vector.shape_cast %swap3A_324 : vector<1x16xf32> to vector<16xf32>
    %swap3A_326 = vector.shape_cast %broadcast_in_dim3A_3 : vector<16xf32> to vector<1x16xf32>
    tpu.vector_store %arg19[%swap3A_322, %swap3A_323], %swap3A_326 {strides = array<i32>} : memref<80x16xf32, #tpu.memory_space<vmem>>, vector<1x16xf32>,
    %swap3A_327 = arith.constant 54 : i32
    %swap3A_328 = arith.index_cast %swap3A_327 : i32 to index
    %swap3A_329 = arith.constant 0 : index
    %swap3A_330 = tpu.vector_load %arg19[%swap3A_328, %swap3A_329] {strides = array<i32>} : memref<80x16xf32, #tpu.memory_space<vmem>>, vector<1x16xf32>,
    %swap3A_331 = vector.shape_cast %swap3A_330 : vector<1x16xf32> to vector<16xf32>
    %swap3A_332 = vector.shape_cast %broadcast_in_dim3A_3 : vector<16xf32> to vector<1x16xf32>
    tpu.vector_store %arg19[%swap3A_328, %swap3A_329], %swap3A_332 {strides = array<i32>} : memref<80x16xf32, #tpu.memory_space<vmem>>, vector<1x16xf32>,
    %swap3A_333 = arith.constant 55 : i32
    %swap3A_334 = arith.index_cast %swap3A_333 : i32 to index
    %swap3A_335 = arith.constant 0 : index
    %swap3A_336 = tpu.vector_load %arg19[%swap3A_334, %swap3A_335] {strides = array<i32>} : memref<80x16xf32, #tpu.memory_space<vmem>>, vector<1x16xf32>,
    %swap3A_337 = vector.shape_cast %swap3A_336 : vector<1x16xf32> to vector<16xf32>
    %swap3A_338 = vector.shape_cast %broadcast_in_dim3A_3 : vector<16xf32> to vector<1x16xf32>
    tpu.vector_store %arg19[%swap3A_334, %swap3A_335], %swap3A_338 {strides = array<i32>} : memref<80x16xf32, #tpu.memory_space<vmem>>, vector<1x16xf32>,
    %swap3A_339 = arith.constant 56 : i32
    %swap3A_340 = arith.index_cast %swap3A_339 : i32 to index
    %swap3A_341 = arith.constant 0 : index
    %swap3A_342 = tpu.vector_load %arg19[%swap3A_340, %swap3A_341] {strides = array<i32>} : memref<80x16xf32, #tpu.memory_space<vmem>>, vector<1x16xf32>,
    %swap3A_343 = vector.shape_cast %swap3A_342 : vector<1x16xf32> to vector<16xf32>
    %swap3A_344 = vector.shape_cast %broadcast_in_dim3A_3 : vector<16xf32> to vector<1x16xf32>
    tpu.vector_store %arg19[%swap3A_340, %swap3A_341], %swap3A_344 {strides = array<i32>} : memref<80x16xf32, #tpu.memory_space<vmem>>, vector<1x16xf32>,
    %swap3A_345 = arith.constant 57 : i32
    %swap3A_346 = arith.index_cast %swap3A_345 : i32 to index
    %swap3A_347 = arith.constant 0 : index
    %swap3A_348 = tpu.vector_load %arg19[%swap3A_346, %swap3A_347] {strides = array<i32>} : memref<80x16xf32, #tpu.memory_space<vmem>>, vector<1x16xf32>,
    %swap3A_349 = vector.shape_cast %swap3A_348 : vector<1x16xf32> to vector<16xf32>
    %swap3A_350 = vector.shape_cast %broadcast_in_dim3A_3 : vector<16xf32> to vector<1x16xf32>
    tpu.vector_store %arg19[%swap3A_346, %swap3A_347], %swap3A_350 {strides = array<i32>} : memref<80x16xf32, #tpu.memory_space<vmem>>, vector<1x16xf32>,
    %swap3A_351 = arith.constant 58 : i32
    %swap3A_352 = arith.index_cast %swap3A_351 : i32 to index
    %swap3A_353 = arith.constant 0 : index
    %swap3A_354 = tpu.vector_load %arg19[%swap3A_352, %swap3A_353] {strides = array<i32>} : memref<80x16xf32, #tpu.memory_space<vmem>>, vector<1x16xf32>,
    %swap3A_355 = vector.shape_cast %swap3A_354 : vector<1x16xf32> to vector<16xf32>
    %swap3A_356 = vector.shape_cast %broadcast_in_dim3A_3 : vector<16xf32> to vector<1x16xf32>
    tpu.vector_store %arg19[%swap3A_352, %swap3A_353], %swap3A_356 {strides = array<i32>} : memref<80x16xf32, #tpu.memory_space<vmem>>, vector<1x16xf32>,
    %swap3A_357 = arith.constant 59 : i32
    %swap3A_358 = arith.index_cast %swap3A_357 : i32 to index
    %swap3A_359 = arith.constant 0 : index
    %swap3A_360 = tpu.vector_load %arg19[%swap3A_358, %swap3A_359] {strides = array<i32>} : memref<80x16xf32, #tpu.memory_space<vmem>>, vector<1x16xf32>,
    %swap3A_361 = vector.shape_cast %swap3A_360 : vector<1x16xf32> to vector<16xf32>
    %swap3A_362 = vector.shape_cast %broadcast_in_dim3A_3 : vector<16xf32> to vector<1x16xf32>
    tpu.vector_store %arg19[%swap3A_358, %swap3A_359], %swap3A_362 {strides = array<i32>} : memref<80x16xf32, #tpu.memory_space<vmem>>, vector<1x16xf32>,
    %swap3A_363 = arith.constant 60 : i32
    %swap3A_364 = arith.index_cast %swap3A_363 : i32 to index
    %swap3A_365 = arith.constant 0 : index
    %swap3A_366 = tpu.vector_load %arg19[%swap3A_364, %swap3A_365] {strides = array<i32>} : memref<80x16xf32, #tpu.memory_space<vmem>>, vector<1x16xf32>,
    %swap3A_367 = vector.shape_cast %swap3A_366 : vector<1x16xf32> to vector<16xf32>
    %swap3A_368 = vector.shape_cast %broadcast_in_dim3A_3 : vector<16xf32> to vector<1x16xf32>
    tpu.vector_store %arg19[%swap3A_364, %swap3A_365], %swap3A_368 {strides = array<i32>} : memref<80x16xf32, #tpu.memory_space<vmem>>, vector<1x16xf32>,
    %swap3A_369 = arith.constant 61 : i32
    %swap3A_370 = arith.index_cast %swap3A_369 : i32 to index
    %swap3A_371 = arith.constant 0 : index
    %swap3A_372 = tpu.vector_load %arg19[%swap3A_370, %swap3A_371] {strides = array<i32>} : memref<80x16xf32, #tpu.memory_space<vmem>>, vector<1x16xf32>,
    %swap3A_373 = vector.shape_cast %swap3A_372 : vector<1x16xf32> to vector<16xf32>
    %swap3A_374 = vector.shape_cast %broadcast_in_dim3A_3 : vector<16xf32> to vector<1x16xf32>
    tpu.vector_store %arg19[%swap3A_370, %swap3A_371], %swap3A_374 {strides = array<i32>} : memref<80x16xf32, #tpu.memory_space<vmem>>, vector<1x16xf32>,
    %swap3A_375 = arith.constant 62 : i32
    %swap3A_376 = arith.index_cast %swap3A_375 : i32 to index
    %swap3A_377 = arith.constant 0 : index
    %swap3A_378 = tpu.vector_load %arg19[%swap3A_376, %swap3A_377] {strides = array<i32>} : memref<80x16xf32, #tpu.memory_space<vmem>>, vector<1x16xf32>,
    %swap3A_379 = vector.shape_cast %swap3A_378 : vector<1x16xf32> to vector<16xf32>
    %swap3A_380 = vector.shape_cast %broadcast_in_dim3A_3 : vector<16xf32> to vector<1x16xf32>
    tpu.vector_store %arg19[%swap3A_376, %swap3A_377], %swap3A_380 {strides = array<i32>} : memref<80x16xf32, #tpu.memory_space<vmem>>, vector<1x16xf32>,
    %swap3A_381 = arith.constant 63 : i32
    %swap3A_382 = arith.index_cast %swap3A_381 : i32 to index
    %swap3A_383 = arith.constant 0 : index
    %swap3A_384 = tpu.vector_load %arg19[%swap3A_382, %swap3A_383] {strides = array<i32>} : memref<80x16xf32, #tpu.memory_space<vmem>>, vector<1x16xf32>,
    %swap3A_385 = vector.shape_cast %swap3A_384 : vector<1x16xf32> to vector<16xf32>
    %swap3A_386 = vector.shape_cast %broadcast_in_dim3A_3 : vector<16xf32> to vector<1x16xf32>
    tpu.vector_store %arg19[%swap3A_382, %swap3A_383], %swap3A_386 {strides = array<i32>} : memref<80x16xf32, #tpu.memory_space<vmem>>, vector<1x16xf32>,
    %swap3A_387 = arith.constant 64 : i32
    %swap3A_388 = arith.index_cast %swap3A_387 : i32 to index
    %swap3A_389 = arith.constant 0 : index
    %swap3A_390 = tpu.vector_load %arg19[%swap3A_388, %swap3A_389] {strides = array<i32>} : memref<80x16xf32, #tpu.memory_space<vmem>>, vector<1x16xf32>,
    %swap3A_391 = vector.shape_cast %swap3A_390 : vector<1x16xf32> to vector<16xf32>
    %swap3A_392 = vector.shape_cast %broadcast_in_dim3A_3 : vector<16xf32> to vector<1x16xf32>
    tpu.vector_store %arg19[%swap3A_388, %swap3A_389], %swap3A_392 {strides = array<i32>} : memref<80x16xf32, #tpu.memory_space<vmem>>, vector<1x16xf32>,
    %swap3A_393 = arith.constant 65 : i32
    %swap3A_394 = arith.index_cast %swap3A_393 : i32 to index
    %swap3A_395 = arith.constant 0 : index
    %swap3A_396 = tpu.vector_load %arg19[%swap3A_394, %swap3A_395] {strides = array<i32>} : memref<80x16xf32, #tpu.memory_space<vmem>>, vector<1x16xf32>,
    %swap3A_397 = vector.shape_cast %swap3A_396 : vector<1x16xf32> to vector<16xf32>
    %swap3A_398 = vector.shape_cast %broadcast_in_dim3A_3 : vector<16xf32> to vector<1x16xf32>
    tpu.vector_store %arg19[%swap3A_394, %swap3A_395], %swap3A_398 {strides = array<i32>} : memref<80x16xf32, #tpu.memory_space<vmem>>, vector<1x16xf32>,
    %swap3A_399 = arith.constant 66 : i32
    %swap3A_400 = arith.index_cast %swap3A_399 : i32 to index
    %swap3A_401 = arith.constant 0 : index
    %swap3A_402 = tpu.vector_load %arg19[%swap3A_400, %swap3A_401] {strides = array<i32>} : memref<80x16xf32, #tpu.memory_space<vmem>>, vector<1x16xf32>,
    %swap3A_403 = vector.shape_cast %swap3A_402 : vector<1x16xf32> to vector<16xf32>
    %swap3A_404 = vector.shape_cast %broadcast_in_dim3A_3 : vector<16xf32> to vector<1x16xf32>
    tpu.vector_store %arg19[%swap3A_400, %swap3A_401], %swap3A_404 {strides = array<i32>} : memref<80x16xf32, #tpu.memory_space<vmem>>, vector<1x16xf32>,
    %swap3A_405 = arith.constant 67 : i32
    %swap3A_406 = arith.index_cast %swap3A_405 : i32 to index
    %swap3A_407 = arith.constant 0 : index
    %swap3A_408 = tpu.vector_load %arg19[%swap3A_406, %swap3A_407] {strides = array<i32>} : memref<80x16xf32, #tpu.memory_space<vmem>>, vector<1x16xf32>,
    %swap3A_409 = vector.shape_cast %swap3A_408 : vector<1x16xf32> to vector<16xf32>
    %swap3A_410 = vector.shape_cast %broadcast_in_dim3A_3 : vector<16xf32> to vector<1x16xf32>
    tpu.vector_store %arg19[%swap3A_406, %swap3A_407], %swap3A_410 {strides = array<i32>} : memref<80x16xf32, #tpu.memory_space<vmem>>, vector<1x16xf32>,
    %swap3A_411 = arith.constant 68 : i32
    %swap3A_412 = arith.index_cast %swap3A_411 : i32 to index
    %swap3A_413 = arith.constant 0 : index
    %swap3A_414 = tpu.vector_load %arg19[%swap3A_412, %swap3A_413] {strides = array<i32>} : memref<80x16xf32, #tpu.memory_space<vmem>>, vector<1x16xf32>,
    %swap3A_415 = vector.shape_cast %swap3A_414 : vector<1x16xf32> to vector<16xf32>
    %swap3A_416 = vector.shape_cast %broadcast_in_dim3A_3 : vector<16xf32> to vector<1x16xf32>
    tpu.vector_store %arg19[%swap3A_412, %swap3A_413], %swap3A_416 {strides = array<i32>} : memref<80x16xf32, #tpu.memory_space<vmem>>, vector<1x16xf32>,
    %swap3A_417 = arith.constant 69 : i32
    %swap3A_418 = arith.index_cast %swap3A_417 : i32 to index
    %swap3A_419 = arith.constant 0 : index
    %swap3A_420 = tpu.vector_load %arg19[%swap3A_418, %swap3A_419] {strides = array<i32>} : memref<80x16xf32, #tpu.memory_space<vmem>>, vector<1x16xf32>,
    %swap3A_421 = vector.shape_cast %swap3A_420 : vector<1x16xf32> to vector<16xf32>
    %swap3A_422 = vector.shape_cast %broadcast_in_dim3A_3 : vector<16xf32> to vector<1x16xf32>
    tpu.vector_store %arg19[%swap3A_418, %swap3A_419], %swap3A_422 {strides = array<i32>} : memref<80x16xf32, #tpu.memory_space<vmem>>, vector<1x16xf32>,
    %swap3A_423 = arith.constant 70 : i32
    %swap3A_424 = arith.index_cast %swap3A_423 : i32 to index
    %swap3A_425 = arith.constant 0 : index
    %swap3A_426 = tpu.vector_load %arg19[%swap3A_424, %swap3A_425] {strides = array<i32>} : memref<80x16xf32, #tpu.memory_space<vmem>>, vector<1x16xf32>,
    %swap3A_427 = vector.shape_cast %swap3A_426 : vector<1x16xf32> to vector<16xf32>
    %swap3A_428 = vector.shape_cast %broadcast_in_dim3A_3 : vector<16xf32> to vector<1x16xf32>
    tpu.vector_store %arg19[%swap3A_424, %swap3A_425], %swap3A_428 {strides = array<i32>} : memref<80x16xf32, #tpu.memory_space<vmem>>, vector<1x16xf32>,
    %swap3A_429 = arith.constant 71 : i32
    %swap3A_430 = arith.index_cast %swap3A_429 : i32 to index
    %swap3A_431 = arith.constant 0 : index
    %swap3A_432 = tpu.vector_load %arg19[%swap3A_430, %swap3A_431] {strides = array<i32>} : memref<80x16xf32, #tpu.memory_space<vmem>>, vector<1x16xf32>,
    %swap3A_433 = vector.shape_cast %swap3A_432 : vector<1x16xf32> to vector<16xf32>
    %swap3A_434 = vector.shape_cast %broadcast_in_dim3A_3 : vector<16xf32> to vector<1x16xf32>
    tpu.vector_store %arg19[%swap3A_430, %swap3A_431], %swap3A_434 {strides = array<i32>} : memref<80x16xf32, #tpu.memory_space<vmem>>, vector<1x16xf32>,
    %swap3A_435 = arith.constant 72 : i32
    %swap3A_436 = arith.index_cast %swap3A_435 : i32 to index
    %swap3A_437 = arith.constant 0 : index
    %swap3A_438 = tpu.vector_load %arg19[%swap3A_436, %swap3A_437] {strides = array<i32>} : memref<80x16xf32, #tpu.memory_space<vmem>>, vector<1x16xf32>,
    %swap3A_439 = vector.shape_cast %swap3A_438 : vector<1x16xf32> to vector<16xf32>
    %swap3A_440 = vector.shape_cast %broadcast_in_dim3A_3 : vector<16xf32> to vector<1x16xf32>
    tpu.vector_store %arg19[%swap3A_436, %swap3A_437], %swap3A_440 {strides = array<i32>} : memref<80x16xf32, #tpu.memory_space<vmem>>, vector<1x16xf32>,
    %swap3A_441 = arith.constant 73 : i32
    %swap3A_442 = arith.index_cast %swap3A_441 : i32 to index
    %swap3A_443 = arith.constant 0 : index
    %swap3A_444 = tpu.vector_load %arg19[%swap3A_442, %swap3A_443] {strides = array<i32>} : memref<80x16xf32, #tpu.memory_space<vmem>>, vector<1x16xf32>,
    %swap3A_445 = vector.shape_cast %swap3A_444 : vector<1x16xf32> to vector<16xf32>
    %swap3A_446 = vector.shape_cast %broadcast_in_dim3A_3 : vector<16xf32> to vector<1x16xf32>
    tpu.vector_store %arg19[%swap3A_442, %swap3A_443], %swap3A_446 {strides = array<i32>} : memref<80x16xf32, #tpu.memory_space<vmem>>, vector<1x16xf32>,
    %swap3A_447 = arith.constant 74 : i32
    %swap3A_448 = arith.index_cast %swap3A_447 : i32 to index
    %swap3A_449 = arith.constant 0 : index
    %swap3A_450 = tpu.vector_load %arg19[%swap3A_448, %swap3A_449] {strides = array<i32>} : memref<80x16xf32, #tpu.memory_space<vmem>>, vector<1x16xf32>,
    %swap3A_451 = vector.shape_cast %swap3A_450 : vector<1x16xf32> to vector<16xf32>
    %swap3A_452 = vector.shape_cast %broadcast_in_dim3A_3 : vector<16xf32> to vector<1x16xf32>
    tpu.vector_store %arg19[%swap3A_448, %swap3A_449], %swap3A_452 {strides = array<i32>} : memref<80x16xf32, #tpu.memory_space<vmem>>, vector<1x16xf32>,
    %swap3A_453 = arith.constant 75 : i32
    %swap3A_454 = arith.index_cast %swap3A_453 : i32 to index
    %swap3A_455 = arith.constant 0 : index
    %swap3A_456 = tpu.vector_load %arg19[%swap3A_454, %swap3A_455] {strides = array<i32>} : memref<80x16xf32, #tpu.memory_space<vmem>>, vector<1x16xf32>,
    %swap3A_457 = vector.shape_cast %swap3A_456 : vector<1x16xf32> to vector<16xf32>
    %swap3A_458 = vector.shape_cast %broadcast_in_dim3A_3 : vector<16xf32> to vector<1x16xf32>
    tpu.vector_store %arg19[%swap3A_454, %swap3A_455], %swap3A_458 {strides = array<i32>} : memref<80x16xf32, #tpu.memory_space<vmem>>, vector<1x16xf32>,
    %swap3A_459 = arith.constant 76 : i32
    %swap3A_460 = arith.index_cast %swap3A_459 : i32 to index
    %swap3A_461 = arith.constant 0 : index
    %swap3A_462 = tpu.vector_load %arg19[%swap3A_460, %swap3A_461] {strides = array<i32>} : memref<80x16xf32, #tpu.memory_space<vmem>>, vector<1x16xf32>,
    %swap3A_463 = vector.shape_cast %swap3A_462 : vector<1x16xf32> to vector<16xf32>
    %swap3A_464 = vector.shape_cast %broadcast_in_dim3A_3 : vector<16xf32> to vector<1x16xf32>
    tpu.vector_store %arg19[%swap3A_460, %swap3A_461], %swap3A_464 {strides = array<i32>} : memref<80x16xf32, #tpu.memory_space<vmem>>, vector<1x16xf32>,
    %swap3A_465 = arith.constant 77 : i32
    %swap3A_466 = arith.index_cast %swap3A_465 : i32 to index
    %swap3A_467 = arith.constant 0 : index
    %swap3A_468 = tpu.vector_load %arg19[%swap3A_466, %swap3A_467] {strides = array<i32>} : memref<80x16xf32, #tpu.memory_space<vmem>>, vector<1x16xf32>,
    %swap3A_469 = vector.shape_cast %swap3A_468 : vector<1x16xf32> to vector<16xf32>
    %swap3A_470 = vector.shape_cast %broadcast_in_dim3A_3 : vector<16xf32> to vector<1x16xf32>
    tpu.vector_store %arg19[%swap3A_466, %swap3A_467], %swap3A_470 {strides = array<i32>} : memref<80x16xf32, #tpu.memory_space<vmem>>, vector<1x16xf32>,
    %swap3A_471 = arith.constant 78 : i32
    %swap3A_472 = arith.index_cast %swap3A_471 : i32 to index
    %swap3A_473 = arith.constant 0 : index
    %swap3A_474 = tpu.vector_load %arg19[%swap3A_472, %swap3A_473] {strides = array<i32>} : memref<80x16xf32, #tpu.memory_space<vmem>>, vector<1x16xf32>,
    %swap3A_475 = vector.shape_cast %swap3A_474 : vector<1x16xf32> to vector<16xf32>
    %swap3A_476 = vector.shape_cast %broadcast_in_dim3A_3 : vector<16xf32> to vector<1x16xf32>
    tpu.vector_store %arg19[%swap3A_472, %swap3A_473], %swap3A_476 {strides = array<i32>} : memref<80x16xf32, #tpu.memory_space<vmem>>, vector<1x16xf32>,
    %swap3A_477 = arith.constant 79 : i32
    %swap3A_478 = arith.index_cast %swap3A_477 : i32 to index
    %swap3A_479 = arith.constant 0 : index
    %swap3A_480 = tpu.vector_load %arg19[%swap3A_478, %swap3A_479] {strides = array<i32>} : memref<80x16xf32, #tpu.memory_space<vmem>>, vector<1x16xf32>,
    %swap3A_481 = vector.shape_cast %swap3A_480 : vector<1x16xf32> to vector<16xf32>
    %swap3A_482 = vector.shape_cast %broadcast_in_dim3A_3 : vector<16xf32> to vector<1x16xf32>
    tpu.vector_store %arg19[%swap3A_478, %swap3A_479], %swap3A_482 {strides = array<i32>} : memref<80x16xf32, #tpu.memory_space<vmem>>, vector<1x16xf32>,
    "tpu.region"() ({
      %run_scoped3A = tpu.sem_alloc : memref<!tpu.dma_semaphore, #tpu.memory_space<semaphore_mem>>
      %dma_start3A_831 = arith.constant 0 : i32
      %dma_start3A_832 = tpu.memref_slice %arg7[%mul3A_2, %dma_start3A_831] : memref<2000x80xi32, #tpu.memory_space<hbm>> -> memref<125x80xi32, #tpu.memory_space<hbm>>
      %dma_start3A_833 = arith.constant 0 : i32
      %dma_start3A_834 = tpu.memref_slice %arg7[%mul3A_2, %dma_start3A_833] : memref<2000x80xi32, #tpu.memory_space<hbm>> -> memref<125x80xi32, #tpu.memory_space<hbm>>
      tpu.enqueue_dma source(%dma_start3A_834 : memref<125x80xi32, #tpu.memory_space<hbm>>) target(%arg16 : memref<125x80xi32, #tpu.memory_space<vmem>>) target_semaphore(%run_scoped3A : memref<!tpu.dma_semaphore, #tpu.memory_space<semaphore_mem>>)
      %dma_wait3A_835 = arith.constant 0 : i32
      %dma_wait3A_836 = tpu.memref_slice %arg7[%mul3A_2, %dma_wait3A_835] : memref<2000x80xi32, #tpu.memory_space<hbm>> -> memref<125x80xi32, #tpu.memory_space<hbm>>
      %dma_wait3A_837 = arith.constant 0 : i32
      %dma_wait3A_838 = tpu.memref_slice %arg7[%mul3A_2, %dma_wait3A_837] : memref<2000x80xi32, #tpu.memory_space<hbm>> -> memref<125x80xi32, #tpu.memory_space<hbm>>
      tpu.wait_dma2 semaphore(%run_scoped3A : memref<!tpu.dma_semaphore, #tpu.memory_space<semaphore_mem>>) src(%dma_wait3A_838 : memref<125x80xi32, #tpu.memory_space<hbm>>) dst(%arg16 : memref<125x80xi32, #tpu.memory_space<vmem>>)
      tpu.yield
    }) : () -> ()
    "tpu.region"() ({
      %run_scoped3A = tpu.sem_alloc : memref<!tpu.dma_semaphore, #tpu.memory_space<semaphore_mem>>
      tpu.enqueue_dma source(%arg9 : memref<640x16xf32, #tpu.memory_space<hbm>>) target(%arg20 : memref<640x16xf32, #tpu.memory_space<vmem>>) target_semaphore(%run_scoped3A : memref<!tpu.dma_semaphore, #tpu.memory_space<semaphore_mem>>)
      tpu.wait_dma2 semaphore(%run_scoped3A : memref<!tpu.dma_semaphore, #tpu.memory_space<semaphore_mem>>) src(%arg9 : memref<640x16xf32, #tpu.memory_space<hbm>>) dst(%arg20 : memref<640x16xf32, #tpu.memory_space<vmem>>)
      tpu.yield
    }) : () -> ()
    "tpu.region"() ({
      %run_scoped3A = tpu.sem_alloc : memref<!tpu.dma_semaphore, #tpu.memory_space<semaphore_mem>>
      %dma_start3A_831 = arith.constant 0 : i32
      %dma_start3A_832 = tpu.memref_slice %arg22[%mul3A_0, %dma_start3A_831] : memref<10240x16xf32, #tpu.memory_space<vmem_shared>> -> memref<640x16xf32, #tpu.memory_space<vmem_shared>>
      %dma_start3A_833 = arith.constant 0 : i32
      %dma_start3A_834 = tpu.memref_slice %arg22[%mul3A_0, %dma_start3A_833] : memref<10240x16xf32, #tpu.memory_space<vmem_shared>> -> memref<640x16xf32, #tpu.memory_space<vmem_shared>>
      tpu.enqueue_dma source(%arg20 : memref<640x16xf32, #tpu.memory_space<vmem>>) target(%dma_start3A_834 : memref<640x16xf32, #tpu.memory_space<vmem_shared>>) target_semaphore(%run_scoped3A : memref<!tpu.dma_semaphore, #tpu.memory_space<semaphore_mem>>)
      %dma_wait3A_835 = arith.constant 0 : i32
      %dma_wait3A_836 = tpu.memref_slice %arg22[%mul3A_0, %dma_wait3A_835] : memref<10240x16xf32, #tpu.memory_space<vmem_shared>> -> memref<640x16xf32, #tpu.memory_space<vmem_shared>>
      %dma_wait3A_837 = arith.constant 0 : i32
      %dma_wait3A_838 = tpu.memref_slice %arg22[%mul3A_0, %dma_wait3A_837] : memref<10240x16xf32, #tpu.memory_space<vmem_shared>> -> memref<640x16xf32, #tpu.memory_space<vmem_shared>>
      tpu.wait_dma2 semaphore(%run_scoped3A : memref<!tpu.dma_semaphore, #tpu.memory_space<semaphore_mem>>) src(%arg20 : memref<640x16xf32, #tpu.memory_space<vmem>>) dst(%dma_wait3A_838 : memref<640x16xf32, #tpu.memory_space<vmem_shared>>)
      tpu.yield
    }) : () -> ()
    %eq3A = arith.constant 0 : i32
    %eq3A_483 = arith.cmpi eq, %arg0, %eq3A : i32
    %convert_element_type3A = arith.extui %eq3A_483 : i1 to i32
    %cond3A = arith.constant 0 : i32
    %cond3A_484 = arith.cmpi ne, %convert_element_type3A, %cond3A : i32
    scf.if %cond3A_484 {
      "tpu.region"() ({
        %run_scoped3A = tpu.sem_alloc : memref<!tpu.dma_semaphore, #tpu.memory_space<semaphore_mem>>
        %dma_start3A_831 = arith.constant 0 : i32
        %dma_start3A_832 = tpu.memref_slice %arg3[%mul3A_2, %dma_start3A_831] : memref<2000x80xi32, #tpu.memory_space<hbm>> -> memref<125x80xi32, #tpu.memory_space<hbm>>
        %dma_start3A_833 = arith.constant 0 : i32
        %dma_start3A_834 = tpu.memref_slice %arg3[%mul3A_2, %dma_start3A_833] : memref<2000x80xi32, #tpu.memory_space<hbm>> -> memref<125x80xi32, #tpu.memory_space<hbm>>
        tpu.enqueue_dma source(%dma_start3A_834 : memref<125x80xi32, #tpu.memory_space<hbm>>) target(%arg15 : memref<125x80xi32, #tpu.memory_space<vmem>>) target_semaphore(%run_scoped3A : memref<!tpu.dma_semaphore, #tpu.memory_space<semaphore_mem>>)
        %dma_wait3A_835 = arith.constant 0 : i32
        %dma_wait3A_836 = tpu.memref_slice %arg3[%mul3A_2, %dma_wait3A_835] : memref<2000x80xi32, #tpu.memory_space<hbm>> -> memref<125x80xi32, #tpu.memory_space<hbm>>
        %dma_wait3A_837 = arith.constant 0 : i32
        %dma_wait3A_838 = tpu.memref_slice %arg3[%mul3A_2, %dma_wait3A_837] : memref<2000x80xi32, #tpu.memory_space<hbm>> -> memref<125x80xi32, #tpu.memory_space<hbm>>
        tpu.wait_dma2 semaphore(%run_scoped3A : memref<!tpu.dma_semaphore, #tpu.memory_space<semaphore_mem>>) src(%dma_wait3A_838 : memref<125x80xi32, #tpu.memory_space<hbm>>) dst(%arg15 : memref<125x80xi32, #tpu.memory_space<vmem>>)
        tpu.yield
      }) : () -> ()
    } else {
    }
    %eq3A_485 = arith.constant 1 : i32
    %eq3A_486 = arith.cmpi eq, %arg0, %eq3A_485 : i32
    %convert_element_type3A_487 = arith.extui %eq3A_486 : i1 to i32
    %cond3A_488 = arith.constant 0 : i32
    %cond3A_489 = arith.cmpi ne, %convert_element_type3A_487, %cond3A_488 : i32
    scf.if %cond3A_489 {
      "tpu.region"() ({
        %run_scoped3A = tpu.sem_alloc : memref<!tpu.dma_semaphore, #tpu.memory_space<semaphore_mem>>
        %dma_start3A_831 = arith.constant 0 : i32
        %dma_start3A_832 = tpu.memref_slice %arg5[%mul3A_2, %dma_start3A_831] : memref<2000x80xi32, #tpu.memory_space<hbm>> -> memref<125x80xi32, #tpu.memory_space<hbm>>
        %dma_start3A_833 = arith.constant 0 : i32
        %dma_start3A_834 = tpu.memref_slice %arg5[%mul3A_2, %dma_start3A_833] : memref<2000x80xi32, #tpu.memory_space<hbm>> -> memref<125x80xi32, #tpu.memory_space<hbm>>
        tpu.enqueue_dma source(%dma_start3A_834 : memref<125x80xi32, #tpu.memory_space<hbm>>) target(%arg15 : memref<125x80xi32, #tpu.memory_space<vmem>>) target_semaphore(%run_scoped3A : memref<!tpu.dma_semaphore, #tpu.memory_space<semaphore_mem>>)
        %dma_wait3A_835 = arith.constant 0 : i32
        %dma_wait3A_836 = tpu.memref_slice %arg5[%mul3A_2, %dma_wait3A_835] : memref<2000x80xi32, #tpu.memory_space<hbm>> -> memref<125x80xi32, #tpu.memory_space<hbm>>
        %dma_wait3A_837 = arith.constant 0 : i32
        %dma_wait3A_838 = tpu.memref_slice %arg5[%mul3A_2, %dma_wait3A_837] : memref<2000x80xi32, #tpu.memory_space<hbm>> -> memref<125x80xi32, #tpu.memory_space<hbm>>
        tpu.wait_dma2 semaphore(%run_scoped3A : memref<!tpu.dma_semaphore, #tpu.memory_space<semaphore_mem>>) src(%dma_wait3A_838 : memref<125x80xi32, #tpu.memory_space<hbm>>) dst(%arg15 : memref<125x80xi32, #tpu.memory_space<vmem>>)
        tpu.yield
      }) : () -> ()
    } else {
    }
    "tpu.region"() ({
      %run_scoped3A = tpu.sem_alloc : memref<!tpu.dma_semaphore, #tpu.memory_space<semaphore_mem>>
      tpu.enqueue_dma source(%arg8 : memref<80x64xf32, #tpu.memory_space<hbm>>) target(%arg17 : memref<80x64xf32, #tpu.memory_space<vmem>>) target_semaphore(%run_scoped3A : memref<!tpu.dma_semaphore, #tpu.memory_space<semaphore_mem>>)
      tpu.wait_dma2 semaphore(%run_scoped3A : memref<!tpu.dma_semaphore, #tpu.memory_space<semaphore_mem>>) src(%arg8 : memref<80x64xf32, #tpu.memory_space<hbm>>) dst(%arg17 : memref<80x64xf32, #tpu.memory_space<vmem>>)
      tpu.yield
    }) : () -> ()
    %add3A = arith.constant 0 : i32
    %add3A_490 = arith.addi %mul3A_0, %add3A : i32
    "tpu.region"() ({
      %run_scoped3A = tpu.sem_alloc : memref<!tpu.dma_semaphore, #tpu.memory_space<semaphore_mem>>
      %dma_start3A_831 = arith.constant 0 : i32
      %dma_start3A_832 = tpu.memref_slice %arg21[%add3A_490, %dma_start3A_831] : memref<10240x64xf32, #tpu.memory_space<vmem_shared>> -> memref<80x64xf32, #tpu.memory_space<vmem_shared>>
      %dma_start3A_833 = arith.constant 0 : i32
      %dma_start3A_834 = tpu.memref_slice %arg21[%add3A_490, %dma_start3A_833] : memref<10240x64xf32, #tpu.memory_space<vmem_shared>> -> memref<80x64xf32, #tpu.memory_space<vmem_shared>>
      tpu.enqueue_dma source(%arg17 : memref<80x64xf32, #tpu.memory_space<vmem>>) target(%dma_start3A_834 : memref<80x64xf32, #tpu.memory_space<vmem_shared>>) target_semaphore(%run_scoped3A : memref<!tpu.dma_semaphore, #tpu.memory_space<semaphore_mem>>)
      %dma_wait3A_835 = arith.constant 0 : i32
      %dma_wait3A_836 = tpu.memref_slice %arg21[%add3A_490, %dma_wait3A_835] : memref<10240x64xf32, #tpu.memory_space<vmem_shared>> -> memref<80x64xf32, #tpu.memory_space<vmem_shared>>
      %dma_wait3A_837 = arith.constant 0 : i32
      %dma_wait3A_838 = tpu.memref_slice %arg21[%add3A_490, %dma_wait3A_837] : memref<10240x64xf32, #tpu.memory_space<vmem_shared>> -> memref<80x64xf32, #tpu.memory_space<vmem_shared>>
      tpu.wait_dma2 semaphore(%run_scoped3A : memref<!tpu.dma_semaphore, #tpu.memory_space<semaphore_mem>>) src(%arg17 : memref<80x64xf32, #tpu.memory_space<vmem>>) dst(%dma_wait3A_838 : memref<80x64xf32, #tpu.memory_space<vmem_shared>>)
      tpu.yield
    }) : () -> ()
    %add3A_491 = arith.constant 80 : i32
    %add3A_492 = arith.addi %mul3A_0, %add3A_491 : i32
    "tpu.region"() ({
      %run_scoped3A = tpu.sem_alloc : memref<!tpu.dma_semaphore, #tpu.memory_space<semaphore_mem>>
      %dma_start3A_831 = arith.constant 0 : i32
      %dma_start3A_832 = tpu.memref_slice %arg21[%add3A_492, %dma_start3A_831] : memref<10240x64xf32, #tpu.memory_space<vmem_shared>> -> memref<80x64xf32, #tpu.memory_space<vmem_shared>>
      %dma_start3A_833 = arith.constant 0 : i32
      %dma_start3A_834 = tpu.memref_slice %arg21[%add3A_492, %dma_start3A_833] : memref<10240x64xf32, #tpu.memory_space<vmem_shared>> -> memref<80x64xf32, #tpu.memory_space<vmem_shared>>
      tpu.enqueue_dma source(%arg17 : memref<80x64xf32, #tpu.memory_space<vmem>>) target(%dma_start3A_834 : memref<80x64xf32, #tpu.memory_space<vmem_shared>>) target_semaphore(%run_scoped3A : memref<!tpu.dma_semaphore, #tpu.memory_space<semaphore_mem>>)
      %dma_wait3A_835 = arith.constant 0 : i32
      %dma_wait3A_836 = tpu.memref_slice %arg21[%add3A_492, %dma_wait3A_835] : memref<10240x64xf32, #tpu.memory_space<vmem_shared>> -> memref<80x64xf32, #tpu.memory_space<vmem_shared>>
      %dma_wait3A_837 = arith.constant 0 : i32
      %dma_wait3A_838 = tpu.memref_slice %arg21[%add3A_492, %dma_wait3A_837] : memref<10240x64xf32, #tpu.memory_space<vmem_shared>> -> memref<80x64xf32, #tpu.memory_space<vmem_shared>>
      tpu.wait_dma2 semaphore(%run_scoped3A : memref<!tpu.dma_semaphore, #tpu.memory_space<semaphore_mem>>) src(%arg17 : memref<80x64xf32, #tpu.memory_space<vmem>>) dst(%dma_wait3A_838 : memref<80x64xf32, #tpu.memory_space<vmem_shared>>)
      tpu.yield
    }) : () -> ()
    %add3A_493 = arith.constant 160 : i32
    %add3A_494 = arith.addi %mul3A_0, %add3A_493 : i32
    "tpu.region"() ({
      %run_scoped3A = tpu.sem_alloc : memref<!tpu.dma_semaphore, #tpu.memory_space<semaphore_mem>>
      %dma_start3A_831 = arith.constant 0 : i32
      %dma_start3A_832 = tpu.memref_slice %arg21[%add3A_494, %dma_start3A_831] : memref<10240x64xf32, #tpu.memory_space<vmem_shared>> -> memref<80x64xf32, #tpu.memory_space<vmem_shared>>
      %dma_start3A_833 = arith.constant 0 : i32
      %dma_start3A_834 = tpu.memref_slice %arg21[%add3A_494, %dma_start3A_833] : memref<10240x64xf32, #tpu.memory_space<vmem_shared>> -> memref<80x64xf32, #tpu.memory_space<vmem_shared>>
      tpu.enqueue_dma source(%arg17 : memref<80x64xf32, #tpu.memory_space<vmem>>) target(%dma_start3A_834 : memref<80x64xf32, #tpu.memory_space<vmem_shared>>) target_semaphore(%run_scoped3A : memref<!tpu.dma_semaphore, #tpu.memory_space<semaphore_mem>>)
      %dma_wait3A_835 = arith.constant 0 : i32
      %dma_wait3A_836 = tpu.memref_slice %arg21[%add3A_494, %dma_wait3A_835] : memref<10240x64xf32, #tpu.memory_space<vmem_shared>> -> memref<80x64xf32, #tpu.memory_space<vmem_shared>>
      %dma_wait3A_837 = arith.constant 0 : i32
      %dma_wait3A_838 = tpu.memref_slice %arg21[%add3A_494, %dma_wait3A_837] : memref<10240x64xf32, #tpu.memory_space<vmem_shared>> -> memref<80x64xf32, #tpu.memory_space<vmem_shared>>
      tpu.wait_dma2 semaphore(%run_scoped3A : memref<!tpu.dma_semaphore, #tpu.memory_space<semaphore_mem>>) src(%arg17 : memref<80x64xf32, #tpu.memory_space<vmem>>) dst(%dma_wait3A_838 : memref<80x64xf32, #tpu.memory_space<vmem_shared>>)
      tpu.yield
    }) : () -> ()
    %add3A_495 = arith.constant 240 : i32
    %add3A_496 = arith.addi %mul3A_0, %add3A_495 : i32
    "tpu.region"() ({
      %run_scoped3A = tpu.sem_alloc : memref<!tpu.dma_semaphore, #tpu.memory_space<semaphore_mem>>
      %dma_start3A_831 = arith.constant 0 : i32
      %dma_start3A_832 = tpu.memref_slice %arg21[%add3A_496, %dma_start3A_831] : memref<10240x64xf32, #tpu.memory_space<vmem_shared>> -> memref<80x64xf32, #tpu.memory_space<vmem_shared>>
      %dma_start3A_833 = arith.constant 0 : i32
      %dma_start3A_834 = tpu.memref_slice %arg21[%add3A_496, %dma_start3A_833] : memref<10240x64xf32, #tpu.memory_space<vmem_shared>> -> memref<80x64xf32, #tpu.memory_space<vmem_shared>>
      tpu.enqueue_dma source(%arg17 : memref<80x64xf32, #tpu.memory_space<vmem>>) target(%dma_start3A_834 : memref<80x64xf32, #tpu.memory_space<vmem_shared>>) target_semaphore(%run_scoped3A : memref<!tpu.dma_semaphore, #tpu.memory_space<semaphore_mem>>)
      %dma_wait3A_835 = arith.constant 0 : i32
      %dma_wait3A_836 = tpu.memref_slice %arg21[%add3A_496, %dma_wait3A_835] : memref<10240x64xf32, #tpu.memory_space<vmem_shared>> -> memref<80x64xf32, #tpu.memory_space<vmem_shared>>
      %dma_wait3A_837 = arith.constant 0 : i32
      %dma_wait3A_838 = tpu.memref_slice %arg21[%add3A_496, %dma_wait3A_837] : memref<10240x64xf32, #tpu.memory_space<vmem_shared>> -> memref<80x64xf32, #tpu.memory_space<vmem_shared>>
      tpu.wait_dma2 semaphore(%run_scoped3A : memref<!tpu.dma_semaphore, #tpu.memory_space<semaphore_mem>>) src(%arg17 : memref<80x64xf32, #tpu.memory_space<vmem>>) dst(%dma_wait3A_838 : memref<80x64xf32, #tpu.memory_space<vmem_shared>>)
      tpu.yield
    }) : () -> ()
    %add3A_497 = arith.constant 320 : i32
    %add3A_498 = arith.addi %mul3A_0, %add3A_497 : i32
    "tpu.region"() ({
      %run_scoped3A = tpu.sem_alloc : memref<!tpu.dma_semaphore, #tpu.memory_space<semaphore_mem>>
      %dma_start3A_831 = arith.constant 0 : i32
      %dma_start3A_832 = tpu.memref_slice %arg21[%add3A_498, %dma_start3A_831] : memref<10240x64xf32, #tpu.memory_space<vmem_shared>> -> memref<80x64xf32, #tpu.memory_space<vmem_shared>>
      %dma_start3A_833 = arith.constant 0 : i32
      %dma_start3A_834 = tpu.memref_slice %arg21[%add3A_498, %dma_start3A_833] : memref<10240x64xf32, #tpu.memory_space<vmem_shared>> -> memref<80x64xf32, #tpu.memory_space<vmem_shared>>
      tpu.enqueue_dma source(%arg17 : memref<80x64xf32, #tpu.memory_space<vmem>>) target(%dma_start3A_834 : memref<80x64xf32, #tpu.memory_space<vmem_shared>>) target_semaphore(%run_scoped3A : memref<!tpu.dma_semaphore, #tpu.memory_space<semaphore_mem>>)
      %dma_wait3A_835 = arith.constant 0 : i32
      %dma_wait3A_836 = tpu.memref_slice %arg21[%add3A_498, %dma_wait3A_835] : memref<10240x64xf32, #tpu.memory_space<vmem_shared>> -> memref<80x64xf32, #tpu.memory_space<vmem_shared>>
      %dma_wait3A_837 = arith.constant 0 : i32
      %dma_wait3A_838 = tpu.memref_slice %arg21[%add3A_498, %dma_wait3A_837] : memref<10240x64xf32, #tpu.memory_space<vmem_shared>> -> memref<80x64xf32, #tpu.memory_space<vmem_shared>>
      tpu.wait_dma2 semaphore(%run_scoped3A : memref<!tpu.dma_semaphore, #tpu.memory_space<semaphore_mem>>) src(%arg17 : memref<80x64xf32, #tpu.memory_space<vmem>>) dst(%dma_wait3A_838 : memref<80x64xf32, #tpu.memory_space<vmem_shared>>)
      tpu.yield
    }) : () -> ()
    %add3A_499 = arith.constant 400 : i32
    %add3A_500 = arith.addi %mul3A_0, %add3A_499 : i32
    "tpu.region"() ({
      %run_scoped3A = tpu.sem_alloc : memref<!tpu.dma_semaphore, #tpu.memory_space<semaphore_mem>>
      %dma_start3A_831 = arith.constant 0 : i32
      %dma_start3A_832 = tpu.memref_slice %arg21[%add3A_500, %dma_start3A_831] : memref<10240x64xf32, #tpu.memory_space<vmem_shared>> -> memref<80x64xf32, #tpu.memory_space<vmem_shared>>
      %dma_start3A_833 = arith.constant 0 : i32
      %dma_start3A_834 = tpu.memref_slice %arg21[%add3A_500, %dma_start3A_833] : memref<10240x64xf32, #tpu.memory_space<vmem_shared>> -> memref<80x64xf32, #tpu.memory_space<vmem_shared>>
      tpu.enqueue_dma source(%arg17 : memref<80x64xf32, #tpu.memory_space<vmem>>) target(%dma_start3A_834 : memref<80x64xf32, #tpu.memory_space<vmem_shared>>) target_semaphore(%run_scoped3A : memref<!tpu.dma_semaphore, #tpu.memory_space<semaphore_mem>>)
      %dma_wait3A_835 = arith.constant 0 : i32
      %dma_wait3A_836 = tpu.memref_slice %arg21[%add3A_500, %dma_wait3A_835] : memref<10240x64xf32, #tpu.memory_space<vmem_shared>> -> memref<80x64xf32, #tpu.memory_space<vmem_shared>>
      %dma_wait3A_837 = arith.constant 0 : i32
      %dma_wait3A_838 = tpu.memref_slice %arg21[%add3A_500, %dma_wait3A_837] : memref<10240x64xf32, #tpu.memory_space<vmem_shared>> -> memref<80x64xf32, #tpu.memory_space<vmem_shared>>
      tpu.wait_dma2 semaphore(%run_scoped3A : memref<!tpu.dma_semaphore, #tpu.memory_space<semaphore_mem>>) src(%arg17 : memref<80x64xf32, #tpu.memory_space<vmem>>) dst(%dma_wait3A_838 : memref<80x64xf32, #tpu.memory_space<vmem_shared>>)
      tpu.yield
    }) : () -> ()
    %add3A_501 = arith.constant 480 : i32
    %add3A_502 = arith.addi %mul3A_0, %add3A_501 : i32
    "tpu.region"() ({
      %run_scoped3A = tpu.sem_alloc : memref<!tpu.dma_semaphore, #tpu.memory_space<semaphore_mem>>
      %dma_start3A_831 = arith.constant 0 : i32
      %dma_start3A_832 = tpu.memref_slice %arg21[%add3A_502, %dma_start3A_831] : memref<10240x64xf32, #tpu.memory_space<vmem_shared>> -> memref<80x64xf32, #tpu.memory_space<vmem_shared>>
      %dma_start3A_833 = arith.constant 0 : i32
      %dma_start3A_834 = tpu.memref_slice %arg21[%add3A_502, %dma_start3A_833] : memref<10240x64xf32, #tpu.memory_space<vmem_shared>> -> memref<80x64xf32, #tpu.memory_space<vmem_shared>>
      tpu.enqueue_dma source(%arg17 : memref<80x64xf32, #tpu.memory_space<vmem>>) target(%dma_start3A_834 : memref<80x64xf32, #tpu.memory_space<vmem_shared>>) target_semaphore(%run_scoped3A : memref<!tpu.dma_semaphore, #tpu.memory_space<semaphore_mem>>)
      %dma_wait3A_835 = arith.constant 0 : i32
      %dma_wait3A_836 = tpu.memref_slice %arg21[%add3A_502, %dma_wait3A_835] : memref<10240x64xf32, #tpu.memory_space<vmem_shared>> -> memref<80x64xf32, #tpu.memory_space<vmem_shared>>
      %dma_wait3A_837 = arith.constant 0 : i32
      %dma_wait3A_838 = tpu.memref_slice %arg21[%add3A_502, %dma_wait3A_837] : memref<10240x64xf32, #tpu.memory_space<vmem_shared>> -> memref<80x64xf32, #tpu.memory_space<vmem_shared>>
      tpu.wait_dma2 semaphore(%run_scoped3A : memref<!tpu.dma_semaphore, #tpu.memory_space<semaphore_mem>>) src(%arg17 : memref<80x64xf32, #tpu.memory_space<vmem>>) dst(%dma_wait3A_838 : memref<80x64xf32, #tpu.memory_space<vmem_shared>>)
      tpu.yield
    }) : () -> ()
    %add3A_503 = arith.constant 560 : i32
    %add3A_504 = arith.addi %mul3A_0, %add3A_503 : i32
    "tpu.region"() ({
      %run_scoped3A = tpu.sem_alloc : memref<!tpu.dma_semaphore, #tpu.memory_space<semaphore_mem>>
      %dma_start3A_831 = arith.constant 0 : i32
      %dma_start3A_832 = tpu.memref_slice %arg21[%add3A_504, %dma_start3A_831] : memref<10240x64xf32, #tpu.memory_space<vmem_shared>> -> memref<80x64xf32, #tpu.memory_space<vmem_shared>>
      %dma_start3A_833 = arith.constant 0 : i32
      %dma_start3A_834 = tpu.memref_slice %arg21[%add3A_504, %dma_start3A_833] : memref<10240x64xf32, #tpu.memory_space<vmem_shared>> -> memref<80x64xf32, #tpu.memory_space<vmem_shared>>
      tpu.enqueue_dma source(%arg17 : memref<80x64xf32, #tpu.memory_space<vmem>>) target(%dma_start3A_834 : memref<80x64xf32, #tpu.memory_space<vmem_shared>>) target_semaphore(%run_scoped3A : memref<!tpu.dma_semaphore, #tpu.memory_space<semaphore_mem>>)
      %dma_wait3A_835 = arith.constant 0 : i32
      %dma_wait3A_836 = tpu.memref_slice %arg21[%add3A_504, %dma_wait3A_835] : memref<10240x64xf32, #tpu.memory_space<vmem_shared>> -> memref<80x64xf32, #tpu.memory_space<vmem_shared>>
      %dma_wait3A_837 = arith.constant 0 : i32
      %dma_wait3A_838 = tpu.memref_slice %arg21[%add3A_504, %dma_wait3A_837] : memref<10240x64xf32, #tpu.memory_space<vmem_shared>> -> memref<80x64xf32, #tpu.memory_space<vmem_shared>>
      tpu.wait_dma2 semaphore(%run_scoped3A : memref<!tpu.dma_semaphore, #tpu.memory_space<semaphore_mem>>) src(%arg17 : memref<80x64xf32, #tpu.memory_space<vmem>>) dst(%dma_wait3A_838 : memref<80x64xf32, #tpu.memory_space<vmem_shared>>)
      tpu.yield
    }) : () -> ()
    %barrier3A = arith.constant 0 : index
    tpu.barrier barrier_id(%barrier3A)
    %dma_start3A = arith.constant 0 : i32
    %dma_start3A_505 = arith.constant 0 : i32
    %dma_start3A_506 = tpu.memref_slice %arg15[%dma_start3A, %dma_start3A_505] : memref<125x80xi32, #tpu.memory_space<vmem>> -> memref<1x80xi32, #tpu.memory_space<vmem>>
    %dma_start3A_507 = tpu.memref_squeeze %dma_start3A_506 : memref<1x80xi32, #tpu.memory_space<vmem>> -> memref<80xi32, #tpu.memory_space<vmem>>
    %dma_start3A_508 = arith.constant 0 : i32
    %dma_start3A_509 = arith.constant 0 : i32
    %dma_start3A_510 = tpu.memref_slice %arg2[%dma_start3A_508, %dma_start3A_509] : memref<40000x64xf32, #tpu.memory_space<hbm>> -> memref<40000x64xf32, #tpu.memory_space<hbm>>
    tpu.enqueue_indirect_dma source(%dma_start3A_510 : memref<40000x64xf32, #tpu.memory_space<hbm>>) target(%arg17 : memref<80x64xf32, #tpu.memory_space<vmem>>) offsets(%dma_start3A_507 : memref<80xi32, #tpu.memory_space<vmem>>) semaphore(%arg23 : memref<!tpu.dma_semaphore, #tpu.memory_space<semaphore_mem>>)
    %scan3A = arith.constant 0 : i32
    %scan3A_511 = arith.constant 0 : i32
    %scan3A_512 = arith.constant 62 : i32
    %scan3A_513 = arith.addi %scan3A_511, %scan3A_512 : i32
    %scan3A_514 = arith.constant 1 : i32
    scf.for %scan3A_831 = %scan3A_511 to %scan3A_513 step %scan3A_514  : i32 {
      %mul3A_832 = arith.constant 2 : i32
      %mul3A_833 = arith.muli %mul3A_832, %scan3A_831 : i32
      %dma_wait3A_834 = arith.constant 0 : i32
      %dma_wait3A_835 = arith.constant 0 : i32
      %dma_wait3A_836 = tpu.memref_slice %arg15[%dma_wait3A_834, %dma_wait3A_835] : memref<125x80xi32, #tpu.memory_space<vmem>> -> memref<1x80xi32, #tpu.memory_space<vmem>>
      %dma_wait3A_837 = tpu.memref_squeeze %dma_wait3A_836 : memref<1x80xi32, #tpu.memory_space<vmem>> -> memref<80xi32, #tpu.memory_space<vmem>>
      %dma_wait3A_838 = arith.constant 0 : i32
      %dma_wait3A_839 = arith.constant 0 : i32
      %dma_wait3A_840 = tpu.memref_slice %arg2[%dma_wait3A_838, %dma_wait3A_839] : memref<40000x64xf32, #tpu.memory_space<hbm>> -> memref<40000x64xf32, #tpu.memory_space<hbm>>
      tpu.wait_indirect_dma semaphore(%arg23 : memref<!tpu.dma_semaphore, #tpu.memory_space<semaphore_mem>>) src(%dma_wait3A_840 : memref<40000x64xf32, #tpu.memory_space<hbm>>) dst(%arg17 : memref<80x64xf32, #tpu.memory_space<vmem>>)
      %dma_start3A_841 = arith.constant 0 : i32
      %dma_start3A_842 = tpu.memref_slice %arg16[%mul3A_833, %dma_start3A_841] : memref<125x80xi32, #tpu.memory_space<vmem>> -> memref<1x80xi32, #tpu.memory_space<vmem>>
      %dma_start3A_843 = tpu.memref_squeeze %dma_start3A_842 : memref<1x80xi32, #tpu.memory_space<vmem>> -> memref<80xi32, #tpu.memory_space<vmem>>
      %dma_start3A_844 = arith.constant 0 : i32
      %dma_start3A_845 = arith.constant 0 : i32
      %dma_start3A_846 = tpu.memref_slice %arg21[%dma_start3A_844, %dma_start3A_845] : memref<10240x64xf32, #tpu.memory_space<vmem_shared>> -> memref<10240x64xf32, #tpu.memory_space<vmem_shared>>
      tpu.enqueue_indirect_dma source(%arg17 : memref<80x64xf32, #tpu.memory_space<vmem>>) target(%dma_start3A_846 : memref<10240x64xf32, #tpu.memory_space<vmem_shared>>) offsets(%dma_start3A_843 : memref<80xi32, #tpu.memory_space<vmem>>) semaphore(%arg25 : memref<!tpu.dma_semaphore, #tpu.memory_space<semaphore_mem>>) {add = true}
      %dma_start3A_847 = arith.constant 0 : i32
      %dma_start3A_848 = tpu.memref_slice %arg16[%mul3A_833, %dma_start3A_847] : memref<125x80xi32, #tpu.memory_space<vmem>> -> memref<1x80xi32, #tpu.memory_space<vmem>>
      %dma_start3A_849 = tpu.memref_squeeze %dma_start3A_848 : memref<1x80xi32, #tpu.memory_space<vmem>> -> memref<80xi32, #tpu.memory_space<vmem>>
      %dma_start3A_850 = arith.constant 0 : i32
      %dma_start3A_851 = arith.constant 0 : i32
      %dma_start3A_852 = tpu.memref_slice %arg22[%dma_start3A_850, %dma_start3A_851] : memref<10240x16xf32, #tpu.memory_space<vmem_shared>> -> memref<10240x16xf32, #tpu.memory_space<vmem_shared>>
      tpu.enqueue_indirect_dma source(%arg19 : memref<80x16xf32, #tpu.memory_space<vmem>>) target(%dma_start3A_852 : memref<10240x16xf32, #tpu.memory_space<vmem_shared>>) offsets(%dma_start3A_849 : memref<80xi32, #tpu.memory_space<vmem>>) semaphore(%arg27 : memref<!tpu.dma_semaphore, #tpu.memory_space<semaphore_mem>>) {add = true}
      %gt3A = arith.constant 0 : i32
      %gt3A_853 = arith.cmpi sgt, %scan3A_831, %gt3A : i32
      %convert_element_type3A_854 = arith.extui %gt3A_853 : i1 to i32
      %cond3A_855 = arith.constant 0 : i32
      %cond3A_856 = arith.cmpi ne, %convert_element_type3A_854, %cond3A_855 : i32
      scf.if %cond3A_856 {
        %dma_wait3A_908 = arith.constant 0 : i32
        %dma_wait3A_909 = arith.constant 0 : i32
        %dma_wait3A_910 = tpu.memref_slice %arg16[%dma_wait3A_908, %dma_wait3A_909] : memref<125x80xi32, #tpu.memory_space<vmem>> -> memref<1x80xi32, #tpu.memory_space<vmem>>
        %dma_wait3A_911 = tpu.memref_squeeze %dma_wait3A_910 : memref<1x80xi32, #tpu.memory_space<vmem>> -> memref<80xi32, #tpu.memory_space<vmem>>
        %dma_wait3A_912 = arith.constant 0 : i32
        %dma_wait3A_913 = arith.constant 0 : i32
        %dma_wait3A_914 = tpu.memref_slice %arg21[%dma_wait3A_912, %dma_wait3A_913] : memref<10240x64xf32, #tpu.memory_space<vmem_shared>> -> memref<10240x64xf32, #tpu.memory_space<vmem_shared>>
        tpu.wait_indirect_dma semaphore(%arg26 : memref<!tpu.dma_semaphore, #tpu.memory_space<semaphore_mem>>) src(%arg18 : memref<80x64xf32, #tpu.memory_space<vmem>>) dst(%dma_wait3A_914 : memref<10240x64xf32, #tpu.memory_space<vmem_shared>>)
        %dma_wait3A_915 = arith.constant 0 : i32
        %dma_wait3A_916 = arith.constant 0 : i32
        %dma_wait3A_917 = tpu.memref_slice %arg16[%dma_wait3A_915, %dma_wait3A_916] : memref<125x80xi32, #tpu.memory_space<vmem>> -> memref<1x80xi32, #tpu.memory_space<vmem>>
        %dma_wait3A_918 = tpu.memref_squeeze %dma_wait3A_917 : memref<1x80xi32, #tpu.memory_space<vmem>> -> memref<80xi32, #tpu.memory_space<vmem>>
        %dma_wait3A_919 = arith.constant 0 : i32
        %dma_wait3A_920 = arith.constant 0 : i32
        %dma_wait3A_921 = tpu.memref_slice %arg22[%dma_wait3A_919, %dma_wait3A_920] : memref<10240x16xf32, #tpu.memory_space<vmem_shared>> -> memref<10240x16xf32, #tpu.memory_space<vmem_shared>>
        tpu.wait_indirect_dma semaphore(%arg28 : memref<!tpu.dma_semaphore, #tpu.memory_space<semaphore_mem>>) src(%arg19 : memref<80x16xf32, #tpu.memory_space<vmem>>) dst(%dma_wait3A_921 : memref<10240x16xf32, #tpu.memory_space<vmem_shared>>)
      } else {
      }
      %add3A_857 = arith.constant 1 : i32
      %add3A_858 = arith.addi %mul3A_833, %add3A_857 : i32
      %dma_start3A_859 = arith.constant 0 : i32
      %dma_start3A_860 = tpu.memref_slice %arg15[%add3A_858, %dma_start3A_859] : memref<125x80xi32, #tpu.memory_space<vmem>> -> memref<1x80xi32, #tpu.memory_space<vmem>>
      %dma_start3A_861 = tpu.memref_squeeze %dma_start3A_860 : memref<1x80xi32, #tpu.memory_space<vmem>> -> memref<80xi32, #tpu.memory_space<vmem>>
      %dma_start3A_862 = arith.constant 0 : i32
      %dma_start3A_863 = arith.constant 0 : i32
      %dma_start3A_864 = tpu.memref_slice %arg2[%dma_start3A_862, %dma_start3A_863] : memref<40000x64xf32, #tpu.memory_space<hbm>> -> memref<40000x64xf32, #tpu.memory_space<hbm>>
      tpu.enqueue_indirect_dma source(%dma_start3A_864 : memref<40000x64xf32, #tpu.memory_space<hbm>>) target(%arg18 : memref<80x64xf32, #tpu.memory_space<vmem>>) offsets(%dma_start3A_861 : memref<80xi32, #tpu.memory_space<vmem>>) semaphore(%arg24 : memref<!tpu.dma_semaphore, #tpu.memory_space<semaphore_mem>>)
      %dma_wait3A_865 = arith.constant 0 : i32
      %dma_wait3A_866 = arith.constant 0 : i32
      %dma_wait3A_867 = tpu.memref_slice %arg15[%dma_wait3A_865, %dma_wait3A_866] : memref<125x80xi32, #tpu.memory_space<vmem>> -> memref<1x80xi32, #tpu.memory_space<vmem>>
      %dma_wait3A_868 = tpu.memref_squeeze %dma_wait3A_867 : memref<1x80xi32, #tpu.memory_space<vmem>> -> memref<80xi32, #tpu.memory_space<vmem>>
      %dma_wait3A_869 = arith.constant 0 : i32
      %dma_wait3A_870 = arith.constant 0 : i32
      %dma_wait3A_871 = tpu.memref_slice %arg2[%dma_wait3A_869, %dma_wait3A_870] : memref<40000x64xf32, #tpu.memory_space<hbm>> -> memref<40000x64xf32, #tpu.memory_space<hbm>>
      tpu.wait_indirect_dma semaphore(%arg24 : memref<!tpu.dma_semaphore, #tpu.memory_space<semaphore_mem>>) src(%dma_wait3A_871 : memref<40000x64xf32, #tpu.memory_space<hbm>>) dst(%arg18 : memref<80x64xf32, #tpu.memory_space<vmem>>)
      %add3A_872 = arith.constant 1 : i32
      %add3A_873 = arith.addi %mul3A_833, %add3A_872 : i32
      %dma_start3A_874 = arith.constant 0 : i32
      %dma_start3A_875 = tpu.memref_slice %arg16[%add3A_873, %dma_start3A_874] : memref<125x80xi32, #tpu.memory_space<vmem>> -> memref<1x80xi32, #tpu.memory_space<vmem>>
      %dma_start3A_876 = tpu.memref_squeeze %dma_start3A_875 : memref<1x80xi32, #tpu.memory_space<vmem>> -> memref<80xi32, #tpu.memory_space<vmem>>
      %dma_start3A_877 = arith.constant 0 : i32
      %dma_start3A_878 = arith.constant 0 : i32
      %dma_start3A_879 = tpu.memref_slice %arg21[%dma_start3A_877, %dma_start3A_878] : memref<10240x64xf32, #tpu.memory_space<vmem_shared>> -> memref<10240x64xf32, #tpu.memory_space<vmem_shared>>
      tpu.enqueue_indirect_dma source(%arg18 : memref<80x64xf32, #tpu.memory_space<vmem>>) target(%dma_start3A_879 : memref<10240x64xf32, #tpu.memory_space<vmem_shared>>) offsets(%dma_start3A_876 : memref<80xi32, #tpu.memory_space<vmem>>) semaphore(%arg26 : memref<!tpu.dma_semaphore, #tpu.memory_space<semaphore_mem>>) {add = true}
      %dma_start3A_880 = arith.constant 0 : i32
      %dma_start3A_881 = tpu.memref_slice %arg16[%add3A_873, %dma_start3A_880] : memref<125x80xi32, #tpu.memory_space<vmem>> -> memref<1x80xi32, #tpu.memory_space<vmem>>
      %dma_start3A_882 = tpu.memref_squeeze %dma_start3A_881 : memref<1x80xi32, #tpu.memory_space<vmem>> -> memref<80xi32, #tpu.memory_space<vmem>>
      %dma_start3A_883 = arith.constant 0 : i32
      %dma_start3A_884 = arith.constant 0 : i32
      %dma_start3A_885 = tpu.memref_slice %arg22[%dma_start3A_883, %dma_start3A_884] : memref<10240x16xf32, #tpu.memory_space<vmem_shared>> -> memref<10240x16xf32, #tpu.memory_space<vmem_shared>>
      tpu.enqueue_indirect_dma source(%arg19 : memref<80x16xf32, #tpu.memory_space<vmem>>) target(%dma_start3A_885 : memref<10240x16xf32, #tpu.memory_space<vmem_shared>>) offsets(%dma_start3A_882 : memref<80xi32, #tpu.memory_space<vmem>>) semaphore(%arg28 : memref<!tpu.dma_semaphore, #tpu.memory_space<semaphore_mem>>) {add = true}
      %dma_wait3A_886 = arith.constant 0 : i32
      %dma_wait3A_887 = arith.constant 0 : i32
      %dma_wait3A_888 = tpu.memref_slice %arg16[%dma_wait3A_886, %dma_wait3A_887] : memref<125x80xi32, #tpu.memory_space<vmem>> -> memref<1x80xi32, #tpu.memory_space<vmem>>
      %dma_wait3A_889 = tpu.memref_squeeze %dma_wait3A_888 : memref<1x80xi32, #tpu.memory_space<vmem>> -> memref<80xi32, #tpu.memory_space<vmem>>
      %dma_wait3A_890 = arith.constant 0 : i32
      %dma_wait3A_891 = arith.constant 0 : i32
      %dma_wait3A_892 = tpu.memref_slice %arg21[%dma_wait3A_890, %dma_wait3A_891] : memref<10240x64xf32, #tpu.memory_space<vmem_shared>> -> memref<10240x64xf32, #tpu.memory_space<vmem_shared>>
      tpu.wait_indirect_dma semaphore(%arg25 : memref<!tpu.dma_semaphore, #tpu.memory_space<semaphore_mem>>) src(%arg17 : memref<80x64xf32, #tpu.memory_space<vmem>>) dst(%dma_wait3A_892 : memref<10240x64xf32, #tpu.memory_space<vmem_shared>>)
      %dma_wait3A_893 = arith.constant 0 : i32
      %dma_wait3A_894 = arith.constant 0 : i32
      %dma_wait3A_895 = tpu.memref_slice %arg16[%dma_wait3A_893, %dma_wait3A_894] : memref<125x80xi32, #tpu.memory_space<vmem>> -> memref<1x80xi32, #tpu.memory_space<vmem>>
      %dma_wait3A_896 = tpu.memref_squeeze %dma_wait3A_895 : memref<1x80xi32, #tpu.memory_space<vmem>> -> memref<80xi32, #tpu.memory_space<vmem>>
      %dma_wait3A_897 = arith.constant 0 : i32
      %dma_wait3A_898 = arith.constant 0 : i32
      %dma_wait3A_899 = tpu.memref_slice %arg22[%dma_wait3A_897, %dma_wait3A_898] : memref<10240x16xf32, #tpu.memory_space<vmem_shared>> -> memref<10240x16xf32, #tpu.memory_space<vmem_shared>>
      tpu.wait_indirect_dma semaphore(%arg27 : memref<!tpu.dma_semaphore, #tpu.memory_space<semaphore_mem>>) src(%arg19 : memref<80x16xf32, #tpu.memory_space<vmem>>) dst(%dma_wait3A_899 : memref<10240x16xf32, #tpu.memory_space<vmem_shared>>)
      %add3A_900 = arith.constant 2 : i32
      %add3A_901 = arith.addi %mul3A_833, %add3A_900 : i32
      %dma_start3A_902 = arith.constant 0 : i32
      %dma_start3A_903 = tpu.memref_slice %arg15[%add3A_901, %dma_start3A_902] : memref<125x80xi32, #tpu.memory_space<vmem>> -> memref<1x80xi32, #tpu.memory_space<vmem>>
      %dma_start3A_904 = tpu.memref_squeeze %dma_start3A_903 : memref<1x80xi32, #tpu.memory_space<vmem>> -> memref<80xi32, #tpu.memory_space<vmem>>
      %dma_start3A_905 = arith.constant 0 : i32
      %dma_start3A_906 = arith.constant 0 : i32
      %dma_start3A_907 = tpu.memref_slice %arg2[%dma_start3A_905, %dma_start3A_906] : memref<40000x64xf32, #tpu.memory_space<hbm>> -> memref<40000x64xf32, #tpu.memory_space<hbm>>
      tpu.enqueue_indirect_dma source(%dma_start3A_907 : memref<40000x64xf32, #tpu.memory_space<hbm>>) target(%arg17 : memref<80x64xf32, #tpu.memory_space<vmem>>) offsets(%dma_start3A_904 : memref<80xi32, #tpu.memory_space<vmem>>) semaphore(%arg23 : memref<!tpu.dma_semaphore, #tpu.memory_space<semaphore_mem>>)
    }
    %scan3A_515 = arith.constant 62 : i32
    %dma_wait3A = arith.constant 0 : i32
    %dma_wait3A_516 = arith.constant 0 : i32
    %dma_wait3A_517 = tpu.memref_slice %arg15[%dma_wait3A, %dma_wait3A_516] : memref<125x80xi32, #tpu.memory_space<vmem>> -> memref<1x80xi32, #tpu.memory_space<vmem>>
    %dma_wait3A_518 = tpu.memref_squeeze %dma_wait3A_517 : memref<1x80xi32, #tpu.memory_space<vmem>> -> memref<80xi32, #tpu.memory_space<vmem>>
    %dma_wait3A_519 = arith.constant 0 : i32
    %dma_wait3A_520 = arith.constant 0 : i32
    %dma_wait3A_521 = tpu.memref_slice %arg2[%dma_wait3A_519, %dma_wait3A_520] : memref<40000x64xf32, #tpu.memory_space<hbm>> -> memref<40000x64xf32, #tpu.memory_space<hbm>>
    tpu.wait_indirect_dma semaphore(%arg23 : memref<!tpu.dma_semaphore, #tpu.memory_space<semaphore_mem>>) src(%dma_wait3A_521 : memref<40000x64xf32, #tpu.memory_space<hbm>>) dst(%arg17 : memref<80x64xf32, #tpu.memory_space<vmem>>)
    %dma_start3A_522 = arith.constant 124 : i32
    %dma_start3A_523 = arith.constant 0 : i32
    %dma_start3A_524 = tpu.memref_slice %arg16[%dma_start3A_522, %dma_start3A_523] : memref<125x80xi32, #tpu.memory_space<vmem>> -> memref<1x80xi32, #tpu.memory_space<vmem>>
    %dma_start3A_525 = tpu.memref_squeeze %dma_start3A_524 : memref<1x80xi32, #tpu.memory_space<vmem>> -> memref<80xi32, #tpu.memory_space<vmem>>
    %dma_start3A_526 = arith.constant 0 : i32
    %dma_start3A_527 = arith.constant 0 : i32
    %dma_start3A_528 = tpu.memref_slice %arg21[%dma_start3A_526, %dma_start3A_527] : memref<10240x64xf32, #tpu.memory_space<vmem_shared>> -> memref<10240x64xf32, #tpu.memory_space<vmem_shared>>
    tpu.enqueue_indirect_dma source(%arg17 : memref<80x64xf32, #tpu.memory_space<vmem>>) target(%dma_start3A_528 : memref<10240x64xf32, #tpu.memory_space<vmem_shared>>) offsets(%dma_start3A_525 : memref<80xi32, #tpu.memory_space<vmem>>) semaphore(%arg25 : memref<!tpu.dma_semaphore, #tpu.memory_space<semaphore_mem>>) {add = true}
    %dma_start3A_529 = arith.constant 124 : i32
    %dma_start3A_530 = arith.constant 0 : i32
    %dma_start3A_531 = tpu.memref_slice %arg16[%dma_start3A_529, %dma_start3A_530] : memref<125x80xi32, #tpu.memory_space<vmem>> -> memref<1x80xi32, #tpu.memory_space<vmem>>
    %dma_start3A_532 = tpu.memref_squeeze %dma_start3A_531 : memref<1x80xi32, #tpu.memory_space<vmem>> -> memref<80xi32, #tpu.memory_space<vmem>>
    %dma_start3A_533 = arith.constant 0 : i32
    %dma_start3A_534 = arith.constant 0 : i32
    %dma_start3A_535 = tpu.memref_slice %arg22[%dma_start3A_533, %dma_start3A_534] : memref<10240x16xf32, #tpu.memory_space<vmem_shared>> -> memref<10240x16xf32, #tpu.memory_space<vmem_shared>>
    tpu.enqueue_indirect_dma source(%arg19 : memref<80x16xf32, #tpu.memory_space<vmem>>) target(%dma_start3A_535 : memref<10240x16xf32, #tpu.memory_space<vmem_shared>>) offsets(%dma_start3A_532 : memref<80xi32, #tpu.memory_space<vmem>>) semaphore(%arg27 : memref<!tpu.dma_semaphore, #tpu.memory_space<semaphore_mem>>) {add = true}
    %dma_wait3A_536 = arith.constant 0 : i32
    %dma_wait3A_537 = arith.constant 0 : i32
    %dma_wait3A_538 = tpu.memref_slice %arg16[%dma_wait3A_536, %dma_wait3A_537] : memref<125x80xi32, #tpu.memory_space<vmem>> -> memref<1x80xi32, #tpu.memory_space<vmem>>
    %dma_wait3A_539 = tpu.memref_squeeze %dma_wait3A_538 : memref<1x80xi32, #tpu.memory_space<vmem>> -> memref<80xi32, #tpu.memory_space<vmem>>
    %dma_wait3A_540 = arith.constant 0 : i32
    %dma_wait3A_541 = arith.constant 0 : i32
    %dma_wait3A_542 = tpu.memref_slice %arg21[%dma_wait3A_540, %dma_wait3A_541] : memref<10240x64xf32, #tpu.memory_space<vmem_shared>> -> memref<10240x64xf32, #tpu.memory_space<vmem_shared>>
    tpu.wait_indirect_dma semaphore(%arg26 : memref<!tpu.dma_semaphore, #tpu.memory_space<semaphore_mem>>) src(%arg18 : memref<80x64xf32, #tpu.memory_space<vmem>>) dst(%dma_wait3A_542 : memref<10240x64xf32, #tpu.memory_space<vmem_shared>>)
    %dma_wait3A_543 = arith.constant 0 : i32
    %dma_wait3A_544 = arith.constant 0 : i32
    %dma_wait3A_545 = tpu.memref_slice %arg16[%dma_wait3A_543, %dma_wait3A_544] : memref<125x80xi32, #tpu.memory_space<vmem>> -> memref<1x80xi32, #tpu.memory_space<vmem>>
    %dma_wait3A_546 = tpu.memref_squeeze %dma_wait3A_545 : memref<1x80xi32, #tpu.memory_space<vmem>> -> memref<80xi32, #tpu.memory_space<vmem>>
    %dma_wait3A_547 = arith.constant 0 : i32
    %dma_wait3A_548 = arith.constant 0 : i32
    %dma_wait3A_549 = tpu.memref_slice %arg22[%dma_wait3A_547, %dma_wait3A_548] : memref<10240x16xf32, #tpu.memory_space<vmem_shared>> -> memref<10240x16xf32, #tpu.memory_space<vmem_shared>>
    tpu.wait_indirect_dma semaphore(%arg28 : memref<!tpu.dma_semaphore, #tpu.memory_space<semaphore_mem>>) src(%arg19 : memref<80x16xf32, #tpu.memory_space<vmem>>) dst(%dma_wait3A_549 : memref<10240x16xf32, #tpu.memory_space<vmem_shared>>)
    %dma_wait3A_550 = arith.constant 0 : i32
    %dma_wait3A_551 = arith.constant 0 : i32
    %dma_wait3A_552 = tpu.memref_slice %arg16[%dma_wait3A_550, %dma_wait3A_551] : memref<125x80xi32, #tpu.memory_space<vmem>> -> memref<1x80xi32, #tpu.memory_space<vmem>>
    %dma_wait3A_553 = tpu.memref_squeeze %dma_wait3A_552 : memref<1x80xi32, #tpu.memory_space<vmem>> -> memref<80xi32, #tpu.memory_space<vmem>>
    %dma_wait3A_554 = arith.constant 0 : i32
    %dma_wait3A_555 = arith.constant 0 : i32
    %dma_wait3A_556 = tpu.memref_slice %arg21[%dma_wait3A_554, %dma_wait3A_555] : memref<10240x64xf32, #tpu.memory_space<vmem_shared>> -> memref<10240x64xf32, #tpu.memory_space<vmem_shared>>
    tpu.wait_indirect_dma semaphore(%arg25 : memref<!tpu.dma_semaphore, #tpu.memory_space<semaphore_mem>>) src(%arg17 : memref<80x64xf32, #tpu.memory_space<vmem>>) dst(%dma_wait3A_556 : memref<10240x64xf32, #tpu.memory_space<vmem_shared>>)
    %dma_wait3A_557 = arith.constant 0 : i32
    %dma_wait3A_558 = arith.constant 0 : i32
    %dma_wait3A_559 = tpu.memref_slice %arg16[%dma_wait3A_557, %dma_wait3A_558] : memref<125x80xi32, #tpu.memory_space<vmem>> -> memref<1x80xi32, #tpu.memory_space<vmem>>
    %dma_wait3A_560 = tpu.memref_squeeze %dma_wait3A_559 : memref<1x80xi32, #tpu.memory_space<vmem>> -> memref<80xi32, #tpu.memory_space<vmem>>
    %dma_wait3A_561 = arith.constant 0 : i32
    %dma_wait3A_562 = arith.constant 0 : i32
    %dma_wait3A_563 = tpu.memref_slice %arg22[%dma_wait3A_561, %dma_wait3A_562] : memref<10240x16xf32, #tpu.memory_space<vmem_shared>> -> memref<10240x16xf32, #tpu.memory_space<vmem_shared>>
    tpu.wait_indirect_dma semaphore(%arg27 : memref<!tpu.dma_semaphore, #tpu.memory_space<semaphore_mem>>) src(%arg19 : memref<80x16xf32, #tpu.memory_space<vmem>>) dst(%dma_wait3A_563 : memref<10240x16xf32, #tpu.memory_space<vmem_shared>>)
    %barrier3A_564 = arith.constant 0 : index
    tpu.barrier barrier_id(%barrier3A_564)
    %add3A_565 = arith.constant 0 : i32
    %add3A_566 = arith.addi %mul3A_0, %add3A_565 : i32
    "tpu.region"() ({
      %run_scoped3A = tpu.sem_alloc : memref<!tpu.dma_semaphore, #tpu.memory_space<semaphore_mem>>
      %dma_start3A_831 = arith.constant 0 : i32
      %dma_start3A_832 = tpu.memref_slice %arg21[%add3A_566, %dma_start3A_831] : memref<10240x64xf32, #tpu.memory_space<vmem_shared>> -> memref<80x64xf32, #tpu.memory_space<vmem_shared>>
      %dma_start3A_833 = arith.constant 0 : i32
      %dma_start3A_834 = tpu.memref_slice %arg21[%add3A_566, %dma_start3A_833] : memref<10240x64xf32, #tpu.memory_space<vmem_shared>> -> memref<80x64xf32, #tpu.memory_space<vmem_shared>>
      tpu.enqueue_dma source(%dma_start3A_834 : memref<80x64xf32, #tpu.memory_space<vmem_shared>>) target(%arg17 : memref<80x64xf32, #tpu.memory_space<vmem>>) target_semaphore(%run_scoped3A : memref<!tpu.dma_semaphore, #tpu.memory_space<semaphore_mem>>)
      %dma_wait3A_835 = arith.constant 0 : i32
      %dma_wait3A_836 = tpu.memref_slice %arg21[%add3A_566, %dma_wait3A_835] : memref<10240x64xf32, #tpu.memory_space<vmem_shared>> -> memref<80x64xf32, #tpu.memory_space<vmem_shared>>
      %dma_wait3A_837 = arith.constant 0 : i32
      %dma_wait3A_838 = tpu.memref_slice %arg21[%add3A_566, %dma_wait3A_837] : memref<10240x64xf32, #tpu.memory_space<vmem_shared>> -> memref<80x64xf32, #tpu.memory_space<vmem_shared>>
      tpu.wait_dma2 semaphore(%run_scoped3A : memref<!tpu.dma_semaphore, #tpu.memory_space<semaphore_mem>>) src(%dma_wait3A_838 : memref<80x64xf32, #tpu.memory_space<vmem_shared>>) dst(%arg17 : memref<80x64xf32, #tpu.memory_space<vmem>>)
      tpu.yield
    }) : () -> ()
    %eq3A_567 = arith.constant 0 : i32
    %eq3A_568 = arith.cmpi eq, %arg0, %eq3A_567 : i32
    %convert_element_type3A_569 = arith.extui %eq3A_568 : i1 to i32
    %cond3A_570 = arith.constant 0 : i32
    %cond3A_571 = arith.cmpi ne, %convert_element_type3A_569, %cond3A_570 : i32
    scf.if %cond3A_571 {
      %add3A_831 = arith.constant 0 : i32
      %add3A_832 = arith.addi %mul3A_0, %add3A_831 : i32
      "tpu.region"() ({
        %run_scoped3A = tpu.sem_alloc : memref<!tpu.dma_semaphore, #tpu.memory_space<semaphore_mem>>
        %dma_start3A_833 = arith.constant 0 : i32
        %dma_start3A_834 = tpu.memref_slice %arg10[%add3A_832, %dma_start3A_833] : memref<10240x64xf32, #tpu.memory_space<hbm>> -> memref<80x64xf32, #tpu.memory_space<hbm>>
        %dma_start3A_835 = arith.constant 0 : i32
        %dma_start3A_836 = tpu.memref_slice %arg10[%add3A_832, %dma_start3A_835] : memref<10240x64xf32, #tpu.memory_space<hbm>> -> memref<80x64xf32, #tpu.memory_space<hbm>>
        tpu.enqueue_dma source(%arg17 : memref<80x64xf32, #tpu.memory_space<vmem>>) target(%dma_start3A_836 : memref<80x64xf32, #tpu.memory_space<hbm>>) target_semaphore(%run_scoped3A : memref<!tpu.dma_semaphore, #tpu.memory_space<semaphore_mem>>)
        %dma_wait3A_837 = arith.constant 0 : i32
        %dma_wait3A_838 = tpu.memref_slice %arg10[%add3A_832, %dma_wait3A_837] : memref<10240x64xf32, #tpu.memory_space<hbm>> -> memref<80x64xf32, #tpu.memory_space<hbm>>
        %dma_wait3A_839 = arith.constant 0 : i32
        %dma_wait3A_840 = tpu.memref_slice %arg10[%add3A_832, %dma_wait3A_839] : memref<10240x64xf32, #tpu.memory_space<hbm>> -> memref<80x64xf32, #tpu.memory_space<hbm>>
        tpu.wait_dma2 semaphore(%run_scoped3A : memref<!tpu.dma_semaphore, #tpu.memory_space<semaphore_mem>>) src(%arg17 : memref<80x64xf32, #tpu.memory_space<vmem>>) dst(%dma_wait3A_840 : memref<80x64xf32, #tpu.memory_space<hbm>>)
        tpu.yield
      }) : () -> ()
    } else {
    }
    %eq3A_572 = arith.constant 1 : i32
    %eq3A_573 = arith.cmpi eq, %arg0, %eq3A_572 : i32
    %convert_element_type3A_574 = arith.extui %eq3A_573 : i1 to i32
    %cond3A_575 = arith.constant 0 : i32
    %cond3A_576 = arith.cmpi ne, %convert_element_type3A_574, %cond3A_575 : i32
    scf.if %cond3A_576 {
      %add3A_831 = arith.constant 0 : i32
      %add3A_832 = arith.addi %mul3A_0, %add3A_831 : i32
      "tpu.region"() ({
        %run_scoped3A = tpu.sem_alloc : memref<!tpu.dma_semaphore, #tpu.memory_space<semaphore_mem>>
        %dma_start3A_833 = arith.constant 0 : i32
        %dma_start3A_834 = tpu.memref_slice %arg12[%add3A_832, %dma_start3A_833] : memref<10240x64xf32, #tpu.memory_space<hbm>> -> memref<80x64xf32, #tpu.memory_space<hbm>>
        %dma_start3A_835 = arith.constant 0 : i32
        %dma_start3A_836 = tpu.memref_slice %arg12[%add3A_832, %dma_start3A_835] : memref<10240x64xf32, #tpu.memory_space<hbm>> -> memref<80x64xf32, #tpu.memory_space<hbm>>
        tpu.enqueue_dma source(%arg17 : memref<80x64xf32, #tpu.memory_space<vmem>>) target(%dma_start3A_836 : memref<80x64xf32, #tpu.memory_space<hbm>>) target_semaphore(%run_scoped3A : memref<!tpu.dma_semaphore, #tpu.memory_space<semaphore_mem>>)
        %dma_wait3A_837 = arith.constant 0 : i32
        %dma_wait3A_838 = tpu.memref_slice %arg12[%add3A_832, %dma_wait3A_837] : memref<10240x64xf32, #tpu.memory_space<hbm>> -> memref<80x64xf32, #tpu.memory_space<hbm>>
        %dma_wait3A_839 = arith.constant 0 : i32
        %dma_wait3A_840 = tpu.memref_slice %arg12[%add3A_832, %dma_wait3A_839] : memref<10240x64xf32, #tpu.memory_space<hbm>> -> memref<80x64xf32, #tpu.memory_space<hbm>>
        tpu.wait_dma2 semaphore(%run_scoped3A : memref<!tpu.dma_semaphore, #tpu.memory_space<semaphore_mem>>) src(%arg17 : memref<80x64xf32, #tpu.memory_space<vmem>>) dst(%dma_wait3A_840 : memref<80x64xf32, #tpu.memory_space<hbm>>)
        tpu.yield
      }) : () -> ()
    } else {
    }
    %add3A_577 = arith.constant 80 : i32
    %add3A_578 = arith.addi %mul3A_0, %add3A_577 : i32
    "tpu.region"() ({
      %run_scoped3A = tpu.sem_alloc : memref<!tpu.dma_semaphore, #tpu.memory_space<semaphore_mem>>
      %dma_start3A_831 = arith.constant 0 : i32
      %dma_start3A_832 = tpu.memref_slice %arg21[%add3A_578, %dma_start3A_831] : memref<10240x64xf32, #tpu.memory_space<vmem_shared>> -> memref<80x64xf32, #tpu.memory_space<vmem_shared>>
      %dma_start3A_833 = arith.constant 0 : i32
      %dma_start3A_834 = tpu.memref_slice %arg21[%add3A_578, %dma_start3A_833] : memref<10240x64xf32, #tpu.memory_space<vmem_shared>> -> memref<80x64xf32, #tpu.memory_space<vmem_shared>>
      tpu.enqueue_dma source(%dma_start3A_834 : memref<80x64xf32, #tpu.memory_space<vmem_shared>>) target(%arg17 : memref<80x64xf32, #tpu.memory_space<vmem>>) target_semaphore(%run_scoped3A : memref<!tpu.dma_semaphore, #tpu.memory_space<semaphore_mem>>)
      %dma_wait3A_835 = arith.constant 0 : i32
      %dma_wait3A_836 = tpu.memref_slice %arg21[%add3A_578, %dma_wait3A_835] : memref<10240x64xf32, #tpu.memory_space<vmem_shared>> -> memref<80x64xf32, #tpu.memory_space<vmem_shared>>
      %dma_wait3A_837 = arith.constant 0 : i32
      %dma_wait3A_838 = tpu.memref_slice %arg21[%add3A_578, %dma_wait3A_837] : memref<10240x64xf32, #tpu.memory_space<vmem_shared>> -> memref<80x64xf32, #tpu.memory_space<vmem_shared>>
      tpu.wait_dma2 semaphore(%run_scoped3A : memref<!tpu.dma_semaphore, #tpu.memory_space<semaphore_mem>>) src(%dma_wait3A_838 : memref<80x64xf32, #tpu.memory_space<vmem_shared>>) dst(%arg17 : memref<80x64xf32, #tpu.memory_space<vmem>>)
      tpu.yield
    }) : () -> ()
    %eq3A_579 = arith.constant 0 : i32
    %eq3A_580 = arith.cmpi eq, %arg0, %eq3A_579 : i32
    %convert_element_type3A_581 = arith.extui %eq3A_580 : i1 to i32
    %cond3A_582 = arith.constant 0 : i32
    %cond3A_583 = arith.cmpi ne, %convert_element_type3A_581, %cond3A_582 : i32
    scf.if %cond3A_583 {
      %add3A_831 = arith.constant 80 : i32
      %add3A_832 = arith.addi %mul3A_0, %add3A_831 : i32
      "tpu.region"() ({
        %run_scoped3A = tpu.sem_alloc : memref<!tpu.dma_semaphore, #tpu.memory_space<semaphore_mem>>
        %dma_start3A_833 = arith.constant 0 : i32
        %dma_start3A_834 = tpu.memref_slice %arg10[%add3A_832, %dma_start3A_833] : memref<10240x64xf32, #tpu.memory_space<hbm>> -> memref<80x64xf32, #tpu.memory_space<hbm>>
        %dma_start3A_835 = arith.constant 0 : i32
        %dma_start3A_836 = tpu.memref_slice %arg10[%add3A_832, %dma_start3A_835] : memref<10240x64xf32, #tpu.memory_space<hbm>> -> memref<80x64xf32, #tpu.memory_space<hbm>>
        tpu.enqueue_dma source(%arg17 : memref<80x64xf32, #tpu.memory_space<vmem>>) target(%dma_start3A_836 : memref<80x64xf32, #tpu.memory_space<hbm>>) target_semaphore(%run_scoped3A : memref<!tpu.dma_semaphore, #tpu.memory_space<semaphore_mem>>)
        %dma_wait3A_837 = arith.constant 0 : i32
        %dma_wait3A_838 = tpu.memref_slice %arg10[%add3A_832, %dma_wait3A_837] : memref<10240x64xf32, #tpu.memory_space<hbm>> -> memref<80x64xf32, #tpu.memory_space<hbm>>
        %dma_wait3A_839 = arith.constant 0 : i32
        %dma_wait3A_840 = tpu.memref_slice %arg10[%add3A_832, %dma_wait3A_839] : memref<10240x64xf32, #tpu.memory_space<hbm>> -> memref<80x64xf32, #tpu.memory_space<hbm>>
        tpu.wait_dma2 semaphore(%run_scoped3A : memref<!tpu.dma_semaphore, #tpu.memory_space<semaphore_mem>>) src(%arg17 : memref<80x64xf32, #tpu.memory_space<vmem>>) dst(%dma_wait3A_840 : memref<80x64xf32, #tpu.memory_space<hbm>>)
        tpu.yield
      }) : () -> ()
    } else {
    }
    %eq3A_584 = arith.constant 1 : i32
    %eq3A_585 = arith.cmpi eq, %arg0, %eq3A_584 : i32
    %convert_element_type3A_586 = arith.extui %eq3A_585 : i1 to i32
    %cond3A_587 = arith.constant 0 : i32
    %cond3A_588 = arith.cmpi ne, %convert_element_type3A_586, %cond3A_587 : i32
    scf.if %cond3A_588 {
      %add3A_831 = arith.constant 80 : i32
      %add3A_832 = arith.addi %mul3A_0, %add3A_831 : i32
      "tpu.region"() ({
        %run_scoped3A = tpu.sem_alloc : memref<!tpu.dma_semaphore, #tpu.memory_space<semaphore_mem>>
        %dma_start3A_833 = arith.constant 0 : i32
        %dma_start3A_834 = tpu.memref_slice %arg12[%add3A_832, %dma_start3A_833] : memref<10240x64xf32, #tpu.memory_space<hbm>> -> memref<80x64xf32, #tpu.memory_space<hbm>>
        %dma_start3A_835 = arith.constant 0 : i32
        %dma_start3A_836 = tpu.memref_slice %arg12[%add3A_832, %dma_start3A_835] : memref<10240x64xf32, #tpu.memory_space<hbm>> -> memref<80x64xf32, #tpu.memory_space<hbm>>
        tpu.enqueue_dma source(%arg17 : memref<80x64xf32, #tpu.memory_space<vmem>>) target(%dma_start3A_836 : memref<80x64xf32, #tpu.memory_space<hbm>>) target_semaphore(%run_scoped3A : memref<!tpu.dma_semaphore, #tpu.memory_space<semaphore_mem>>)
        %dma_wait3A_837 = arith.constant 0 : i32
        %dma_wait3A_838 = tpu.memref_slice %arg12[%add3A_832, %dma_wait3A_837] : memref<10240x64xf32, #tpu.memory_space<hbm>> -> memref<80x64xf32, #tpu.memory_space<hbm>>
        %dma_wait3A_839 = arith.constant 0 : i32
        %dma_wait3A_840 = tpu.memref_slice %arg12[%add3A_832, %dma_wait3A_839] : memref<10240x64xf32, #tpu.memory_space<hbm>> -> memref<80x64xf32, #tpu.memory_space<hbm>>
        tpu.wait_dma2 semaphore(%run_scoped3A : memref<!tpu.dma_semaphore, #tpu.memory_space<semaphore_mem>>) src(%arg17 : memref<80x64xf32, #tpu.memory_space<vmem>>) dst(%dma_wait3A_840 : memref<80x64xf32, #tpu.memory_space<hbm>>)
        tpu.yield
      }) : () -> ()
    } else {
    }
    %add3A_589 = arith.constant 160 : i32
    %add3A_590 = arith.addi %mul3A_0, %add3A_589 : i32
    "tpu.region"() ({
      %run_scoped3A = tpu.sem_alloc : memref<!tpu.dma_semaphore, #tpu.memory_space<semaphore_mem>>
      %dma_start3A_831 = arith.constant 0 : i32
      %dma_start3A_832 = tpu.memref_slice %arg21[%add3A_590, %dma_start3A_831] : memref<10240x64xf32, #tpu.memory_space<vmem_shared>> -> memref<80x64xf32, #tpu.memory_space<vmem_shared>>
      %dma_start3A_833 = arith.constant 0 : i32
      %dma_start3A_834 = tpu.memref_slice %arg21[%add3A_590, %dma_start3A_833] : memref<10240x64xf32, #tpu.memory_space<vmem_shared>> -> memref<80x64xf32, #tpu.memory_space<vmem_shared>>
      tpu.enqueue_dma source(%dma_start3A_834 : memref<80x64xf32, #tpu.memory_space<vmem_shared>>) target(%arg17 : memref<80x64xf32, #tpu.memory_space<vmem>>) target_semaphore(%run_scoped3A : memref<!tpu.dma_semaphore, #tpu.memory_space<semaphore_mem>>)
      %dma_wait3A_835 = arith.constant 0 : i32
      %dma_wait3A_836 = tpu.memref_slice %arg21[%add3A_590, %dma_wait3A_835] : memref<10240x64xf32, #tpu.memory_space<vmem_shared>> -> memref<80x64xf32, #tpu.memory_space<vmem_shared>>
      %dma_wait3A_837 = arith.constant 0 : i32
      %dma_wait3A_838 = tpu.memref_slice %arg21[%add3A_590, %dma_wait3A_837] : memref<10240x64xf32, #tpu.memory_space<vmem_shared>> -> memref<80x64xf32, #tpu.memory_space<vmem_shared>>
      tpu.wait_dma2 semaphore(%run_scoped3A : memref<!tpu.dma_semaphore, #tpu.memory_space<semaphore_mem>>) src(%dma_wait3A_838 : memref<80x64xf32, #tpu.memory_space<vmem_shared>>) dst(%arg17 : memref<80x64xf32, #tpu.memory_space<vmem>>)
      tpu.yield
    }) : () -> ()
    %eq3A_591 = arith.constant 0 : i32
    %eq3A_592 = arith.cmpi eq, %arg0, %eq3A_591 : i32
    %convert_element_type3A_593 = arith.extui %eq3A_592 : i1 to i32
    %cond3A_594 = arith.constant 0 : i32
    %cond3A_595 = arith.cmpi ne, %convert_element_type3A_593, %cond3A_594 : i32
    scf.if %cond3A_595 {
      %add3A_831 = arith.constant 160 : i32
      %add3A_832 = arith.addi %mul3A_0, %add3A_831 : i32
      "tpu.region"() ({
        %run_scoped3A = tpu.sem_alloc : memref<!tpu.dma_semaphore, #tpu.memory_space<semaphore_mem>>
        %dma_start3A_833 = arith.constant 0 : i32
        %dma_start3A_834 = tpu.memref_slice %arg10[%add3A_832, %dma_start3A_833] : memref<10240x64xf32, #tpu.memory_space<hbm>> -> memref<80x64xf32, #tpu.memory_space<hbm>>
        %dma_start3A_835 = arith.constant 0 : i32
        %dma_start3A_836 = tpu.memref_slice %arg10[%add3A_832, %dma_start3A_835] : memref<10240x64xf32, #tpu.memory_space<hbm>> -> memref<80x64xf32, #tpu.memory_space<hbm>>
        tpu.enqueue_dma source(%arg17 : memref<80x64xf32, #tpu.memory_space<vmem>>) target(%dma_start3A_836 : memref<80x64xf32, #tpu.memory_space<hbm>>) target_semaphore(%run_scoped3A : memref<!tpu.dma_semaphore, #tpu.memory_space<semaphore_mem>>)
        %dma_wait3A_837 = arith.constant 0 : i32
        %dma_wait3A_838 = tpu.memref_slice %arg10[%add3A_832, %dma_wait3A_837] : memref<10240x64xf32, #tpu.memory_space<hbm>> -> memref<80x64xf32, #tpu.memory_space<hbm>>
        %dma_wait3A_839 = arith.constant 0 : i32
        %dma_wait3A_840 = tpu.memref_slice %arg10[%add3A_832, %dma_wait3A_839] : memref<10240x64xf32, #tpu.memory_space<hbm>> -> memref<80x64xf32, #tpu.memory_space<hbm>>
        tpu.wait_dma2 semaphore(%run_scoped3A : memref<!tpu.dma_semaphore, #tpu.memory_space<semaphore_mem>>) src(%arg17 : memref<80x64xf32, #tpu.memory_space<vmem>>) dst(%dma_wait3A_840 : memref<80x64xf32, #tpu.memory_space<hbm>>)
        tpu.yield
      }) : () -> ()
    } else {
    }
    %eq3A_596 = arith.constant 1 : i32
    %eq3A_597 = arith.cmpi eq, %arg0, %eq3A_596 : i32
    %convert_element_type3A_598 = arith.extui %eq3A_597 : i1 to i32
    %cond3A_599 = arith.constant 0 : i32
    %cond3A_600 = arith.cmpi ne, %convert_element_type3A_598, %cond3A_599 : i32
    scf.if %cond3A_600 {
      %add3A_831 = arith.constant 160 : i32
      %add3A_832 = arith.addi %mul3A_0, %add3A_831 : i32
      "tpu.region"() ({
        %run_scoped3A = tpu.sem_alloc : memref<!tpu.dma_semaphore, #tpu.memory_space<semaphore_mem>>
        %dma_start3A_833 = arith.constant 0 : i32
        %dma_start3A_834 = tpu.memref_slice %arg12[%add3A_832, %dma_start3A_833] : memref<10240x64xf32, #tpu.memory_space<hbm>> -> memref<80x64xf32, #tpu.memory_space<hbm>>
        %dma_start3A_835 = arith.constant 0 : i32
        %dma_start3A_836 = tpu.memref_slice %arg12[%add3A_832, %dma_start3A_835] : memref<10240x64xf32, #tpu.memory_space<hbm>> -> memref<80x64xf32, #tpu.memory_space<hbm>>
        tpu.enqueue_dma source(%arg17 : memref<80x64xf32, #tpu.memory_space<vmem>>) target(%dma_start3A_836 : memref<80x64xf32, #tpu.memory_space<hbm>>) target_semaphore(%run_scoped3A : memref<!tpu.dma_semaphore, #tpu.memory_space<semaphore_mem>>)
        %dma_wait3A_837 = arith.constant 0 : i32
        %dma_wait3A_838 = tpu.memref_slice %arg12[%add3A_832, %dma_wait3A_837] : memref<10240x64xf32, #tpu.memory_space<hbm>> -> memref<80x64xf32, #tpu.memory_space<hbm>>
        %dma_wait3A_839 = arith.constant 0 : i32
        %dma_wait3A_840 = tpu.memref_slice %arg12[%add3A_832, %dma_wait3A_839] : memref<10240x64xf32, #tpu.memory_space<hbm>> -> memref<80x64xf32, #tpu.memory_space<hbm>>
        tpu.wait_dma2 semaphore(%run_scoped3A : memref<!tpu.dma_semaphore, #tpu.memory_space<semaphore_mem>>) src(%arg17 : memref<80x64xf32, #tpu.memory_space<vmem>>) dst(%dma_wait3A_840 : memref<80x64xf32, #tpu.memory_space<hbm>>)
        tpu.yield
      }) : () -> ()
    } else {
    }
    %add3A_601 = arith.constant 240 : i32
    %add3A_602 = arith.addi %mul3A_0, %add3A_601 : i32
    "tpu.region"() ({
      %run_scoped3A = tpu.sem_alloc : memref<!tpu.dma_semaphore, #tpu.memory_space<semaphore_mem>>
      %dma_start3A_831 = arith.constant 0 : i32
      %dma_start3A_832 = tpu.memref_slice %arg21[%add3A_602, %dma_start3A_831] : memref<10240x64xf32, #tpu.memory_space<vmem_shared>> -> memref<80x64xf32, #tpu.memory_space<vmem_shared>>
      %dma_start3A_833 = arith.constant 0 : i32
      %dma_start3A_834 = tpu.memref_slice %arg21[%add3A_602, %dma_start3A_833] : memref<10240x64xf32, #tpu.memory_space<vmem_shared>> -> memref<80x64xf32, #tpu.memory_space<vmem_shared>>
      tpu.enqueue_dma source(%dma_start3A_834 : memref<80x64xf32, #tpu.memory_space<vmem_shared>>) target(%arg17 : memref<80x64xf32, #tpu.memory_space<vmem>>) target_semaphore(%run_scoped3A : memref<!tpu.dma_semaphore, #tpu.memory_space<semaphore_mem>>)
      %dma_wait3A_835 = arith.constant 0 : i32
      %dma_wait3A_836 = tpu.memref_slice %arg21[%add3A_602, %dma_wait3A_835] : memref<10240x64xf32, #tpu.memory_space<vmem_shared>> -> memref<80x64xf32, #tpu.memory_space<vmem_shared>>
      %dma_wait3A_837 = arith.constant 0 : i32
      %dma_wait3A_838 = tpu.memref_slice %arg21[%add3A_602, %dma_wait3A_837] : memref<10240x64xf32, #tpu.memory_space<vmem_shared>> -> memref<80x64xf32, #tpu.memory_space<vmem_shared>>
      tpu.wait_dma2 semaphore(%run_scoped3A : memref<!tpu.dma_semaphore, #tpu.memory_space<semaphore_mem>>) src(%dma_wait3A_838 : memref<80x64xf32, #tpu.memory_space<vmem_shared>>) dst(%arg17 : memref<80x64xf32, #tpu.memory_space<vmem>>)
      tpu.yield
    }) : () -> ()
    %eq3A_603 = arith.constant 0 : i32
    %eq3A_604 = arith.cmpi eq, %arg0, %eq3A_603 : i32
    %convert_element_type3A_605 = arith.extui %eq3A_604 : i1 to i32
    %cond3A_606 = arith.constant 0 : i32
    %cond3A_607 = arith.cmpi ne, %convert_element_type3A_605, %cond3A_606 : i32
    scf.if %cond3A_607 {
      %add3A_831 = arith.constant 240 : i32
      %add3A_832 = arith.addi %mul3A_0, %add3A_831 : i32
      "tpu.region"() ({
        %run_scoped3A = tpu.sem_alloc : memref<!tpu.dma_semaphore, #tpu.memory_space<semaphore_mem>>
        %dma_start3A_833 = arith.constant 0 : i32
        %dma_start3A_834 = tpu.memref_slice %arg10[%add3A_832, %dma_start3A_833] : memref<10240x64xf32, #tpu.memory_space<hbm>> -> memref<80x64xf32, #tpu.memory_space<hbm>>
        %dma_start3A_835 = arith.constant 0 : i32
        %dma_start3A_836 = tpu.memref_slice %arg10[%add3A_832, %dma_start3A_835] : memref<10240x64xf32, #tpu.memory_space<hbm>> -> memref<80x64xf32, #tpu.memory_space<hbm>>
        tpu.enqueue_dma source(%arg17 : memref<80x64xf32, #tpu.memory_space<vmem>>) target(%dma_start3A_836 : memref<80x64xf32, #tpu.memory_space<hbm>>) target_semaphore(%run_scoped3A : memref<!tpu.dma_semaphore, #tpu.memory_space<semaphore_mem>>)
        %dma_wait3A_837 = arith.constant 0 : i32
        %dma_wait3A_838 = tpu.memref_slice %arg10[%add3A_832, %dma_wait3A_837] : memref<10240x64xf32, #tpu.memory_space<hbm>> -> memref<80x64xf32, #tpu.memory_space<hbm>>
        %dma_wait3A_839 = arith.constant 0 : i32
        %dma_wait3A_840 = tpu.memref_slice %arg10[%add3A_832, %dma_wait3A_839] : memref<10240x64xf32, #tpu.memory_space<hbm>> -> memref<80x64xf32, #tpu.memory_space<hbm>>
        tpu.wait_dma2 semaphore(%run_scoped3A : memref<!tpu.dma_semaphore, #tpu.memory_space<semaphore_mem>>) src(%arg17 : memref<80x64xf32, #tpu.memory_space<vmem>>) dst(%dma_wait3A_840 : memref<80x64xf32, #tpu.memory_space<hbm>>)
        tpu.yield
      }) : () -> ()
    } else {
    }
    %eq3A_608 = arith.constant 1 : i32
    %eq3A_609 = arith.cmpi eq, %arg0, %eq3A_608 : i32
    %convert_element_type3A_610 = arith.extui %eq3A_609 : i1 to i32
    %cond3A_611 = arith.constant 0 : i32
    %cond3A_612 = arith.cmpi ne, %convert_element_type3A_610, %cond3A_611 : i32
    scf.if %cond3A_612 {
      %add3A_831 = arith.constant 240 : i32
      %add3A_832 = arith.addi %mul3A_0, %add3A_831 : i32
      "tpu.region"() ({
        %run_scoped3A = tpu.sem_alloc : memref<!tpu.dma_semaphore, #tpu.memory_space<semaphore_mem>>
        %dma_start3A_833 = arith.constant 0 : i32
        %dma_start3A_834 = tpu.memref_slice %arg12[%add3A_832, %dma_start3A_833] : memref<10240x64xf32, #tpu.memory_space<hbm>> -> memref<80x64xf32, #tpu.memory_space<hbm>>
        %dma_start3A_835 = arith.constant 0 : i32
        %dma_start3A_836 = tpu.memref_slice %arg12[%add3A_832, %dma_start3A_835] : memref<10240x64xf32, #tpu.memory_space<hbm>> -> memref<80x64xf32, #tpu.memory_space<hbm>>
        tpu.enqueue_dma source(%arg17 : memref<80x64xf32, #tpu.memory_space<vmem>>) target(%dma_start3A_836 : memref<80x64xf32, #tpu.memory_space<hbm>>) target_semaphore(%run_scoped3A : memref<!tpu.dma_semaphore, #tpu.memory_space<semaphore_mem>>)
        %dma_wait3A_837 = arith.constant 0 : i32
        %dma_wait3A_838 = tpu.memref_slice %arg12[%add3A_832, %dma_wait3A_837] : memref<10240x64xf32, #tpu.memory_space<hbm>> -> memref<80x64xf32, #tpu.memory_space<hbm>>
        %dma_wait3A_839 = arith.constant 0 : i32
        %dma_wait3A_840 = tpu.memref_slice %arg12[%add3A_832, %dma_wait3A_839] : memref<10240x64xf32, #tpu.memory_space<hbm>> -> memref<80x64xf32, #tpu.memory_space<hbm>>
        tpu.wait_dma2 semaphore(%run_scoped3A : memref<!tpu.dma_semaphore, #tpu.memory_space<semaphore_mem>>) src(%arg17 : memref<80x64xf32, #tpu.memory_space<vmem>>) dst(%dma_wait3A_840 : memref<80x64xf32, #tpu.memory_space<hbm>>)
        tpu.yield
      }) : () -> ()
    } else {
    }
    %add3A_613 = arith.constant 320 : i32
    %add3A_614 = arith.addi %mul3A_0, %add3A_613 : i32
    "tpu.region"() ({
      %run_scoped3A = tpu.sem_alloc : memref<!tpu.dma_semaphore, #tpu.memory_space<semaphore_mem>>
      %dma_start3A_831 = arith.constant 0 : i32
      %dma_start3A_832 = tpu.memref_slice %arg21[%add3A_614, %dma_start3A_831] : memref<10240x64xf32, #tpu.memory_space<vmem_shared>> -> memref<80x64xf32, #tpu.memory_space<vmem_shared>>
      %dma_start3A_833 = arith.constant 0 : i32
      %dma_start3A_834 = tpu.memref_slice %arg21[%add3A_614, %dma_start3A_833] : memref<10240x64xf32, #tpu.memory_space<vmem_shared>> -> memref<80x64xf32, #tpu.memory_space<vmem_shared>>
      tpu.enqueue_dma source(%dma_start3A_834 : memref<80x64xf32, #tpu.memory_space<vmem_shared>>) target(%arg17 : memref<80x64xf32, #tpu.memory_space<vmem>>) target_semaphore(%run_scoped3A : memref<!tpu.dma_semaphore, #tpu.memory_space<semaphore_mem>>)
      %dma_wait3A_835 = arith.constant 0 : i32
      %dma_wait3A_836 = tpu.memref_slice %arg21[%add3A_614, %dma_wait3A_835] : memref<10240x64xf32, #tpu.memory_space<vmem_shared>> -> memref<80x64xf32, #tpu.memory_space<vmem_shared>>
      %dma_wait3A_837 = arith.constant 0 : i32
      %dma_wait3A_838 = tpu.memref_slice %arg21[%add3A_614, %dma_wait3A_837] : memref<10240x64xf32, #tpu.memory_space<vmem_shared>> -> memref<80x64xf32, #tpu.memory_space<vmem_shared>>
      tpu.wait_dma2 semaphore(%run_scoped3A : memref<!tpu.dma_semaphore, #tpu.memory_space<semaphore_mem>>) src(%dma_wait3A_838 : memref<80x64xf32, #tpu.memory_space<vmem_shared>>) dst(%arg17 : memref<80x64xf32, #tpu.memory_space<vmem>>)
      tpu.yield
    }) : () -> ()
    %eq3A_615 = arith.constant 0 : i32
    %eq3A_616 = arith.cmpi eq, %arg0, %eq3A_615 : i32
    %convert_element_type3A_617 = arith.extui %eq3A_616 : i1 to i32
    %cond3A_618 = arith.constant 0 : i32
    %cond3A_619 = arith.cmpi ne, %convert_element_type3A_617, %cond3A_618 : i32
    scf.if %cond3A_619 {
      %add3A_831 = arith.constant 320 : i32
      %add3A_832 = arith.addi %mul3A_0, %add3A_831 : i32
      "tpu.region"() ({
        %run_scoped3A = tpu.sem_alloc : memref<!tpu.dma_semaphore, #tpu.memory_space<semaphore_mem>>
        %dma_start3A_833 = arith.constant 0 : i32
        %dma_start3A_834 = tpu.memref_slice %arg10[%add3A_832, %dma_start3A_833] : memref<10240x64xf32, #tpu.memory_space<hbm>> -> memref<80x64xf32, #tpu.memory_space<hbm>>
        %dma_start3A_835 = arith.constant 0 : i32
        %dma_start3A_836 = tpu.memref_slice %arg10[%add3A_832, %dma_start3A_835] : memref<10240x64xf32, #tpu.memory_space<hbm>> -> memref<80x64xf32, #tpu.memory_space<hbm>>
        tpu.enqueue_dma source(%arg17 : memref<80x64xf32, #tpu.memory_space<vmem>>) target(%dma_start3A_836 : memref<80x64xf32, #tpu.memory_space<hbm>>) target_semaphore(%run_scoped3A : memref<!tpu.dma_semaphore, #tpu.memory_space<semaphore_mem>>)
        %dma_wait3A_837 = arith.constant 0 : i32
        %dma_wait3A_838 = tpu.memref_slice %arg10[%add3A_832, %dma_wait3A_837] : memref<10240x64xf32, #tpu.memory_space<hbm>> -> memref<80x64xf32, #tpu.memory_space<hbm>>
        %dma_wait3A_839 = arith.constant 0 : i32
        %dma_wait3A_840 = tpu.memref_slice %arg10[%add3A_832, %dma_wait3A_839] : memref<10240x64xf32, #tpu.memory_space<hbm>> -> memref<80x64xf32, #tpu.memory_space<hbm>>
        tpu.wait_dma2 semaphore(%run_scoped3A : memref<!tpu.dma_semaphore, #tpu.memory_space<semaphore_mem>>) src(%arg17 : memref<80x64xf32, #tpu.memory_space<vmem>>) dst(%dma_wait3A_840 : memref<80x64xf32, #tpu.memory_space<hbm>>)
        tpu.yield
      }) : () -> ()
    } else {
    }
    %eq3A_620 = arith.constant 1 : i32
    %eq3A_621 = arith.cmpi eq, %arg0, %eq3A_620 : i32
    %convert_element_type3A_622 = arith.extui %eq3A_621 : i1 to i32
    %cond3A_623 = arith.constant 0 : i32
    %cond3A_624 = arith.cmpi ne, %convert_element_type3A_622, %cond3A_623 : i32
    scf.if %cond3A_624 {
      %add3A_831 = arith.constant 320 : i32
      %add3A_832 = arith.addi %mul3A_0, %add3A_831 : i32
      "tpu.region"() ({
        %run_scoped3A = tpu.sem_alloc : memref<!tpu.dma_semaphore, #tpu.memory_space<semaphore_mem>>
        %dma_start3A_833 = arith.constant 0 : i32
        %dma_start3A_834 = tpu.memref_slice %arg12[%add3A_832, %dma_start3A_833] : memref<10240x64xf32, #tpu.memory_space<hbm>> -> memref<80x64xf32, #tpu.memory_space<hbm>>
        %dma_start3A_835 = arith.constant 0 : i32
        %dma_start3A_836 = tpu.memref_slice %arg12[%add3A_832, %dma_start3A_835] : memref<10240x64xf32, #tpu.memory_space<hbm>> -> memref<80x64xf32, #tpu.memory_space<hbm>>
        tpu.enqueue_dma source(%arg17 : memref<80x64xf32, #tpu.memory_space<vmem>>) target(%dma_start3A_836 : memref<80x64xf32, #tpu.memory_space<hbm>>) target_semaphore(%run_scoped3A : memref<!tpu.dma_semaphore, #tpu.memory_space<semaphore_mem>>)
        %dma_wait3A_837 = arith.constant 0 : i32
        %dma_wait3A_838 = tpu.memref_slice %arg12[%add3A_832, %dma_wait3A_837] : memref<10240x64xf32, #tpu.memory_space<hbm>> -> memref<80x64xf32, #tpu.memory_space<hbm>>
        %dma_wait3A_839 = arith.constant 0 : i32
        %dma_wait3A_840 = tpu.memref_slice %arg12[%add3A_832, %dma_wait3A_839] : memref<10240x64xf32, #tpu.memory_space<hbm>> -> memref<80x64xf32, #tpu.memory_space<hbm>>
        tpu.wait_dma2 semaphore(%run_scoped3A : memref<!tpu.dma_semaphore, #tpu.memory_space<semaphore_mem>>) src(%arg17 : memref<80x64xf32, #tpu.memory_space<vmem>>) dst(%dma_wait3A_840 : memref<80x64xf32, #tpu.memory_space<hbm>>)
        tpu.yield
      }) : () -> ()
    } else {
    }
    %add3A_625 = arith.constant 400 : i32
    %add3A_626 = arith.addi %mul3A_0, %add3A_625 : i32
    "tpu.region"() ({
      %run_scoped3A = tpu.sem_alloc : memref<!tpu.dma_semaphore, #tpu.memory_space<semaphore_mem>>
      %dma_start3A_831 = arith.constant 0 : i32
      %dma_start3A_832 = tpu.memref_slice %arg21[%add3A_626, %dma_start3A_831] : memref<10240x64xf32, #tpu.memory_space<vmem_shared>> -> memref<80x64xf32, #tpu.memory_space<vmem_shared>>
      %dma_start3A_833 = arith.constant 0 : i32
      %dma_start3A_834 = tpu.memref_slice %arg21[%add3A_626, %dma_start3A_833] : memref<10240x64xf32, #tpu.memory_space<vmem_shared>> -> memref<80x64xf32, #tpu.memory_space<vmem_shared>>
      tpu.enqueue_dma source(%dma_start3A_834 : memref<80x64xf32, #tpu.memory_space<vmem_shared>>) target(%arg17 : memref<80x64xf32, #tpu.memory_space<vmem>>) target_semaphore(%run_scoped3A : memref<!tpu.dma_semaphore, #tpu.memory_space<semaphore_mem>>)
      %dma_wait3A_835 = arith.constant 0 : i32
      %dma_wait3A_836 = tpu.memref_slice %arg21[%add3A_626, %dma_wait3A_835] : memref<10240x64xf32, #tpu.memory_space<vmem_shared>> -> memref<80x64xf32, #tpu.memory_space<vmem_shared>>
      %dma_wait3A_837 = arith.constant 0 : i32
      %dma_wait3A_838 = tpu.memref_slice %arg21[%add3A_626, %dma_wait3A_837] : memref<10240x64xf32, #tpu.memory_space<vmem_shared>> -> memref<80x64xf32, #tpu.memory_space<vmem_shared>>
      tpu.wait_dma2 semaphore(%run_scoped3A : memref<!tpu.dma_semaphore, #tpu.memory_space<semaphore_mem>>) src(%dma_wait3A_838 : memref<80x64xf32, #tpu.memory_space<vmem_shared>>) dst(%arg17 : memref<80x64xf32, #tpu.memory_space<vmem>>)
      tpu.yield
    }) : () -> ()
    %eq3A_627 = arith.constant 0 : i32
    %eq3A_628 = arith.cmpi eq, %arg0, %eq3A_627 : i32
    %convert_element_type3A_629 = arith.extui %eq3A_628 : i1 to i32
    %cond3A_630 = arith.constant 0 : i32
    %cond3A_631 = arith.cmpi ne, %convert_element_type3A_629, %cond3A_630 : i32
    scf.if %cond3A_631 {
      %add3A_831 = arith.constant 400 : i32
      %add3A_832 = arith.addi %mul3A_0, %add3A_831 : i32
      "tpu.region"() ({
        %run_scoped3A = tpu.sem_alloc : memref<!tpu.dma_semaphore, #tpu.memory_space<semaphore_mem>>
        %dma_start3A_833 = arith.constant 0 : i32
        %dma_start3A_834 = tpu.memref_slice %arg10[%add3A_832, %dma_start3A_833] : memref<10240x64xf32, #tpu.memory_space<hbm>> -> memref<80x64xf32, #tpu.memory_space<hbm>>
        %dma_start3A_835 = arith.constant 0 : i32
        %dma_start3A_836 = tpu.memref_slice %arg10[%add3A_832, %dma_start3A_835] : memref<10240x64xf32, #tpu.memory_space<hbm>> -> memref<80x64xf32, #tpu.memory_space<hbm>>
        tpu.enqueue_dma source(%arg17 : memref<80x64xf32, #tpu.memory_space<vmem>>) target(%dma_start3A_836 : memref<80x64xf32, #tpu.memory_space<hbm>>) target_semaphore(%run_scoped3A : memref<!tpu.dma_semaphore, #tpu.memory_space<semaphore_mem>>)
        %dma_wait3A_837 = arith.constant 0 : i32
        %dma_wait3A_838 = tpu.memref_slice %arg10[%add3A_832, %dma_wait3A_837] : memref<10240x64xf32, #tpu.memory_space<hbm>> -> memref<80x64xf32, #tpu.memory_space<hbm>>
        %dma_wait3A_839 = arith.constant 0 : i32
        %dma_wait3A_840 = tpu.memref_slice %arg10[%add3A_832, %dma_wait3A_839] : memref<10240x64xf32, #tpu.memory_space<hbm>> -> memref<80x64xf32, #tpu.memory_space<hbm>>
        tpu.wait_dma2 semaphore(%run_scoped3A : memref<!tpu.dma_semaphore, #tpu.memory_space<semaphore_mem>>) src(%arg17 : memref<80x64xf32, #tpu.memory_space<vmem>>) dst(%dma_wait3A_840 : memref<80x64xf32, #tpu.memory_space<hbm>>)
        tpu.yield
      }) : () -> ()
    } else {
    }
    %eq3A_632 = arith.constant 1 : i32
    %eq3A_633 = arith.cmpi eq, %arg0, %eq3A_632 : i32
    %convert_element_type3A_634 = arith.extui %eq3A_633 : i1 to i32
    %cond3A_635 = arith.constant 0 : i32
    %cond3A_636 = arith.cmpi ne, %convert_element_type3A_634, %cond3A_635 : i32
    scf.if %cond3A_636 {
      %add3A_831 = arith.constant 400 : i32
      %add3A_832 = arith.addi %mul3A_0, %add3A_831 : i32
      "tpu.region"() ({
        %run_scoped3A = tpu.sem_alloc : memref<!tpu.dma_semaphore, #tpu.memory_space<semaphore_mem>>
        %dma_start3A_833 = arith.constant 0 : i32
        %dma_start3A_834 = tpu.memref_slice %arg12[%add3A_832, %dma_start3A_833] : memref<10240x64xf32, #tpu.memory_space<hbm>> -> memref<80x64xf32, #tpu.memory_space<hbm>>
        %dma_start3A_835 = arith.constant 0 : i32
        %dma_start3A_836 = tpu.memref_slice %arg12[%add3A_832, %dma_start3A_835] : memref<10240x64xf32, #tpu.memory_space<hbm>> -> memref<80x64xf32, #tpu.memory_space<hbm>>
        tpu.enqueue_dma source(%arg17 : memref<80x64xf32, #tpu.memory_space<vmem>>) target(%dma_start3A_836 : memref<80x64xf32, #tpu.memory_space<hbm>>) target_semaphore(%run_scoped3A : memref<!tpu.dma_semaphore, #tpu.memory_space<semaphore_mem>>)
        %dma_wait3A_837 = arith.constant 0 : i32
        %dma_wait3A_838 = tpu.memref_slice %arg12[%add3A_832, %dma_wait3A_837] : memref<10240x64xf32, #tpu.memory_space<hbm>> -> memref<80x64xf32, #tpu.memory_space<hbm>>
        %dma_wait3A_839 = arith.constant 0 : i32
        %dma_wait3A_840 = tpu.memref_slice %arg12[%add3A_832, %dma_wait3A_839] : memref<10240x64xf32, #tpu.memory_space<hbm>> -> memref<80x64xf32, #tpu.memory_space<hbm>>
        tpu.wait_dma2 semaphore(%run_scoped3A : memref<!tpu.dma_semaphore, #tpu.memory_space<semaphore_mem>>) src(%arg17 : memref<80x64xf32, #tpu.memory_space<vmem>>) dst(%dma_wait3A_840 : memref<80x64xf32, #tpu.memory_space<hbm>>)
        tpu.yield
      }) : () -> ()
    } else {
    }
    %add3A_637 = arith.constant 480 : i32
    %add3A_638 = arith.addi %mul3A_0, %add3A_637 : i32
    "tpu.region"() ({
      %run_scoped3A = tpu.sem_alloc : memref<!tpu.dma_semaphore, #tpu.memory_space<semaphore_mem>>
      %dma_start3A_831 = arith.constant 0 : i32
      %dma_start3A_832 = tpu.memref_slice %arg21[%add3A_638, %dma_start3A_831] : memref<10240x64xf32, #tpu.memory_space<vmem_shared>> -> memref<80x64xf32, #tpu.memory_space<vmem_shared>>
      %dma_start3A_833 = arith.constant 0 : i32
      %dma_start3A_834 = tpu.memref_slice %arg21[%add3A_638, %dma_start3A_833] : memref<10240x64xf32, #tpu.memory_space<vmem_shared>> -> memref<80x64xf32, #tpu.memory_space<vmem_shared>>
      tpu.enqueue_dma source(%dma_start3A_834 : memref<80x64xf32, #tpu.memory_space<vmem_shared>>) target(%arg17 : memref<80x64xf32, #tpu.memory_space<vmem>>) target_semaphore(%run_scoped3A : memref<!tpu.dma_semaphore, #tpu.memory_space<semaphore_mem>>)
      %dma_wait3A_835 = arith.constant 0 : i32
      %dma_wait3A_836 = tpu.memref_slice %arg21[%add3A_638, %dma_wait3A_835] : memref<10240x64xf32, #tpu.memory_space<vmem_shared>> -> memref<80x64xf32, #tpu.memory_space<vmem_shared>>
      %dma_wait3A_837 = arith.constant 0 : i32
      %dma_wait3A_838 = tpu.memref_slice %arg21[%add3A_638, %dma_wait3A_837] : memref<10240x64xf32, #tpu.memory_space<vmem_shared>> -> memref<80x64xf32, #tpu.memory_space<vmem_shared>>
      tpu.wait_dma2 semaphore(%run_scoped3A : memref<!tpu.dma_semaphore, #tpu.memory_space<semaphore_mem>>) src(%dma_wait3A_838 : memref<80x64xf32, #tpu.memory_space<vmem_shared>>) dst(%arg17 : memref<80x64xf32, #tpu.memory_space<vmem>>)
      tpu.yield
    }) : () -> ()
    %eq3A_639 = arith.constant 0 : i32
    %eq3A_640 = arith.cmpi eq, %arg0, %eq3A_639 : i32
    %convert_element_type3A_641 = arith.extui %eq3A_640 : i1 to i32
    %cond3A_642 = arith.constant 0 : i32
    %cond3A_643 = arith.cmpi ne, %convert_element_type3A_641, %cond3A_642 : i32
    scf.if %cond3A_643 {
      %add3A_831 = arith.constant 480 : i32
      %add3A_832 = arith.addi %mul3A_0, %add3A_831 : i32
      "tpu.region"() ({
        %run_scoped3A = tpu.sem_alloc : memref<!tpu.dma_semaphore, #tpu.memory_space<semaphore_mem>>
        %dma_start3A_833 = arith.constant 0 : i32
        %dma_start3A_834 = tpu.memref_slice %arg10[%add3A_832, %dma_start3A_833] : memref<10240x64xf32, #tpu.memory_space<hbm>> -> memref<80x64xf32, #tpu.memory_space<hbm>>
        %dma_start3A_835 = arith.constant 0 : i32
        %dma_start3A_836 = tpu.memref_slice %arg10[%add3A_832, %dma_start3A_835] : memref<10240x64xf32, #tpu.memory_space<hbm>> -> memref<80x64xf32, #tpu.memory_space<hbm>>
        tpu.enqueue_dma source(%arg17 : memref<80x64xf32, #tpu.memory_space<vmem>>) target(%dma_start3A_836 : memref<80x64xf32, #tpu.memory_space<hbm>>) target_semaphore(%run_scoped3A : memref<!tpu.dma_semaphore, #tpu.memory_space<semaphore_mem>>)
        %dma_wait3A_837 = arith.constant 0 : i32
        %dma_wait3A_838 = tpu.memref_slice %arg10[%add3A_832, %dma_wait3A_837] : memref<10240x64xf32, #tpu.memory_space<hbm>> -> memref<80x64xf32, #tpu.memory_space<hbm>>
        %dma_wait3A_839 = arith.constant 0 : i32
        %dma_wait3A_840 = tpu.memref_slice %arg10[%add3A_832, %dma_wait3A_839] : memref<10240x64xf32, #tpu.memory_space<hbm>> -> memref<80x64xf32, #tpu.memory_space<hbm>>
        tpu.wait_dma2 semaphore(%run_scoped3A : memref<!tpu.dma_semaphore, #tpu.memory_space<semaphore_mem>>) src(%arg17 : memref<80x64xf32, #tpu.memory_space<vmem>>) dst(%dma_wait3A_840 : memref<80x64xf32, #tpu.memory_space<hbm>>)
        tpu.yield
      }) : () -> ()
    } else {
    }
    %eq3A_644 = arith.constant 1 : i32
    %eq3A_645 = arith.cmpi eq, %arg0, %eq3A_644 : i32
    %convert_element_type3A_646 = arith.extui %eq3A_645 : i1 to i32
    %cond3A_647 = arith.constant 0 : i32
    %cond3A_648 = arith.cmpi ne, %convert_element_type3A_646, %cond3A_647 : i32
    scf.if %cond3A_648 {
      %add3A_831 = arith.constant 480 : i32
      %add3A_832 = arith.addi %mul3A_0, %add3A_831 : i32
      "tpu.region"() ({
        %run_scoped3A = tpu.sem_alloc : memref<!tpu.dma_semaphore, #tpu.memory_space<semaphore_mem>>
        %dma_start3A_833 = arith.constant 0 : i32
        %dma_start3A_834 = tpu.memref_slice %arg12[%add3A_832, %dma_start3A_833] : memref<10240x64xf32, #tpu.memory_space<hbm>> -> memref<80x64xf32, #tpu.memory_space<hbm>>
        %dma_start3A_835 = arith.constant 0 : i32
        %dma_start3A_836 = tpu.memref_slice %arg12[%add3A_832, %dma_start3A_835] : memref<10240x64xf32, #tpu.memory_space<hbm>> -> memref<80x64xf32, #tpu.memory_space<hbm>>
        tpu.enqueue_dma source(%arg17 : memref<80x64xf32, #tpu.memory_space<vmem>>) target(%dma_start3A_836 : memref<80x64xf32, #tpu.memory_space<hbm>>) target_semaphore(%run_scoped3A : memref<!tpu.dma_semaphore, #tpu.memory_space<semaphore_mem>>)
        %dma_wait3A_837 = arith.constant 0 : i32
        %dma_wait3A_838 = tpu.memref_slice %arg12[%add3A_832, %dma_wait3A_837] : memref<10240x64xf32, #tpu.memory_space<hbm>> -> memref<80x64xf32, #tpu.memory_space<hbm>>
        %dma_wait3A_839 = arith.constant 0 : i32
        %dma_wait3A_840 = tpu.memref_slice %arg12[%add3A_832, %dma_wait3A_839] : memref<10240x64xf32, #tpu.memory_space<hbm>> -> memref<80x64xf32, #tpu.memory_space<hbm>>
        tpu.wait_dma2 semaphore(%run_scoped3A : memref<!tpu.dma_semaphore, #tpu.memory_space<semaphore_mem>>) src(%arg17 : memref<80x64xf32, #tpu.memory_space<vmem>>) dst(%dma_wait3A_840 : memref<80x64xf32, #tpu.memory_space<hbm>>)
        tpu.yield
      }) : () -> ()
    } else {
    }
    %add3A_649 = arith.constant 560 : i32
    %add3A_650 = arith.addi %mul3A_0, %add3A_649 : i32
    "tpu.region"() ({
      %run_scoped3A = tpu.sem_alloc : memref<!tpu.dma_semaphore, #tpu.memory_space<semaphore_mem>>
      %dma_start3A_831 = arith.constant 0 : i32
      %dma_start3A_832 = tpu.memref_slice %arg21[%add3A_650, %dma_start3A_831] : memref<10240x64xf32, #tpu.memory_space<vmem_shared>> -> memref<80x64xf32, #tpu.memory_space<vmem_shared>>
      %dma_start3A_833 = arith.constant 0 : i32
      %dma_start3A_834 = tpu.memref_slice %arg21[%add3A_650, %dma_start3A_833] : memref<10240x64xf32, #tpu.memory_space<vmem_shared>> -> memref<80x64xf32, #tpu.memory_space<vmem_shared>>
      tpu.enqueue_dma source(%dma_start3A_834 : memref<80x64xf32, #tpu.memory_space<vmem_shared>>) target(%arg17 : memref<80x64xf32, #tpu.memory_space<vmem>>) target_semaphore(%run_scoped3A : memref<!tpu.dma_semaphore, #tpu.memory_space<semaphore_mem>>)
      %dma_wait3A_835 = arith.constant 0 : i32
      %dma_wait3A_836 = tpu.memref_slice %arg21[%add3A_650, %dma_wait3A_835] : memref<10240x64xf32, #tpu.memory_space<vmem_shared>> -> memref<80x64xf32, #tpu.memory_space<vmem_shared>>
      %dma_wait3A_837 = arith.constant 0 : i32
      %dma_wait3A_838 = tpu.memref_slice %arg21[%add3A_650, %dma_wait3A_837] : memref<10240x64xf32, #tpu.memory_space<vmem_shared>> -> memref<80x64xf32, #tpu.memory_space<vmem_shared>>
      tpu.wait_dma2 semaphore(%run_scoped3A : memref<!tpu.dma_semaphore, #tpu.memory_space<semaphore_mem>>) src(%dma_wait3A_838 : memref<80x64xf32, #tpu.memory_space<vmem_shared>>) dst(%arg17 : memref<80x64xf32, #tpu.memory_space<vmem>>)
      tpu.yield
    }) : () -> ()
    %eq3A_651 = arith.constant 0 : i32
    %eq3A_652 = arith.cmpi eq, %arg0, %eq3A_651 : i32
    %convert_element_type3A_653 = arith.extui %eq3A_652 : i1 to i32
    %cond3A_654 = arith.constant 0 : i32
    %cond3A_655 = arith.cmpi ne, %convert_element_type3A_653, %cond3A_654 : i32
    scf.if %cond3A_655 {
      %add3A_831 = arith.constant 560 : i32
      %add3A_832 = arith.addi %mul3A_0, %add3A_831 : i32
      "tpu.region"() ({
        %run_scoped3A = tpu.sem_alloc : memref<!tpu.dma_semaphore, #tpu.memory_space<semaphore_mem>>
        %dma_start3A_833 = arith.constant 0 : i32
        %dma_start3A_834 = tpu.memref_slice %arg10[%add3A_832, %dma_start3A_833] : memref<10240x64xf32, #tpu.memory_space<hbm>> -> memref<80x64xf32, #tpu.memory_space<hbm>>
        %dma_start3A_835 = arith.constant 0 : i32
        %dma_start3A_836 = tpu.memref_slice %arg10[%add3A_832, %dma_start3A_835] : memref<10240x64xf32, #tpu.memory_space<hbm>> -> memref<80x64xf32, #tpu.memory_space<hbm>>
        tpu.enqueue_dma source(%arg17 : memref<80x64xf32, #tpu.memory_space<vmem>>) target(%dma_start3A_836 : memref<80x64xf32, #tpu.memory_space<hbm>>) target_semaphore(%run_scoped3A : memref<!tpu.dma_semaphore, #tpu.memory_space<semaphore_mem>>)
        %dma_wait3A_837 = arith.constant 0 : i32
        %dma_wait3A_838 = tpu.memref_slice %arg10[%add3A_832, %dma_wait3A_837] : memref<10240x64xf32, #tpu.memory_space<hbm>> -> memref<80x64xf32, #tpu.memory_space<hbm>>
        %dma_wait3A_839 = arith.constant 0 : i32
        %dma_wait3A_840 = tpu.memref_slice %arg10[%add3A_832, %dma_wait3A_839] : memref<10240x64xf32, #tpu.memory_space<hbm>> -> memref<80x64xf32, #tpu.memory_space<hbm>>
        tpu.wait_dma2 semaphore(%run_scoped3A : memref<!tpu.dma_semaphore, #tpu.memory_space<semaphore_mem>>) src(%arg17 : memref<80x64xf32, #tpu.memory_space<vmem>>) dst(%dma_wait3A_840 : memref<80x64xf32, #tpu.memory_space<hbm>>)
        tpu.yield
      }) : () -> ()
    } else {
    }
    %eq3A_656 = arith.constant 1 : i32
    %eq3A_657 = arith.cmpi eq, %arg0, %eq3A_656 : i32
    %convert_element_type3A_658 = arith.extui %eq3A_657 : i1 to i32
    %cond3A_659 = arith.constant 0 : i32
    %cond3A_660 = arith.cmpi ne, %convert_element_type3A_658, %cond3A_659 : i32
    scf.if %cond3A_660 {
      %add3A_831 = arith.constant 560 : i32
      %add3A_832 = arith.addi %mul3A_0, %add3A_831 : i32
      "tpu.region"() ({
        %run_scoped3A = tpu.sem_alloc : memref<!tpu.dma_semaphore, #tpu.memory_space<semaphore_mem>>
        %dma_start3A_833 = arith.constant 0 : i32
        %dma_start3A_834 = tpu.memref_slice %arg12[%add3A_832, %dma_start3A_833] : memref<10240x64xf32, #tpu.memory_space<hbm>> -> memref<80x64xf32, #tpu.memory_space<hbm>>
        %dma_start3A_835 = arith.constant 0 : i32
        %dma_start3A_836 = tpu.memref_slice %arg12[%add3A_832, %dma_start3A_835] : memref<10240x64xf32, #tpu.memory_space<hbm>> -> memref<80x64xf32, #tpu.memory_space<hbm>>
        tpu.enqueue_dma source(%arg17 : memref<80x64xf32, #tpu.memory_space<vmem>>) target(%dma_start3A_836 : memref<80x64xf32, #tpu.memory_space<hbm>>) target_semaphore(%run_scoped3A : memref<!tpu.dma_semaphore, #tpu.memory_space<semaphore_mem>>)
        %dma_wait3A_837 = arith.constant 0 : i32
        %dma_wait3A_838 = tpu.memref_slice %arg12[%add3A_832, %dma_wait3A_837] : memref<10240x64xf32, #tpu.memory_space<hbm>> -> memref<80x64xf32, #tpu.memory_space<hbm>>
        %dma_wait3A_839 = arith.constant 0 : i32
        %dma_wait3A_840 = tpu.memref_slice %arg12[%add3A_832, %dma_wait3A_839] : memref<10240x64xf32, #tpu.memory_space<hbm>> -> memref<80x64xf32, #tpu.memory_space<hbm>>
        tpu.wait_dma2 semaphore(%run_scoped3A : memref<!tpu.dma_semaphore, #tpu.memory_space<semaphore_mem>>) src(%arg17 : memref<80x64xf32, #tpu.memory_space<vmem>>) dst(%dma_wait3A_840 : memref<80x64xf32, #tpu.memory_space<hbm>>)
        tpu.yield
      }) : () -> ()
    } else {
    }
    %eq3A_661 = arith.constant 0 : i32
    %eq3A_662 = arith.cmpi eq, %arg0, %eq3A_661 : i32
    %convert_element_type3A_663 = arith.extui %eq3A_662 : i1 to i32
    %cond3A_664 = arith.constant 0 : i32
    %cond3A_665 = arith.cmpi ne, %convert_element_type3A_663, %cond3A_664 : i32
    scf.if %cond3A_665 {
      "tpu.region"() ({
        %run_scoped3A = tpu.sem_alloc : memref<!tpu.dma_semaphore, #tpu.memory_space<semaphore_mem>>
        %dma_start3A_831 = arith.constant 0 : i32
        %dma_start3A_832 = tpu.memref_slice %arg22[%mul3A_0, %dma_start3A_831] : memref<10240x16xf32, #tpu.memory_space<vmem_shared>> -> memref<640x16xf32, #tpu.memory_space<vmem_shared>>
        %dma_start3A_833 = arith.constant 0 : i32
        %dma_start3A_834 = tpu.memref_slice %arg22[%mul3A_0, %dma_start3A_833] : memref<10240x16xf32, #tpu.memory_space<vmem_shared>> -> memref<640x16xf32, #tpu.memory_space<vmem_shared>>
        tpu.enqueue_dma source(%dma_start3A_834 : memref<640x16xf32, #tpu.memory_space<vmem_shared>>) target(%arg20 : memref<640x16xf32, #tpu.memory_space<vmem>>) target_semaphore(%run_scoped3A : memref<!tpu.dma_semaphore, #tpu.memory_space<semaphore_mem>>)
        %dma_wait3A_835 = arith.constant 0 : i32
        %dma_wait3A_836 = tpu.memref_slice %arg22[%mul3A_0, %dma_wait3A_835] : memref<10240x16xf32, #tpu.memory_space<vmem_shared>> -> memref<640x16xf32, #tpu.memory_space<vmem_shared>>
        %dma_wait3A_837 = arith.constant 0 : i32
        %dma_wait3A_838 = tpu.memref_slice %arg22[%mul3A_0, %dma_wait3A_837] : memref<10240x16xf32, #tpu.memory_space<vmem_shared>> -> memref<640x16xf32, #tpu.memory_space<vmem_shared>>
        tpu.wait_dma2 semaphore(%run_scoped3A : memref<!tpu.dma_semaphore, #tpu.memory_space<semaphore_mem>>) src(%dma_wait3A_838 : memref<640x16xf32, #tpu.memory_space<vmem_shared>>) dst(%arg20 : memref<640x16xf32, #tpu.memory_space<vmem>>)
        tpu.yield
      }) : () -> ()
      "tpu.region"() ({
        %run_scoped3A = tpu.sem_alloc : memref<!tpu.dma_semaphore, #tpu.memory_space<semaphore_mem>>
        %dma_start3A_831 = arith.constant 0 : i32
        %dma_start3A_832 = tpu.memref_slice %arg14[%mul3A_0, %dma_start3A_831] : memref<10240x16xf32, #tpu.memory_space<hbm>> -> memref<640x16xf32, #tpu.memory_space<hbm>>
        %dma_start3A_833 = arith.constant 0 : i32
        %dma_start3A_834 = tpu.memref_slice %arg14[%mul3A_0, %dma_start3A_833] : memref<10240x16xf32, #tpu.memory_space<hbm>> -> memref<640x16xf32, #tpu.memory_space<hbm>>
        tpu.enqueue_dma source(%arg20 : memref<640x16xf32, #tpu.memory_space<vmem>>) target(%dma_start3A_834 : memref<640x16xf32, #tpu.memory_space<hbm>>) target_semaphore(%run_scoped3A : memref<!tpu.dma_semaphore, #tpu.memory_space<semaphore_mem>>)
        %dma_wait3A_835 = arith.constant 0 : i32
        %dma_wait3A_836 = tpu.memref_slice %arg14[%mul3A_0, %dma_wait3A_835] : memref<10240x16xf32, #tpu.memory_space<hbm>> -> memref<640x16xf32, #tpu.memory_space<hbm>>
        %dma_wait3A_837 = arith.constant 0 : i32
        %dma_wait3A_838 = tpu.memref_slice %arg14[%mul3A_0, %dma_wait3A_837] : memref<10240x16xf32, #tpu.memory_space<hbm>> -> memref<640x16xf32, #tpu.memory_space<hbm>>
        tpu.wait_dma2 semaphore(%run_scoped3A : memref<!tpu.dma_semaphore, #tpu.memory_space<semaphore_mem>>) src(%arg20 : memref<640x16xf32, #tpu.memory_space<vmem>>) dst(%dma_wait3A_838 : memref<640x16xf32, #tpu.memory_space<hbm>>)
        tpu.yield
      }) : () -> ()
    } else {
    }
    %eq3A_666 = arith.constant 0 : i32
    %eq3A_667 = arith.cmpi eq, %arg0, %eq3A_666 : i32
    %convert_element_type3A_668 = arith.extui %eq3A_667 : i1 to i32
    %cond3A_669 = arith.constant 0 : i32
    %cond3A_670 = arith.cmpi ne, %convert_element_type3A_668, %cond3A_669 : i32
    scf.if %cond3A_670 {
      "tpu.region"() ({
        %run_scoped3A = tpu.sem_alloc : memref<!tpu.dma_semaphore, #tpu.memory_space<semaphore_mem>>
        %dma_start3A_831 = arith.constant 0 : i32
        %dma_start3A_832 = tpu.memref_slice %arg4[%mul3A_2, %dma_start3A_831] : memref<2000x80xi32, #tpu.memory_space<hbm>> -> memref<125x80xi32, #tpu.memory_space<hbm>>
        %dma_start3A_833 = arith.constant 0 : i32
        %dma_start3A_834 = tpu.memref_slice %arg4[%mul3A_2, %dma_start3A_833] : memref<2000x80xi32, #tpu.memory_space<hbm>> -> memref<125x80xi32, #tpu.memory_space<hbm>>
        tpu.enqueue_dma source(%dma_start3A_834 : memref<125x80xi32, #tpu.memory_space<hbm>>) target(%arg15 : memref<125x80xi32, #tpu.memory_space<vmem>>) target_semaphore(%run_scoped3A : memref<!tpu.dma_semaphore, #tpu.memory_space<semaphore_mem>>)
        %dma_wait3A_835 = arith.constant 0 : i32
        %dma_wait3A_836 = tpu.memref_slice %arg4[%mul3A_2, %dma_wait3A_835] : memref<2000x80xi32, #tpu.memory_space<hbm>> -> memref<125x80xi32, #tpu.memory_space<hbm>>
        %dma_wait3A_837 = arith.constant 0 : i32
        %dma_wait3A_838 = tpu.memref_slice %arg4[%mul3A_2, %dma_wait3A_837] : memref<2000x80xi32, #tpu.memory_space<hbm>> -> memref<125x80xi32, #tpu.memory_space<hbm>>
        tpu.wait_dma2 semaphore(%run_scoped3A : memref<!tpu.dma_semaphore, #tpu.memory_space<semaphore_mem>>) src(%dma_wait3A_838 : memref<125x80xi32, #tpu.memory_space<hbm>>) dst(%arg15 : memref<125x80xi32, #tpu.memory_space<vmem>>)
        tpu.yield
      }) : () -> ()
    } else {
    }
    %eq3A_671 = arith.constant 1 : i32
    %eq3A_672 = arith.cmpi eq, %arg0, %eq3A_671 : i32
    %convert_element_type3A_673 = arith.extui %eq3A_672 : i1 to i32
    %cond3A_674 = arith.constant 0 : i32
    %cond3A_675 = arith.cmpi ne, %convert_element_type3A_673, %cond3A_674 : i32
    scf.if %cond3A_675 {
      "tpu.region"() ({
        %run_scoped3A = tpu.sem_alloc : memref<!tpu.dma_semaphore, #tpu.memory_space<semaphore_mem>>
        %dma_start3A_831 = arith.constant 0 : i32
        %dma_start3A_832 = tpu.memref_slice %arg6[%mul3A_2, %dma_start3A_831] : memref<2000x80xi32, #tpu.memory_space<hbm>> -> memref<125x80xi32, #tpu.memory_space<hbm>>
        %dma_start3A_833 = arith.constant 0 : i32
        %dma_start3A_834 = tpu.memref_slice %arg6[%mul3A_2, %dma_start3A_833] : memref<2000x80xi32, #tpu.memory_space<hbm>> -> memref<125x80xi32, #tpu.memory_space<hbm>>
        tpu.enqueue_dma source(%dma_start3A_834 : memref<125x80xi32, #tpu.memory_space<hbm>>) target(%arg15 : memref<125x80xi32, #tpu.memory_space<vmem>>) target_semaphore(%run_scoped3A : memref<!tpu.dma_semaphore, #tpu.memory_space<semaphore_mem>>)
        %dma_wait3A_835 = arith.constant 0 : i32
        %dma_wait3A_836 = tpu.memref_slice %arg6[%mul3A_2, %dma_wait3A_835] : memref<2000x80xi32, #tpu.memory_space<hbm>> -> memref<125x80xi32, #tpu.memory_space<hbm>>
        %dma_wait3A_837 = arith.constant 0 : i32
        %dma_wait3A_838 = tpu.memref_slice %arg6[%mul3A_2, %dma_wait3A_837] : memref<2000x80xi32, #tpu.memory_space<hbm>> -> memref<125x80xi32, #tpu.memory_space<hbm>>
        tpu.wait_dma2 semaphore(%run_scoped3A : memref<!tpu.dma_semaphore, #tpu.memory_space<semaphore_mem>>) src(%dma_wait3A_838 : memref<125x80xi32, #tpu.memory_space<hbm>>) dst(%arg15 : memref<125x80xi32, #tpu.memory_space<vmem>>)
        tpu.yield
      }) : () -> ()
    } else {
    }
    "tpu.region"() ({
      %run_scoped3A = tpu.sem_alloc : memref<!tpu.dma_semaphore, #tpu.memory_space<semaphore_mem>>
      tpu.enqueue_dma source(%arg8 : memref<80x64xf32, #tpu.memory_space<hbm>>) target(%arg17 : memref<80x64xf32, #tpu.memory_space<vmem>>) target_semaphore(%run_scoped3A : memref<!tpu.dma_semaphore, #tpu.memory_space<semaphore_mem>>)
      tpu.wait_dma2 semaphore(%run_scoped3A : memref<!tpu.dma_semaphore, #tpu.memory_space<semaphore_mem>>) src(%arg8 : memref<80x64xf32, #tpu.memory_space<hbm>>) dst(%arg17 : memref<80x64xf32, #tpu.memory_space<vmem>>)
      tpu.yield
    }) : () -> ()
    %add3A_676 = arith.constant 0 : i32
    %add3A_677 = arith.addi %mul3A_0, %add3A_676 : i32
    "tpu.region"() ({
      %run_scoped3A = tpu.sem_alloc : memref<!tpu.dma_semaphore, #tpu.memory_space<semaphore_mem>>
      %dma_start3A_831 = arith.constant 0 : i32
      %dma_start3A_832 = tpu.memref_slice %arg21[%add3A_677, %dma_start3A_831] : memref<10240x64xf32, #tpu.memory_space<vmem_shared>> -> memref<80x64xf32, #tpu.memory_space<vmem_shared>>
      %dma_start3A_833 = arith.constant 0 : i32
      %dma_start3A_834 = tpu.memref_slice %arg21[%add3A_677, %dma_start3A_833] : memref<10240x64xf32, #tpu.memory_space<vmem_shared>> -> memref<80x64xf32, #tpu.memory_space<vmem_shared>>
      tpu.enqueue_dma source(%arg17 : memref<80x64xf32, #tpu.memory_space<vmem>>) target(%dma_start3A_834 : memref<80x64xf32, #tpu.memory_space<vmem_shared>>) target_semaphore(%run_scoped3A : memref<!tpu.dma_semaphore, #tpu.memory_space<semaphore_mem>>)
      %dma_wait3A_835 = arith.constant 0 : i32
      %dma_wait3A_836 = tpu.memref_slice %arg21[%add3A_677, %dma_wait3A_835] : memref<10240x64xf32, #tpu.memory_space<vmem_shared>> -> memref<80x64xf32, #tpu.memory_space<vmem_shared>>
      %dma_wait3A_837 = arith.constant 0 : i32
      %dma_wait3A_838 = tpu.memref_slice %arg21[%add3A_677, %dma_wait3A_837] : memref<10240x64xf32, #tpu.memory_space<vmem_shared>> -> memref<80x64xf32, #tpu.memory_space<vmem_shared>>
      tpu.wait_dma2 semaphore(%run_scoped3A : memref<!tpu.dma_semaphore, #tpu.memory_space<semaphore_mem>>) src(%arg17 : memref<80x64xf32, #tpu.memory_space<vmem>>) dst(%dma_wait3A_838 : memref<80x64xf32, #tpu.memory_space<vmem_shared>>)
      tpu.yield
    }) : () -> ()
    %add3A_678 = arith.constant 80 : i32
    %add3A_679 = arith.addi %mul3A_0, %add3A_678 : i32
    "tpu.region"() ({
      %run_scoped3A = tpu.sem_alloc : memref<!tpu.dma_semaphore, #tpu.memory_space<semaphore_mem>>
      %dma_start3A_831 = arith.constant 0 : i32
      %dma_start3A_832 = tpu.memref_slice %arg21[%add3A_679, %dma_start3A_831] : memref<10240x64xf32, #tpu.memory_space<vmem_shared>> -> memref<80x64xf32, #tpu.memory_space<vmem_shared>>
      %dma_start3A_833 = arith.constant 0 : i32
      %dma_start3A_834 = tpu.memref_slice %arg21[%add3A_679, %dma_start3A_833] : memref<10240x64xf32, #tpu.memory_space<vmem_shared>> -> memref<80x64xf32, #tpu.memory_space<vmem_shared>>
      tpu.enqueue_dma source(%arg17 : memref<80x64xf32, #tpu.memory_space<vmem>>) target(%dma_start3A_834 : memref<80x64xf32, #tpu.memory_space<vmem_shared>>) target_semaphore(%run_scoped3A : memref<!tpu.dma_semaphore, #tpu.memory_space<semaphore_mem>>)
      %dma_wait3A_835 = arith.constant 0 : i32
      %dma_wait3A_836 = tpu.memref_slice %arg21[%add3A_679, %dma_wait3A_835] : memref<10240x64xf32, #tpu.memory_space<vmem_shared>> -> memref<80x64xf32, #tpu.memory_space<vmem_shared>>
      %dma_wait3A_837 = arith.constant 0 : i32
      %dma_wait3A_838 = tpu.memref_slice %arg21[%add3A_679, %dma_wait3A_837] : memref<10240x64xf32, #tpu.memory_space<vmem_shared>> -> memref<80x64xf32, #tpu.memory_space<vmem_shared>>
      tpu.wait_dma2 semaphore(%run_scoped3A : memref<!tpu.dma_semaphore, #tpu.memory_space<semaphore_mem>>) src(%arg17 : memref<80x64xf32, #tpu.memory_space<vmem>>) dst(%dma_wait3A_838 : memref<80x64xf32, #tpu.memory_space<vmem_shared>>)
      tpu.yield
    }) : () -> ()
    %add3A_680 = arith.constant 160 : i32
    %add3A_681 = arith.addi %mul3A_0, %add3A_680 : i32
    "tpu.region"() ({
      %run_scoped3A = tpu.sem_alloc : memref<!tpu.dma_semaphore, #tpu.memory_space<semaphore_mem>>
      %dma_start3A_831 = arith.constant 0 : i32
      %dma_start3A_832 = tpu.memref_slice %arg21[%add3A_681, %dma_start3A_831] : memref<10240x64xf32, #tpu.memory_space<vmem_shared>> -> memref<80x64xf32, #tpu.memory_space<vmem_shared>>
      %dma_start3A_833 = arith.constant 0 : i32
      %dma_start3A_834 = tpu.memref_slice %arg21[%add3A_681, %dma_start3A_833] : memref<10240x64xf32, #tpu.memory_space<vmem_shared>> -> memref<80x64xf32, #tpu.memory_space<vmem_shared>>
      tpu.enqueue_dma source(%arg17 : memref<80x64xf32, #tpu.memory_space<vmem>>) target(%dma_start3A_834 : memref<80x64xf32, #tpu.memory_space<vmem_shared>>) target_semaphore(%run_scoped3A : memref<!tpu.dma_semaphore, #tpu.memory_space<semaphore_mem>>)
      %dma_wait3A_835 = arith.constant 0 : i32
      %dma_wait3A_836 = tpu.memref_slice %arg21[%add3A_681, %dma_wait3A_835] : memref<10240x64xf32, #tpu.memory_space<vmem_shared>> -> memref<80x64xf32, #tpu.memory_space<vmem_shared>>
      %dma_wait3A_837 = arith.constant 0 : i32
      %dma_wait3A_838 = tpu.memref_slice %arg21[%add3A_681, %dma_wait3A_837] : memref<10240x64xf32, #tpu.memory_space<vmem_shared>> -> memref<80x64xf32, #tpu.memory_space<vmem_shared>>
      tpu.wait_dma2 semaphore(%run_scoped3A : memref<!tpu.dma_semaphore, #tpu.memory_space<semaphore_mem>>) src(%arg17 : memref<80x64xf32, #tpu.memory_space<vmem>>) dst(%dma_wait3A_838 : memref<80x64xf32, #tpu.memory_space<vmem_shared>>)
      tpu.yield
    }) : () -> ()
    %add3A_682 = arith.constant 240 : i32
    %add3A_683 = arith.addi %mul3A_0, %add3A_682 : i32
    "tpu.region"() ({
      %run_scoped3A = tpu.sem_alloc : memref<!tpu.dma_semaphore, #tpu.memory_space<semaphore_mem>>
      %dma_start3A_831 = arith.constant 0 : i32
      %dma_start3A_832 = tpu.memref_slice %arg21[%add3A_683, %dma_start3A_831] : memref<10240x64xf32, #tpu.memory_space<vmem_shared>> -> memref<80x64xf32, #tpu.memory_space<vmem_shared>>
      %dma_start3A_833 = arith.constant 0 : i32
      %dma_start3A_834 = tpu.memref_slice %arg21[%add3A_683, %dma_start3A_833] : memref<10240x64xf32, #tpu.memory_space<vmem_shared>> -> memref<80x64xf32, #tpu.memory_space<vmem_shared>>
      tpu.enqueue_dma source(%arg17 : memref<80x64xf32, #tpu.memory_space<vmem>>) target(%dma_start3A_834 : memref<80x64xf32, #tpu.memory_space<vmem_shared>>) target_semaphore(%run_scoped3A : memref<!tpu.dma_semaphore, #tpu.memory_space<semaphore_mem>>)
      %dma_wait3A_835 = arith.constant 0 : i32
      %dma_wait3A_836 = tpu.memref_slice %arg21[%add3A_683, %dma_wait3A_835] : memref<10240x64xf32, #tpu.memory_space<vmem_shared>> -> memref<80x64xf32, #tpu.memory_space<vmem_shared>>
      %dma_wait3A_837 = arith.constant 0 : i32
      %dma_wait3A_838 = tpu.memref_slice %arg21[%add3A_683, %dma_wait3A_837] : memref<10240x64xf32, #tpu.memory_space<vmem_shared>> -> memref<80x64xf32, #tpu.memory_space<vmem_shared>>
      tpu.wait_dma2 semaphore(%run_scoped3A : memref<!tpu.dma_semaphore, #tpu.memory_space<semaphore_mem>>) src(%arg17 : memref<80x64xf32, #tpu.memory_space<vmem>>) dst(%dma_wait3A_838 : memref<80x64xf32, #tpu.memory_space<vmem_shared>>)
      tpu.yield
    }) : () -> ()
    %add3A_684 = arith.constant 320 : i32
    %add3A_685 = arith.addi %mul3A_0, %add3A_684 : i32
    "tpu.region"() ({
      %run_scoped3A = tpu.sem_alloc : memref<!tpu.dma_semaphore, #tpu.memory_space<semaphore_mem>>
      %dma_start3A_831 = arith.constant 0 : i32
      %dma_start3A_832 = tpu.memref_slice %arg21[%add3A_685, %dma_start3A_831] : memref<10240x64xf32, #tpu.memory_space<vmem_shared>> -> memref<80x64xf32, #tpu.memory_space<vmem_shared>>
      %dma_start3A_833 = arith.constant 0 : i32
      %dma_start3A_834 = tpu.memref_slice %arg21[%add3A_685, %dma_start3A_833] : memref<10240x64xf32, #tpu.memory_space<vmem_shared>> -> memref<80x64xf32, #tpu.memory_space<vmem_shared>>
      tpu.enqueue_dma source(%arg17 : memref<80x64xf32, #tpu.memory_space<vmem>>) target(%dma_start3A_834 : memref<80x64xf32, #tpu.memory_space<vmem_shared>>) target_semaphore(%run_scoped3A : memref<!tpu.dma_semaphore, #tpu.memory_space<semaphore_mem>>)
      %dma_wait3A_835 = arith.constant 0 : i32
      %dma_wait3A_836 = tpu.memref_slice %arg21[%add3A_685, %dma_wait3A_835] : memref<10240x64xf32, #tpu.memory_space<vmem_shared>> -> memref<80x64xf32, #tpu.memory_space<vmem_shared>>
      %dma_wait3A_837 = arith.constant 0 : i32
      %dma_wait3A_838 = tpu.memref_slice %arg21[%add3A_685, %dma_wait3A_837] : memref<10240x64xf32, #tpu.memory_space<vmem_shared>> -> memref<80x64xf32, #tpu.memory_space<vmem_shared>>
      tpu.wait_dma2 semaphore(%run_scoped3A : memref<!tpu.dma_semaphore, #tpu.memory_space<semaphore_mem>>) src(%arg17 : memref<80x64xf32, #tpu.memory_space<vmem>>) dst(%dma_wait3A_838 : memref<80x64xf32, #tpu.memory_space<vmem_shared>>)
      tpu.yield
    }) : () -> ()
    %add3A_686 = arith.constant 400 : i32
    %add3A_687 = arith.addi %mul3A_0, %add3A_686 : i32
    "tpu.region"() ({
      %run_scoped3A = tpu.sem_alloc : memref<!tpu.dma_semaphore, #tpu.memory_space<semaphore_mem>>
      %dma_start3A_831 = arith.constant 0 : i32
      %dma_start3A_832 = tpu.memref_slice %arg21[%add3A_687, %dma_start3A_831] : memref<10240x64xf32, #tpu.memory_space<vmem_shared>> -> memref<80x64xf32, #tpu.memory_space<vmem_shared>>
      %dma_start3A_833 = arith.constant 0 : i32
      %dma_start3A_834 = tpu.memref_slice %arg21[%add3A_687, %dma_start3A_833] : memref<10240x64xf32, #tpu.memory_space<vmem_shared>> -> memref<80x64xf32, #tpu.memory_space<vmem_shared>>
      tpu.enqueue_dma source(%arg17 : memref<80x64xf32, #tpu.memory_space<vmem>>) target(%dma_start3A_834 : memref<80x64xf32, #tpu.memory_space<vmem_shared>>) target_semaphore(%run_scoped3A : memref<!tpu.dma_semaphore, #tpu.memory_space<semaphore_mem>>)
      %dma_wait3A_835 = arith.constant 0 : i32
      %dma_wait3A_836 = tpu.memref_slice %arg21[%add3A_687, %dma_wait3A_835] : memref<10240x64xf32, #tpu.memory_space<vmem_shared>> -> memref<80x64xf32, #tpu.memory_space<vmem_shared>>
      %dma_wait3A_837 = arith.constant 0 : i32
      %dma_wait3A_838 = tpu.memref_slice %arg21[%add3A_687, %dma_wait3A_837] : memref<10240x64xf32, #tpu.memory_space<vmem_shared>> -> memref<80x64xf32, #tpu.memory_space<vmem_shared>>
      tpu.wait_dma2 semaphore(%run_scoped3A : memref<!tpu.dma_semaphore, #tpu.memory_space<semaphore_mem>>) src(%arg17 : memref<80x64xf32, #tpu.memory_space<vmem>>) dst(%dma_wait3A_838 : memref<80x64xf32, #tpu.memory_space<vmem_shared>>)
      tpu.yield
    }) : () -> ()
    %add3A_688 = arith.constant 480 : i32
    %add3A_689 = arith.addi %mul3A_0, %add3A_688 : i32
    "tpu.region"() ({
      %run_scoped3A = tpu.sem_alloc : memref<!tpu.dma_semaphore, #tpu.memory_space<semaphore_mem>>
      %dma_start3A_831 = arith.constant 0 : i32
      %dma_start3A_832 = tpu.memref_slice %arg21[%add3A_689, %dma_start3A_831] : memref<10240x64xf32, #tpu.memory_space<vmem_shared>> -> memref<80x64xf32, #tpu.memory_space<vmem_shared>>
      %dma_start3A_833 = arith.constant 0 : i32
      %dma_start3A_834 = tpu.memref_slice %arg21[%add3A_689, %dma_start3A_833] : memref<10240x64xf32, #tpu.memory_space<vmem_shared>> -> memref<80x64xf32, #tpu.memory_space<vmem_shared>>
      tpu.enqueue_dma source(%arg17 : memref<80x64xf32, #tpu.memory_space<vmem>>) target(%dma_start3A_834 : memref<80x64xf32, #tpu.memory_space<vmem_shared>>) target_semaphore(%run_scoped3A : memref<!tpu.dma_semaphore, #tpu.memory_space<semaphore_mem>>)
      %dma_wait3A_835 = arith.constant 0 : i32
      %dma_wait3A_836 = tpu.memref_slice %arg21[%add3A_689, %dma_wait3A_835] : memref<10240x64xf32, #tpu.memory_space<vmem_shared>> -> memref<80x64xf32, #tpu.memory_space<vmem_shared>>
      %dma_wait3A_837 = arith.constant 0 : i32
      %dma_wait3A_838 = tpu.memref_slice %arg21[%add3A_689, %dma_wait3A_837] : memref<10240x64xf32, #tpu.memory_space<vmem_shared>> -> memref<80x64xf32, #tpu.memory_space<vmem_shared>>
      tpu.wait_dma2 semaphore(%run_scoped3A : memref<!tpu.dma_semaphore, #tpu.memory_space<semaphore_mem>>) src(%arg17 : memref<80x64xf32, #tpu.memory_space<vmem>>) dst(%dma_wait3A_838 : memref<80x64xf32, #tpu.memory_space<vmem_shared>>)
      tpu.yield
    }) : () -> ()
    %add3A_690 = arith.constant 560 : i32
    %add3A_691 = arith.addi %mul3A_0, %add3A_690 : i32
    "tpu.region"() ({
      %run_scoped3A = tpu.sem_alloc : memref<!tpu.dma_semaphore, #tpu.memory_space<semaphore_mem>>
      %dma_start3A_831 = arith.constant 0 : i32
      %dma_start3A_832 = tpu.memref_slice %arg21[%add3A_691, %dma_start3A_831] : memref<10240x64xf32, #tpu.memory_space<vmem_shared>> -> memref<80x64xf32, #tpu.memory_space<vmem_shared>>
      %dma_start3A_833 = arith.constant 0 : i32
      %dma_start3A_834 = tpu.memref_slice %arg21[%add3A_691, %dma_start3A_833] : memref<10240x64xf32, #tpu.memory_space<vmem_shared>> -> memref<80x64xf32, #tpu.memory_space<vmem_shared>>
      tpu.enqueue_dma source(%arg17 : memref<80x64xf32, #tpu.memory_space<vmem>>) target(%dma_start3A_834 : memref<80x64xf32, #tpu.memory_space<vmem_shared>>) target_semaphore(%run_scoped3A : memref<!tpu.dma_semaphore, #tpu.memory_space<semaphore_mem>>)
      %dma_wait3A_835 = arith.constant 0 : i32
      %dma_wait3A_836 = tpu.memref_slice %arg21[%add3A_691, %dma_wait3A_835] : memref<10240x64xf32, #tpu.memory_space<vmem_shared>> -> memref<80x64xf32, #tpu.memory_space<vmem_shared>>
      %dma_wait3A_837 = arith.constant 0 : i32
      %dma_wait3A_838 = tpu.memref_slice %arg21[%add3A_691, %dma_wait3A_837] : memref<10240x64xf32, #tpu.memory_space<vmem_shared>> -> memref<80x64xf32, #tpu.memory_space<vmem_shared>>
      tpu.wait_dma2 semaphore(%run_scoped3A : memref<!tpu.dma_semaphore, #tpu.memory_space<semaphore_mem>>) src(%arg17 : memref<80x64xf32, #tpu.memory_space<vmem>>) dst(%dma_wait3A_838 : memref<80x64xf32, #tpu.memory_space<vmem_shared>>)
      tpu.yield
    }) : () -> ()
    %barrier3A_692 = arith.constant 0 : index
    tpu.barrier barrier_id(%barrier3A_692)
    %dma_start3A_693 = arith.constant 0 : i32
    %dma_start3A_694 = arith.constant 0 : i32
    %dma_start3A_695 = tpu.memref_slice %arg15[%dma_start3A_693, %dma_start3A_694] : memref<125x80xi32, #tpu.memory_space<vmem>> -> memref<1x80xi32, #tpu.memory_space<vmem>>
    %dma_start3A_696 = tpu.memref_squeeze %dma_start3A_695 : memref<1x80xi32, #tpu.memory_space<vmem>> -> memref<80xi32, #tpu.memory_space<vmem>>
    %dma_start3A_697 = arith.constant 0 : i32
    %dma_start3A_698 = arith.constant 0 : i32
    %dma_start3A_699 = tpu.memref_slice %arg2[%dma_start3A_697, %dma_start3A_698] : memref<40000x64xf32, #tpu.memory_space<hbm>> -> memref<40000x64xf32, #tpu.memory_space<hbm>>
    tpu.enqueue_indirect_dma source(%dma_start3A_699 : memref<40000x64xf32, #tpu.memory_space<hbm>>) target(%arg17 : memref<80x64xf32, #tpu.memory_space<vmem>>) offsets(%dma_start3A_696 : memref<80xi32, #tpu.memory_space<vmem>>) semaphore(%arg23 : memref<!tpu.dma_semaphore, #tpu.memory_space<semaphore_mem>>)
    %scan3A_700 = arith.constant 0 : i32
    %scan3A_701 = arith.constant 0 : i32
    %scan3A_702 = arith.constant 62 : i32
    %scan3A_703 = arith.addi %scan3A_701, %scan3A_702 : i32
    %scan3A_704 = arith.constant 1 : i32
    scf.for %scan3A_831 = %scan3A_701 to %scan3A_703 step %scan3A_704  : i32 {
      %mul3A_832 = arith.constant 2 : i32
      %mul3A_833 = arith.muli %mul3A_832, %scan3A_831 : i32
      %dma_wait3A_834 = arith.constant 0 : i32
      %dma_wait3A_835 = arith.constant 0 : i32
      %dma_wait3A_836 = tpu.memref_slice %arg15[%dma_wait3A_834, %dma_wait3A_835] : memref<125x80xi32, #tpu.memory_space<vmem>> -> memref<1x80xi32, #tpu.memory_space<vmem>>
      %dma_wait3A_837 = tpu.memref_squeeze %dma_wait3A_836 : memref<1x80xi32, #tpu.memory_space<vmem>> -> memref<80xi32, #tpu.memory_space<vmem>>
      %dma_wait3A_838 = arith.constant 0 : i32
      %dma_wait3A_839 = arith.constant 0 : i32
      %dma_wait3A_840 = tpu.memref_slice %arg2[%dma_wait3A_838, %dma_wait3A_839] : memref<40000x64xf32, #tpu.memory_space<hbm>> -> memref<40000x64xf32, #tpu.memory_space<hbm>>
      tpu.wait_indirect_dma semaphore(%arg23 : memref<!tpu.dma_semaphore, #tpu.memory_space<semaphore_mem>>) src(%dma_wait3A_840 : memref<40000x64xf32, #tpu.memory_space<hbm>>) dst(%arg17 : memref<80x64xf32, #tpu.memory_space<vmem>>)
      %dma_start3A_841 = arith.constant 0 : i32
      %dma_start3A_842 = tpu.memref_slice %arg16[%mul3A_833, %dma_start3A_841] : memref<125x80xi32, #tpu.memory_space<vmem>> -> memref<1x80xi32, #tpu.memory_space<vmem>>
      %dma_start3A_843 = tpu.memref_squeeze %dma_start3A_842 : memref<1x80xi32, #tpu.memory_space<vmem>> -> memref<80xi32, #tpu.memory_space<vmem>>
      %dma_start3A_844 = arith.constant 0 : i32
      %dma_start3A_845 = arith.constant 0 : i32
      %dma_start3A_846 = tpu.memref_slice %arg21[%dma_start3A_844, %dma_start3A_845] : memref<10240x64xf32, #tpu.memory_space<vmem_shared>> -> memref<10240x64xf32, #tpu.memory_space<vmem_shared>>
      tpu.enqueue_indirect_dma source(%arg17 : memref<80x64xf32, #tpu.memory_space<vmem>>) target(%dma_start3A_846 : memref<10240x64xf32, #tpu.memory_space<vmem_shared>>) offsets(%dma_start3A_843 : memref<80xi32, #tpu.memory_space<vmem>>) semaphore(%arg25 : memref<!tpu.dma_semaphore, #tpu.memory_space<semaphore_mem>>) {add = true}
      %gt3A = arith.constant 0 : i32
      %gt3A_847 = arith.cmpi sgt, %scan3A_831, %gt3A : i32
      %convert_element_type3A_848 = arith.extui %gt3A_847 : i1 to i32
      %cond3A_849 = arith.constant 0 : i32
      %cond3A_850 = arith.cmpi ne, %convert_element_type3A_848, %cond3A_849 : i32
      scf.if %cond3A_850 {
        %dma_wait3A_889 = arith.constant 0 : i32
        %dma_wait3A_890 = arith.constant 0 : i32
        %dma_wait3A_891 = tpu.memref_slice %arg16[%dma_wait3A_889, %dma_wait3A_890] : memref<125x80xi32, #tpu.memory_space<vmem>> -> memref<1x80xi32, #tpu.memory_space<vmem>>
        %dma_wait3A_892 = tpu.memref_squeeze %dma_wait3A_891 : memref<1x80xi32, #tpu.memory_space<vmem>> -> memref<80xi32, #tpu.memory_space<vmem>>
        %dma_wait3A_893 = arith.constant 0 : i32
        %dma_wait3A_894 = arith.constant 0 : i32
        %dma_wait3A_895 = tpu.memref_slice %arg21[%dma_wait3A_893, %dma_wait3A_894] : memref<10240x64xf32, #tpu.memory_space<vmem_shared>> -> memref<10240x64xf32, #tpu.memory_space<vmem_shared>>
        tpu.wait_indirect_dma semaphore(%arg26 : memref<!tpu.dma_semaphore, #tpu.memory_space<semaphore_mem>>) src(%arg18 : memref<80x64xf32, #tpu.memory_space<vmem>>) dst(%dma_wait3A_895 : memref<10240x64xf32, #tpu.memory_space<vmem_shared>>)
      } else {
      }
      %add3A_851 = arith.constant 1 : i32
      %add3A_852 = arith.addi %mul3A_833, %add3A_851 : i32
      %dma_start3A_853 = arith.constant 0 : i32
      %dma_start3A_854 = tpu.memref_slice %arg15[%add3A_852, %dma_start3A_853] : memref<125x80xi32, #tpu.memory_space<vmem>> -> memref<1x80xi32, #tpu.memory_space<vmem>>
      %dma_start3A_855 = tpu.memref_squeeze %dma_start3A_854 : memref<1x80xi32, #tpu.memory_space<vmem>> -> memref<80xi32, #tpu.memory_space<vmem>>
      %dma_start3A_856 = arith.constant 0 : i32
      %dma_start3A_857 = arith.constant 0 : i32
      %dma_start3A_858 = tpu.memref_slice %arg2[%dma_start3A_856, %dma_start3A_857] : memref<40000x64xf32, #tpu.memory_space<hbm>> -> memref<40000x64xf32, #tpu.memory_space<hbm>>
      tpu.enqueue_indirect_dma source(%dma_start3A_858 : memref<40000x64xf32, #tpu.memory_space<hbm>>) target(%arg18 : memref<80x64xf32, #tpu.memory_space<vmem>>) offsets(%dma_start3A_855 : memref<80xi32, #tpu.memory_space<vmem>>) semaphore(%arg24 : memref<!tpu.dma_semaphore, #tpu.memory_space<semaphore_mem>>)
      %dma_wait3A_859 = arith.constant 0 : i32
      %dma_wait3A_860 = arith.constant 0 : i32
      %dma_wait3A_861 = tpu.memref_slice %arg15[%dma_wait3A_859, %dma_wait3A_860] : memref<125x80xi32, #tpu.memory_space<vmem>> -> memref<1x80xi32, #tpu.memory_space<vmem>>
      %dma_wait3A_862 = tpu.memref_squeeze %dma_wait3A_861 : memref<1x80xi32, #tpu.memory_space<vmem>> -> memref<80xi32, #tpu.memory_space<vmem>>
      %dma_wait3A_863 = arith.constant 0 : i32
      %dma_wait3A_864 = arith.constant 0 : i32
      %dma_wait3A_865 = tpu.memref_slice %arg2[%dma_wait3A_863, %dma_wait3A_864] : memref<40000x64xf32, #tpu.memory_space<hbm>> -> memref<40000x64xf32, #tpu.memory_space<hbm>>
      tpu.wait_indirect_dma semaphore(%arg24 : memref<!tpu.dma_semaphore, #tpu.memory_space<semaphore_mem>>) src(%dma_wait3A_865 : memref<40000x64xf32, #tpu.memory_space<hbm>>) dst(%arg18 : memref<80x64xf32, #tpu.memory_space<vmem>>)
      %add3A_866 = arith.constant 1 : i32
      %add3A_867 = arith.addi %mul3A_833, %add3A_866 : i32
      %dma_start3A_868 = arith.constant 0 : i32
      %dma_start3A_869 = tpu.memref_slice %arg16[%add3A_867, %dma_start3A_868] : memref<125x80xi32, #tpu.memory_space<vmem>> -> memref<1x80xi32, #tpu.memory_space<vmem>>
      %dma_start3A_870 = tpu.memref_squeeze %dma_start3A_869 : memref<1x80xi32, #tpu.memory_space<vmem>> -> memref<80xi32, #tpu.memory_space<vmem>>
      %dma_start3A_871 = arith.constant 0 : i32
      %dma_start3A_872 = arith.constant 0 : i32
      %dma_start3A_873 = tpu.memref_slice %arg21[%dma_start3A_871, %dma_start3A_872] : memref<10240x64xf32, #tpu.memory_space<vmem_shared>> -> memref<10240x64xf32, #tpu.memory_space<vmem_shared>>
      tpu.enqueue_indirect_dma source(%arg18 : memref<80x64xf32, #tpu.memory_space<vmem>>) target(%dma_start3A_873 : memref<10240x64xf32, #tpu.memory_space<vmem_shared>>) offsets(%dma_start3A_870 : memref<80xi32, #tpu.memory_space<vmem>>) semaphore(%arg26 : memref<!tpu.dma_semaphore, #tpu.memory_space<semaphore_mem>>) {add = true}
      %dma_wait3A_874 = arith.constant 0 : i32
      %dma_wait3A_875 = arith.constant 0 : i32
      %dma_wait3A_876 = tpu.memref_slice %arg16[%dma_wait3A_874, %dma_wait3A_875] : memref<125x80xi32, #tpu.memory_space<vmem>> -> memref<1x80xi32, #tpu.memory_space<vmem>>
      %dma_wait3A_877 = tpu.memref_squeeze %dma_wait3A_876 : memref<1x80xi32, #tpu.memory_space<vmem>> -> memref<80xi32, #tpu.memory_space<vmem>>
      %dma_wait3A_878 = arith.constant 0 : i32
      %dma_wait3A_879 = arith.constant 0 : i32
      %dma_wait3A_880 = tpu.memref_slice %arg21[%dma_wait3A_878, %dma_wait3A_879] : memref<10240x64xf32, #tpu.memory_space<vmem_shared>> -> memref<10240x64xf32, #tpu.memory_space<vmem_shared>>
      tpu.wait_indirect_dma semaphore(%arg25 : memref<!tpu.dma_semaphore, #tpu.memory_space<semaphore_mem>>) src(%arg17 : memref<80x64xf32, #tpu.memory_space<vmem>>) dst(%dma_wait3A_880 : memref<10240x64xf32, #tpu.memory_space<vmem_shared>>)
      %add3A_881 = arith.constant 2 : i32
      %add3A_882 = arith.addi %mul3A_833, %add3A_881 : i32
      %dma_start3A_883 = arith.constant 0 : i32
      %dma_start3A_884 = tpu.memref_slice %arg15[%add3A_882, %dma_start3A_883] : memref<125x80xi32, #tpu.memory_space<vmem>> -> memref<1x80xi32, #tpu.memory_space<vmem>>
      %dma_start3A_885 = tpu.memref_squeeze %dma_start3A_884 : memref<1x80xi32, #tpu.memory_space<vmem>> -> memref<80xi32, #tpu.memory_space<vmem>>
      %dma_start3A_886 = arith.constant 0 : i32
      %dma_start3A_887 = arith.constant 0 : i32
      %dma_start3A_888 = tpu.memref_slice %arg2[%dma_start3A_886, %dma_start3A_887] : memref<40000x64xf32, #tpu.memory_space<hbm>> -> memref<40000x64xf32, #tpu.memory_space<hbm>>
      tpu.enqueue_indirect_dma source(%dma_start3A_888 : memref<40000x64xf32, #tpu.memory_space<hbm>>) target(%arg17 : memref<80x64xf32, #tpu.memory_space<vmem>>) offsets(%dma_start3A_885 : memref<80xi32, #tpu.memory_space<vmem>>) semaphore(%arg23 : memref<!tpu.dma_semaphore, #tpu.memory_space<semaphore_mem>>)
    }
    %scan3A_705 = arith.constant 62 : i32
    %dma_wait3A_706 = arith.constant 0 : i32
    %dma_wait3A_707 = arith.constant 0 : i32
    %dma_wait3A_708 = tpu.memref_slice %arg15[%dma_wait3A_706, %dma_wait3A_707] : memref<125x80xi32, #tpu.memory_space<vmem>> -> memref<1x80xi32, #tpu.memory_space<vmem>>
    %dma_wait3A_709 = tpu.memref_squeeze %dma_wait3A_708 : memref<1x80xi32, #tpu.memory_space<vmem>> -> memref<80xi32, #tpu.memory_space<vmem>>
    %dma_wait3A_710 = arith.constant 0 : i32
    %dma_wait3A_711 = arith.constant 0 : i32
    %dma_wait3A_712 = tpu.memref_slice %arg2[%dma_wait3A_710, %dma_wait3A_711] : memref<40000x64xf32, #tpu.memory_space<hbm>> -> memref<40000x64xf32, #tpu.memory_space<hbm>>
    tpu.wait_indirect_dma semaphore(%arg23 : memref<!tpu.dma_semaphore, #tpu.memory_space<semaphore_mem>>) src(%dma_wait3A_712 : memref<40000x64xf32, #tpu.memory_space<hbm>>) dst(%arg17 : memref<80x64xf32, #tpu.memory_space<vmem>>)
    %dma_start3A_713 = arith.constant 124 : i32
    %dma_start3A_714 = arith.constant 0 : i32
    %dma_start3A_715 = tpu.memref_slice %arg16[%dma_start3A_713, %dma_start3A_714] : memref<125x80xi32, #tpu.memory_space<vmem>> -> memref<1x80xi32, #tpu.memory_space<vmem>>
    %dma_start3A_716 = tpu.memref_squeeze %dma_start3A_715 : memref<1x80xi32, #tpu.memory_space<vmem>> -> memref<80xi32, #tpu.memory_space<vmem>>
    %dma_start3A_717 = arith.constant 0 : i32
    %dma_start3A_718 = arith.constant 0 : i32
    %dma_start3A_719 = tpu.memref_slice %arg21[%dma_start3A_717, %dma_start3A_718] : memref<10240x64xf32, #tpu.memory_space<vmem_shared>> -> memref<10240x64xf32, #tpu.memory_space<vmem_shared>>
    tpu.enqueue_indirect_dma source(%arg17 : memref<80x64xf32, #tpu.memory_space<vmem>>) target(%dma_start3A_719 : memref<10240x64xf32, #tpu.memory_space<vmem_shared>>) offsets(%dma_start3A_716 : memref<80xi32, #tpu.memory_space<vmem>>) semaphore(%arg25 : memref<!tpu.dma_semaphore, #tpu.memory_space<semaphore_mem>>) {add = true}
    %dma_wait3A_720 = arith.constant 0 : i32
    %dma_wait3A_721 = arith.constant 0 : i32
    %dma_wait3A_722 = tpu.memref_slice %arg16[%dma_wait3A_720, %dma_wait3A_721] : memref<125x80xi32, #tpu.memory_space<vmem>> -> memref<1x80xi32, #tpu.memory_space<vmem>>
    %dma_wait3A_723 = tpu.memref_squeeze %dma_wait3A_722 : memref<1x80xi32, #tpu.memory_space<vmem>> -> memref<80xi32, #tpu.memory_space<vmem>>
    %dma_wait3A_724 = arith.constant 0 : i32
    %dma_wait3A_725 = arith.constant 0 : i32
    %dma_wait3A_726 = tpu.memref_slice %arg21[%dma_wait3A_724, %dma_wait3A_725] : memref<10240x64xf32, #tpu.memory_space<vmem_shared>> -> memref<10240x64xf32, #tpu.memory_space<vmem_shared>>
    tpu.wait_indirect_dma semaphore(%arg26 : memref<!tpu.dma_semaphore, #tpu.memory_space<semaphore_mem>>) src(%arg18 : memref<80x64xf32, #tpu.memory_space<vmem>>) dst(%dma_wait3A_726 : memref<10240x64xf32, #tpu.memory_space<vmem_shared>>)
    %dma_wait3A_727 = arith.constant 0 : i32
    %dma_wait3A_728 = arith.constant 0 : i32
    %dma_wait3A_729 = tpu.memref_slice %arg16[%dma_wait3A_727, %dma_wait3A_728] : memref<125x80xi32, #tpu.memory_space<vmem>> -> memref<1x80xi32, #tpu.memory_space<vmem>>
    %dma_wait3A_730 = tpu.memref_squeeze %dma_wait3A_729 : memref<1x80xi32, #tpu.memory_space<vmem>> -> memref<80xi32, #tpu.memory_space<vmem>>
    %dma_wait3A_731 = arith.constant 0 : i32
    %dma_wait3A_732 = arith.constant 0 : i32
    %dma_wait3A_733 = tpu.memref_slice %arg21[%dma_wait3A_731, %dma_wait3A_732] : memref<10240x64xf32, #tpu.memory_space<vmem_shared>> -> memref<10240x64xf32, #tpu.memory_space<vmem_shared>>
    tpu.wait_indirect_dma semaphore(%arg25 : memref<!tpu.dma_semaphore, #tpu.memory_space<semaphore_mem>>) src(%arg17 : memref<80x64xf32, #tpu.memory_space<vmem>>) dst(%dma_wait3A_733 : memref<10240x64xf32, #tpu.memory_space<vmem_shared>>)
    %barrier3A_734 = arith.constant 0 : index
    tpu.barrier barrier_id(%barrier3A_734)
    %add3A_735 = arith.constant 0 : i32
    %add3A_736 = arith.addi %mul3A_0, %add3A_735 : i32
    "tpu.region"() ({
      %run_scoped3A = tpu.sem_alloc : memref<!tpu.dma_semaphore, #tpu.memory_space<semaphore_mem>>
      %dma_start3A_831 = arith.constant 0 : i32
      %dma_start3A_832 = tpu.memref_slice %arg21[%add3A_736, %dma_start3A_831] : memref<10240x64xf32, #tpu.memory_space<vmem_shared>> -> memref<80x64xf32, #tpu.memory_space<vmem_shared>>
      %dma_start3A_833 = arith.constant 0 : i32
      %dma_start3A_834 = tpu.memref_slice %arg21[%add3A_736, %dma_start3A_833] : memref<10240x64xf32, #tpu.memory_space<vmem_shared>> -> memref<80x64xf32, #tpu.memory_space<vmem_shared>>
      tpu.enqueue_dma source(%dma_start3A_834 : memref<80x64xf32, #tpu.memory_space<vmem_shared>>) target(%arg17 : memref<80x64xf32, #tpu.memory_space<vmem>>) target_semaphore(%run_scoped3A : memref<!tpu.dma_semaphore, #tpu.memory_space<semaphore_mem>>)
      %dma_wait3A_835 = arith.constant 0 : i32
      %dma_wait3A_836 = tpu.memref_slice %arg21[%add3A_736, %dma_wait3A_835] : memref<10240x64xf32, #tpu.memory_space<vmem_shared>> -> memref<80x64xf32, #tpu.memory_space<vmem_shared>>
      %dma_wait3A_837 = arith.constant 0 : i32
      %dma_wait3A_838 = tpu.memref_slice %arg21[%add3A_736, %dma_wait3A_837] : memref<10240x64xf32, #tpu.memory_space<vmem_shared>> -> memref<80x64xf32, #tpu.memory_space<vmem_shared>>
      tpu.wait_dma2 semaphore(%run_scoped3A : memref<!tpu.dma_semaphore, #tpu.memory_space<semaphore_mem>>) src(%dma_wait3A_838 : memref<80x64xf32, #tpu.memory_space<vmem_shared>>) dst(%arg17 : memref<80x64xf32, #tpu.memory_space<vmem>>)
      tpu.yield
    }) : () -> ()
    %eq3A_737 = arith.constant 0 : i32
    %eq3A_738 = arith.cmpi eq, %arg0, %eq3A_737 : i32
    %convert_element_type3A_739 = arith.extui %eq3A_738 : i1 to i32
    %cond3A_740 = arith.constant 0 : i32
    %cond3A_741 = arith.cmpi ne, %convert_element_type3A_739, %cond3A_740 : i32
    scf.if %cond3A_741 {
      %add3A_831 = arith.constant 0 : i32
      %add3A_832 = arith.addi %mul3A_0, %add3A_831 : i32
      "tpu.region"() ({
        %run_scoped3A = tpu.sem_alloc : memref<!tpu.dma_semaphore, #tpu.memory_space<semaphore_mem>>
        %dma_start3A_833 = arith.constant 0 : i32
        %dma_start3A_834 = tpu.memref_slice %arg11[%add3A_832, %dma_start3A_833] : memref<10240x64xf32, #tpu.memory_space<hbm>> -> memref<80x64xf32, #tpu.memory_space<hbm>>
        %dma_start3A_835 = arith.constant 0 : i32
        %dma_start3A_836 = tpu.memref_slice %arg11[%add3A_832, %dma_start3A_835] : memref<10240x64xf32, #tpu.memory_space<hbm>> -> memref<80x64xf32, #tpu.memory_space<hbm>>
        tpu.enqueue_dma source(%arg17 : memref<80x64xf32, #tpu.memory_space<vmem>>) target(%dma_start3A_836 : memref<80x64xf32, #tpu.memory_space<hbm>>) target_semaphore(%run_scoped3A : memref<!tpu.dma_semaphore, #tpu.memory_space<semaphore_mem>>)
        %dma_wait3A_837 = arith.constant 0 : i32
        %dma_wait3A_838 = tpu.memref_slice %arg11[%add3A_832, %dma_wait3A_837] : memref<10240x64xf32, #tpu.memory_space<hbm>> -> memref<80x64xf32, #tpu.memory_space<hbm>>
        %dma_wait3A_839 = arith.constant 0 : i32
        %dma_wait3A_840 = tpu.memref_slice %arg11[%add3A_832, %dma_wait3A_839] : memref<10240x64xf32, #tpu.memory_space<hbm>> -> memref<80x64xf32, #tpu.memory_space<hbm>>
        tpu.wait_dma2 semaphore(%run_scoped3A : memref<!tpu.dma_semaphore, #tpu.memory_space<semaphore_mem>>) src(%arg17 : memref<80x64xf32, #tpu.memory_space<vmem>>) dst(%dma_wait3A_840 : memref<80x64xf32, #tpu.memory_space<hbm>>)
        tpu.yield
      }) : () -> ()
    } else {
    }
    %eq3A_742 = arith.constant 1 : i32
    %eq3A_743 = arith.cmpi eq, %arg0, %eq3A_742 : i32
    %convert_element_type3A_744 = arith.extui %eq3A_743 : i1 to i32
    %cond3A_745 = arith.constant 0 : i32
    %cond3A_746 = arith.cmpi ne, %convert_element_type3A_744, %cond3A_745 : i32
    scf.if %cond3A_746 {
      %add3A_831 = arith.constant 0 : i32
      %add3A_832 = arith.addi %mul3A_0, %add3A_831 : i32
      "tpu.region"() ({
        %run_scoped3A = tpu.sem_alloc : memref<!tpu.dma_semaphore, #tpu.memory_space<semaphore_mem>>
        %dma_start3A_833 = arith.constant 0 : i32
        %dma_start3A_834 = tpu.memref_slice %arg13[%add3A_832, %dma_start3A_833] : memref<10240x64xf32, #tpu.memory_space<hbm>> -> memref<80x64xf32, #tpu.memory_space<hbm>>
        %dma_start3A_835 = arith.constant 0 : i32
        %dma_start3A_836 = tpu.memref_slice %arg13[%add3A_832, %dma_start3A_835] : memref<10240x64xf32, #tpu.memory_space<hbm>> -> memref<80x64xf32, #tpu.memory_space<hbm>>
        tpu.enqueue_dma source(%arg17 : memref<80x64xf32, #tpu.memory_space<vmem>>) target(%dma_start3A_836 : memref<80x64xf32, #tpu.memory_space<hbm>>) target_semaphore(%run_scoped3A : memref<!tpu.dma_semaphore, #tpu.memory_space<semaphore_mem>>)
        %dma_wait3A_837 = arith.constant 0 : i32
        %dma_wait3A_838 = tpu.memref_slice %arg13[%add3A_832, %dma_wait3A_837] : memref<10240x64xf32, #tpu.memory_space<hbm>> -> memref<80x64xf32, #tpu.memory_space<hbm>>
        %dma_wait3A_839 = arith.constant 0 : i32
        %dma_wait3A_840 = tpu.memref_slice %arg13[%add3A_832, %dma_wait3A_839] : memref<10240x64xf32, #tpu.memory_space<hbm>> -> memref<80x64xf32, #tpu.memory_space<hbm>>
        tpu.wait_dma2 semaphore(%run_scoped3A : memref<!tpu.dma_semaphore, #tpu.memory_space<semaphore_mem>>) src(%arg17 : memref<80x64xf32, #tpu.memory_space<vmem>>) dst(%dma_wait3A_840 : memref<80x64xf32, #tpu.memory_space<hbm>>)
        tpu.yield
      }) : () -> ()
    } else {
    }
    %add3A_747 = arith.constant 80 : i32
    %add3A_748 = arith.addi %mul3A_0, %add3A_747 : i32
    "tpu.region"() ({
      %run_scoped3A = tpu.sem_alloc : memref<!tpu.dma_semaphore, #tpu.memory_space<semaphore_mem>>
      %dma_start3A_831 = arith.constant 0 : i32
      %dma_start3A_832 = tpu.memref_slice %arg21[%add3A_748, %dma_start3A_831] : memref<10240x64xf32, #tpu.memory_space<vmem_shared>> -> memref<80x64xf32, #tpu.memory_space<vmem_shared>>
      %dma_start3A_833 = arith.constant 0 : i32
      %dma_start3A_834 = tpu.memref_slice %arg21[%add3A_748, %dma_start3A_833] : memref<10240x64xf32, #tpu.memory_space<vmem_shared>> -> memref<80x64xf32, #tpu.memory_space<vmem_shared>>
      tpu.enqueue_dma source(%dma_start3A_834 : memref<80x64xf32, #tpu.memory_space<vmem_shared>>) target(%arg17 : memref<80x64xf32, #tpu.memory_space<vmem>>) target_semaphore(%run_scoped3A : memref<!tpu.dma_semaphore, #tpu.memory_space<semaphore_mem>>)
      %dma_wait3A_835 = arith.constant 0 : i32
      %dma_wait3A_836 = tpu.memref_slice %arg21[%add3A_748, %dma_wait3A_835] : memref<10240x64xf32, #tpu.memory_space<vmem_shared>> -> memref<80x64xf32, #tpu.memory_space<vmem_shared>>
      %dma_wait3A_837 = arith.constant 0 : i32
      %dma_wait3A_838 = tpu.memref_slice %arg21[%add3A_748, %dma_wait3A_837] : memref<10240x64xf32, #tpu.memory_space<vmem_shared>> -> memref<80x64xf32, #tpu.memory_space<vmem_shared>>
      tpu.wait_dma2 semaphore(%run_scoped3A : memref<!tpu.dma_semaphore, #tpu.memory_space<semaphore_mem>>) src(%dma_wait3A_838 : memref<80x64xf32, #tpu.memory_space<vmem_shared>>) dst(%arg17 : memref<80x64xf32, #tpu.memory_space<vmem>>)
      tpu.yield
    }) : () -> ()
    %eq3A_749 = arith.constant 0 : i32
    %eq3A_750 = arith.cmpi eq, %arg0, %eq3A_749 : i32
    %convert_element_type3A_751 = arith.extui %eq3A_750 : i1 to i32
    %cond3A_752 = arith.constant 0 : i32
    %cond3A_753 = arith.cmpi ne, %convert_element_type3A_751, %cond3A_752 : i32
    scf.if %cond3A_753 {
      %add3A_831 = arith.constant 80 : i32
      %add3A_832 = arith.addi %mul3A_0, %add3A_831 : i32
      "tpu.region"() ({
        %run_scoped3A = tpu.sem_alloc : memref<!tpu.dma_semaphore, #tpu.memory_space<semaphore_mem>>
        %dma_start3A_833 = arith.constant 0 : i32
        %dma_start3A_834 = tpu.memref_slice %arg11[%add3A_832, %dma_start3A_833] : memref<10240x64xf32, #tpu.memory_space<hbm>> -> memref<80x64xf32, #tpu.memory_space<hbm>>
        %dma_start3A_835 = arith.constant 0 : i32
        %dma_start3A_836 = tpu.memref_slice %arg11[%add3A_832, %dma_start3A_835] : memref<10240x64xf32, #tpu.memory_space<hbm>> -> memref<80x64xf32, #tpu.memory_space<hbm>>
        tpu.enqueue_dma source(%arg17 : memref<80x64xf32, #tpu.memory_space<vmem>>) target(%dma_start3A_836 : memref<80x64xf32, #tpu.memory_space<hbm>>) target_semaphore(%run_scoped3A : memref<!tpu.dma_semaphore, #tpu.memory_space<semaphore_mem>>)
        %dma_wait3A_837 = arith.constant 0 : i32
        %dma_wait3A_838 = tpu.memref_slice %arg11[%add3A_832, %dma_wait3A_837] : memref<10240x64xf32, #tpu.memory_space<hbm>> -> memref<80x64xf32, #tpu.memory_space<hbm>>
        %dma_wait3A_839 = arith.constant 0 : i32
        %dma_wait3A_840 = tpu.memref_slice %arg11[%add3A_832, %dma_wait3A_839] : memref<10240x64xf32, #tpu.memory_space<hbm>> -> memref<80x64xf32, #tpu.memory_space<hbm>>
        tpu.wait_dma2 semaphore(%run_scoped3A : memref<!tpu.dma_semaphore, #tpu.memory_space<semaphore_mem>>) src(%arg17 : memref<80x64xf32, #tpu.memory_space<vmem>>) dst(%dma_wait3A_840 : memref<80x64xf32, #tpu.memory_space<hbm>>)
        tpu.yield
      }) : () -> ()
    } else {
    }
    %eq3A_754 = arith.constant 1 : i32
    %eq3A_755 = arith.cmpi eq, %arg0, %eq3A_754 : i32
    %convert_element_type3A_756 = arith.extui %eq3A_755 : i1 to i32
    %cond3A_757 = arith.constant 0 : i32
    %cond3A_758 = arith.cmpi ne, %convert_element_type3A_756, %cond3A_757 : i32
    scf.if %cond3A_758 {
      %add3A_831 = arith.constant 80 : i32
      %add3A_832 = arith.addi %mul3A_0, %add3A_831 : i32
      "tpu.region"() ({
        %run_scoped3A = tpu.sem_alloc : memref<!tpu.dma_semaphore, #tpu.memory_space<semaphore_mem>>
        %dma_start3A_833 = arith.constant 0 : i32
        %dma_start3A_834 = tpu.memref_slice %arg13[%add3A_832, %dma_start3A_833] : memref<10240x64xf32, #tpu.memory_space<hbm>> -> memref<80x64xf32, #tpu.memory_space<hbm>>
        %dma_start3A_835 = arith.constant 0 : i32
        %dma_start3A_836 = tpu.memref_slice %arg13[%add3A_832, %dma_start3A_835] : memref<10240x64xf32, #tpu.memory_space<hbm>> -> memref<80x64xf32, #tpu.memory_space<hbm>>
        tpu.enqueue_dma source(%arg17 : memref<80x64xf32, #tpu.memory_space<vmem>>) target(%dma_start3A_836 : memref<80x64xf32, #tpu.memory_space<hbm>>) target_semaphore(%run_scoped3A : memref<!tpu.dma_semaphore, #tpu.memory_space<semaphore_mem>>)
        %dma_wait3A_837 = arith.constant 0 : i32
        %dma_wait3A_838 = tpu.memref_slice %arg13[%add3A_832, %dma_wait3A_837] : memref<10240x64xf32, #tpu.memory_space<hbm>> -> memref<80x64xf32, #tpu.memory_space<hbm>>
        %dma_wait3A_839 = arith.constant 0 : i32
        %dma_wait3A_840 = tpu.memref_slice %arg13[%add3A_832, %dma_wait3A_839] : memref<10240x64xf32, #tpu.memory_space<hbm>> -> memref<80x64xf32, #tpu.memory_space<hbm>>
        tpu.wait_dma2 semaphore(%run_scoped3A : memref<!tpu.dma_semaphore, #tpu.memory_space<semaphore_mem>>) src(%arg17 : memref<80x64xf32, #tpu.memory_space<vmem>>) dst(%dma_wait3A_840 : memref<80x64xf32, #tpu.memory_space<hbm>>)
        tpu.yield
      }) : () -> ()
    } else {
    }
    %add3A_759 = arith.constant 160 : i32
    %add3A_760 = arith.addi %mul3A_0, %add3A_759 : i32
    "tpu.region"() ({
      %run_scoped3A = tpu.sem_alloc : memref<!tpu.dma_semaphore, #tpu.memory_space<semaphore_mem>>
      %dma_start3A_831 = arith.constant 0 : i32
      %dma_start3A_832 = tpu.memref_slice %arg21[%add3A_760, %dma_start3A_831] : memref<10240x64xf32, #tpu.memory_space<vmem_shared>> -> memref<80x64xf32, #tpu.memory_space<vmem_shared>>
      %dma_start3A_833 = arith.constant 0 : i32
      %dma_start3A_834 = tpu.memref_slice %arg21[%add3A_760, %dma_start3A_833] : memref<10240x64xf32, #tpu.memory_space<vmem_shared>> -> memref<80x64xf32, #tpu.memory_space<vmem_shared>>
      tpu.enqueue_dma source(%dma_start3A_834 : memref<80x64xf32, #tpu.memory_space<vmem_shared>>) target(%arg17 : memref<80x64xf32, #tpu.memory_space<vmem>>) target_semaphore(%run_scoped3A : memref<!tpu.dma_semaphore, #tpu.memory_space<semaphore_mem>>)
      %dma_wait3A_835 = arith.constant 0 : i32
      %dma_wait3A_836 = tpu.memref_slice %arg21[%add3A_760, %dma_wait3A_835] : memref<10240x64xf32, #tpu.memory_space<vmem_shared>> -> memref<80x64xf32, #tpu.memory_space<vmem_shared>>
      %dma_wait3A_837 = arith.constant 0 : i32
      %dma_wait3A_838 = tpu.memref_slice %arg21[%add3A_760, %dma_wait3A_837] : memref<10240x64xf32, #tpu.memory_space<vmem_shared>> -> memref<80x64xf32, #tpu.memory_space<vmem_shared>>
      tpu.wait_dma2 semaphore(%run_scoped3A : memref<!tpu.dma_semaphore, #tpu.memory_space<semaphore_mem>>) src(%dma_wait3A_838 : memref<80x64xf32, #tpu.memory_space<vmem_shared>>) dst(%arg17 : memref<80x64xf32, #tpu.memory_space<vmem>>)
      tpu.yield
    }) : () -> ()
    %eq3A_761 = arith.constant 0 : i32
    %eq3A_762 = arith.cmpi eq, %arg0, %eq3A_761 : i32
    %convert_element_type3A_763 = arith.extui %eq3A_762 : i1 to i32
    %cond3A_764 = arith.constant 0 : i32
    %cond3A_765 = arith.cmpi ne, %convert_element_type3A_763, %cond3A_764 : i32
    scf.if %cond3A_765 {
      %add3A_831 = arith.constant 160 : i32
      %add3A_832 = arith.addi %mul3A_0, %add3A_831 : i32
      "tpu.region"() ({
        %run_scoped3A = tpu.sem_alloc : memref<!tpu.dma_semaphore, #tpu.memory_space<semaphore_mem>>
        %dma_start3A_833 = arith.constant 0 : i32
        %dma_start3A_834 = tpu.memref_slice %arg11[%add3A_832, %dma_start3A_833] : memref<10240x64xf32, #tpu.memory_space<hbm>> -> memref<80x64xf32, #tpu.memory_space<hbm>>
        %dma_start3A_835 = arith.constant 0 : i32
        %dma_start3A_836 = tpu.memref_slice %arg11[%add3A_832, %dma_start3A_835] : memref<10240x64xf32, #tpu.memory_space<hbm>> -> memref<80x64xf32, #tpu.memory_space<hbm>>
        tpu.enqueue_dma source(%arg17 : memref<80x64xf32, #tpu.memory_space<vmem>>) target(%dma_start3A_836 : memref<80x64xf32, #tpu.memory_space<hbm>>) target_semaphore(%run_scoped3A : memref<!tpu.dma_semaphore, #tpu.memory_space<semaphore_mem>>)
        %dma_wait3A_837 = arith.constant 0 : i32
        %dma_wait3A_838 = tpu.memref_slice %arg11[%add3A_832, %dma_wait3A_837] : memref<10240x64xf32, #tpu.memory_space<hbm>> -> memref<80x64xf32, #tpu.memory_space<hbm>>
        %dma_wait3A_839 = arith.constant 0 : i32
        %dma_wait3A_840 = tpu.memref_slice %arg11[%add3A_832, %dma_wait3A_839] : memref<10240x64xf32, #tpu.memory_space<hbm>> -> memref<80x64xf32, #tpu.memory_space<hbm>>
        tpu.wait_dma2 semaphore(%run_scoped3A : memref<!tpu.dma_semaphore, #tpu.memory_space<semaphore_mem>>) src(%arg17 : memref<80x64xf32, #tpu.memory_space<vmem>>) dst(%dma_wait3A_840 : memref<80x64xf32, #tpu.memory_space<hbm>>)
        tpu.yield
      }) : () -> ()
    } else {
    }
    %eq3A_766 = arith.constant 1 : i32
    %eq3A_767 = arith.cmpi eq, %arg0, %eq3A_766 : i32
    %convert_element_type3A_768 = arith.extui %eq3A_767 : i1 to i32
    %cond3A_769 = arith.constant 0 : i32
    %cond3A_770 = arith.cmpi ne, %convert_element_type3A_768, %cond3A_769 : i32
    scf.if %cond3A_770 {
      %add3A_831 = arith.constant 160 : i32
      %add3A_832 = arith.addi %mul3A_0, %add3A_831 : i32
      "tpu.region"() ({
        %run_scoped3A = tpu.sem_alloc : memref<!tpu.dma_semaphore, #tpu.memory_space<semaphore_mem>>
        %dma_start3A_833 = arith.constant 0 : i32
        %dma_start3A_834 = tpu.memref_slice %arg13[%add3A_832, %dma_start3A_833] : memref<10240x64xf32, #tpu.memory_space<hbm>> -> memref<80x64xf32, #tpu.memory_space<hbm>>
        %dma_start3A_835 = arith.constant 0 : i32
        %dma_start3A_836 = tpu.memref_slice %arg13[%add3A_832, %dma_start3A_835] : memref<10240x64xf32, #tpu.memory_space<hbm>> -> memref<80x64xf32, #tpu.memory_space<hbm>>
        tpu.enqueue_dma source(%arg17 : memref<80x64xf32, #tpu.memory_space<vmem>>) target(%dma_start3A_836 : memref<80x64xf32, #tpu.memory_space<hbm>>) target_semaphore(%run_scoped3A : memref<!tpu.dma_semaphore, #tpu.memory_space<semaphore_mem>>)
        %dma_wait3A_837 = arith.constant 0 : i32
        %dma_wait3A_838 = tpu.memref_slice %arg13[%add3A_832, %dma_wait3A_837] : memref<10240x64xf32, #tpu.memory_space<hbm>> -> memref<80x64xf32, #tpu.memory_space<hbm>>
        %dma_wait3A_839 = arith.constant 0 : i32
        %dma_wait3A_840 = tpu.memref_slice %arg13[%add3A_832, %dma_wait3A_839] : memref<10240x64xf32, #tpu.memory_space<hbm>> -> memref<80x64xf32, #tpu.memory_space<hbm>>
        tpu.wait_dma2 semaphore(%run_scoped3A : memref<!tpu.dma_semaphore, #tpu.memory_space<semaphore_mem>>) src(%arg17 : memref<80x64xf32, #tpu.memory_space<vmem>>) dst(%dma_wait3A_840 : memref<80x64xf32, #tpu.memory_space<hbm>>)
        tpu.yield
      }) : () -> ()
    } else {
    }
    %add3A_771 = arith.constant 240 : i32
    %add3A_772 = arith.addi %mul3A_0, %add3A_771 : i32
    "tpu.region"() ({
      %run_scoped3A = tpu.sem_alloc : memref<!tpu.dma_semaphore, #tpu.memory_space<semaphore_mem>>
      %dma_start3A_831 = arith.constant 0 : i32
      %dma_start3A_832 = tpu.memref_slice %arg21[%add3A_772, %dma_start3A_831] : memref<10240x64xf32, #tpu.memory_space<vmem_shared>> -> memref<80x64xf32, #tpu.memory_space<vmem_shared>>
      %dma_start3A_833 = arith.constant 0 : i32
      %dma_start3A_834 = tpu.memref_slice %arg21[%add3A_772, %dma_start3A_833] : memref<10240x64xf32, #tpu.memory_space<vmem_shared>> -> memref<80x64xf32, #tpu.memory_space<vmem_shared>>
      tpu.enqueue_dma source(%dma_start3A_834 : memref<80x64xf32, #tpu.memory_space<vmem_shared>>) target(%arg17 : memref<80x64xf32, #tpu.memory_space<vmem>>) target_semaphore(%run_scoped3A : memref<!tpu.dma_semaphore, #tpu.memory_space<semaphore_mem>>)
      %dma_wait3A_835 = arith.constant 0 : i32
      %dma_wait3A_836 = tpu.memref_slice %arg21[%add3A_772, %dma_wait3A_835] : memref<10240x64xf32, #tpu.memory_space<vmem_shared>> -> memref<80x64xf32, #tpu.memory_space<vmem_shared>>
      %dma_wait3A_837 = arith.constant 0 : i32
      %dma_wait3A_838 = tpu.memref_slice %arg21[%add3A_772, %dma_wait3A_837] : memref<10240x64xf32, #tpu.memory_space<vmem_shared>> -> memref<80x64xf32, #tpu.memory_space<vmem_shared>>
      tpu.wait_dma2 semaphore(%run_scoped3A : memref<!tpu.dma_semaphore, #tpu.memory_space<semaphore_mem>>) src(%dma_wait3A_838 : memref<80x64xf32, #tpu.memory_space<vmem_shared>>) dst(%arg17 : memref<80x64xf32, #tpu.memory_space<vmem>>)
      tpu.yield
    }) : () -> ()
    %eq3A_773 = arith.constant 0 : i32
    %eq3A_774 = arith.cmpi eq, %arg0, %eq3A_773 : i32
    %convert_element_type3A_775 = arith.extui %eq3A_774 : i1 to i32
    %cond3A_776 = arith.constant 0 : i32
    %cond3A_777 = arith.cmpi ne, %convert_element_type3A_775, %cond3A_776 : i32
    scf.if %cond3A_777 {
      %add3A_831 = arith.constant 240 : i32
      %add3A_832 = arith.addi %mul3A_0, %add3A_831 : i32
      "tpu.region"() ({
        %run_scoped3A = tpu.sem_alloc : memref<!tpu.dma_semaphore, #tpu.memory_space<semaphore_mem>>
        %dma_start3A_833 = arith.constant 0 : i32
        %dma_start3A_834 = tpu.memref_slice %arg11[%add3A_832, %dma_start3A_833] : memref<10240x64xf32, #tpu.memory_space<hbm>> -> memref<80x64xf32, #tpu.memory_space<hbm>>
        %dma_start3A_835 = arith.constant 0 : i32
        %dma_start3A_836 = tpu.memref_slice %arg11[%add3A_832, %dma_start3A_835] : memref<10240x64xf32, #tpu.memory_space<hbm>> -> memref<80x64xf32, #tpu.memory_space<hbm>>
        tpu.enqueue_dma source(%arg17 : memref<80x64xf32, #tpu.memory_space<vmem>>) target(%dma_start3A_836 : memref<80x64xf32, #tpu.memory_space<hbm>>) target_semaphore(%run_scoped3A : memref<!tpu.dma_semaphore, #tpu.memory_space<semaphore_mem>>)
        %dma_wait3A_837 = arith.constant 0 : i32
        %dma_wait3A_838 = tpu.memref_slice %arg11[%add3A_832, %dma_wait3A_837] : memref<10240x64xf32, #tpu.memory_space<hbm>> -> memref<80x64xf32, #tpu.memory_space<hbm>>
        %dma_wait3A_839 = arith.constant 0 : i32
        %dma_wait3A_840 = tpu.memref_slice %arg11[%add3A_832, %dma_wait3A_839] : memref<10240x64xf32, #tpu.memory_space<hbm>> -> memref<80x64xf32, #tpu.memory_space<hbm>>
        tpu.wait_dma2 semaphore(%run_scoped3A : memref<!tpu.dma_semaphore, #tpu.memory_space<semaphore_mem>>) src(%arg17 : memref<80x64xf32, #tpu.memory_space<vmem>>) dst(%dma_wait3A_840 : memref<80x64xf32, #tpu.memory_space<hbm>>)
        tpu.yield
      }) : () -> ()
    } else {
    }
    %eq3A_778 = arith.constant 1 : i32
    %eq3A_779 = arith.cmpi eq, %arg0, %eq3A_778 : i32
    %convert_element_type3A_780 = arith.extui %eq3A_779 : i1 to i32
    %cond3A_781 = arith.constant 0 : i32
    %cond3A_782 = arith.cmpi ne, %convert_element_type3A_780, %cond3A_781 : i32
    scf.if %cond3A_782 {
      %add3A_831 = arith.constant 240 : i32
      %add3A_832 = arith.addi %mul3A_0, %add3A_831 : i32
      "tpu.region"() ({
        %run_scoped3A = tpu.sem_alloc : memref<!tpu.dma_semaphore, #tpu.memory_space<semaphore_mem>>
        %dma_start3A_833 = arith.constant 0 : i32
        %dma_start3A_834 = tpu.memref_slice %arg13[%add3A_832, %dma_start3A_833] : memref<10240x64xf32, #tpu.memory_space<hbm>> -> memref<80x64xf32, #tpu.memory_space<hbm>>
        %dma_start3A_835 = arith.constant 0 : i32
        %dma_start3A_836 = tpu.memref_slice %arg13[%add3A_832, %dma_start3A_835] : memref<10240x64xf32, #tpu.memory_space<hbm>> -> memref<80x64xf32, #tpu.memory_space<hbm>>
        tpu.enqueue_dma source(%arg17 : memref<80x64xf32, #tpu.memory_space<vmem>>) target(%dma_start3A_836 : memref<80x64xf32, #tpu.memory_space<hbm>>) target_semaphore(%run_scoped3A : memref<!tpu.dma_semaphore, #tpu.memory_space<semaphore_mem>>)
        %dma_wait3A_837 = arith.constant 0 : i32
        %dma_wait3A_838 = tpu.memref_slice %arg13[%add3A_832, %dma_wait3A_837] : memref<10240x64xf32, #tpu.memory_space<hbm>> -> memref<80x64xf32, #tpu.memory_space<hbm>>
        %dma_wait3A_839 = arith.constant 0 : i32
        %dma_wait3A_840 = tpu.memref_slice %arg13[%add3A_832, %dma_wait3A_839] : memref<10240x64xf32, #tpu.memory_space<hbm>> -> memref<80x64xf32, #tpu.memory_space<hbm>>
        tpu.wait_dma2 semaphore(%run_scoped3A : memref<!tpu.dma_semaphore, #tpu.memory_space<semaphore_mem>>) src(%arg17 : memref<80x64xf32, #tpu.memory_space<vmem>>) dst(%dma_wait3A_840 : memref<80x64xf32, #tpu.memory_space<hbm>>)
        tpu.yield
      }) : () -> ()
    } else {
    }
    %add3A_783 = arith.constant 320 : i32
    %add3A_784 = arith.addi %mul3A_0, %add3A_783 : i32
    "tpu.region"() ({
      %run_scoped3A = tpu.sem_alloc : memref<!tpu.dma_semaphore, #tpu.memory_space<semaphore_mem>>
      %dma_start3A_831 = arith.constant 0 : i32
      %dma_start3A_832 = tpu.memref_slice %arg21[%add3A_784, %dma_start3A_831] : memref<10240x64xf32, #tpu.memory_space<vmem_shared>> -> memref<80x64xf32, #tpu.memory_space<vmem_shared>>
      %dma_start3A_833 = arith.constant 0 : i32
      %dma_start3A_834 = tpu.memref_slice %arg21[%add3A_784, %dma_start3A_833] : memref<10240x64xf32, #tpu.memory_space<vmem_shared>> -> memref<80x64xf32, #tpu.memory_space<vmem_shared>>
      tpu.enqueue_dma source(%dma_start3A_834 : memref<80x64xf32, #tpu.memory_space<vmem_shared>>) target(%arg17 : memref<80x64xf32, #tpu.memory_space<vmem>>) target_semaphore(%run_scoped3A : memref<!tpu.dma_semaphore, #tpu.memory_space<semaphore_mem>>)
      %dma_wait3A_835 = arith.constant 0 : i32
      %dma_wait3A_836 = tpu.memref_slice %arg21[%add3A_784, %dma_wait3A_835] : memref<10240x64xf32, #tpu.memory_space<vmem_shared>> -> memref<80x64xf32, #tpu.memory_space<vmem_shared>>
      %dma_wait3A_837 = arith.constant 0 : i32
      %dma_wait3A_838 = tpu.memref_slice %arg21[%add3A_784, %dma_wait3A_837] : memref<10240x64xf32, #tpu.memory_space<vmem_shared>> -> memref<80x64xf32, #tpu.memory_space<vmem_shared>>
      tpu.wait_dma2 semaphore(%run_scoped3A : memref<!tpu.dma_semaphore, #tpu.memory_space<semaphore_mem>>) src(%dma_wait3A_838 : memref<80x64xf32, #tpu.memory_space<vmem_shared>>) dst(%arg17 : memref<80x64xf32, #tpu.memory_space<vmem>>)
      tpu.yield
    }) : () -> ()
    %eq3A_785 = arith.constant 0 : i32
    %eq3A_786 = arith.cmpi eq, %arg0, %eq3A_785 : i32
    %convert_element_type3A_787 = arith.extui %eq3A_786 : i1 to i32
    %cond3A_788 = arith.constant 0 : i32
    %cond3A_789 = arith.cmpi ne, %convert_element_type3A_787, %cond3A_788 : i32
    scf.if %cond3A_789 {
      %add3A_831 = arith.constant 320 : i32
      %add3A_832 = arith.addi %mul3A_0, %add3A_831 : i32
      "tpu.region"() ({
        %run_scoped3A = tpu.sem_alloc : memref<!tpu.dma_semaphore, #tpu.memory_space<semaphore_mem>>
        %dma_start3A_833 = arith.constant 0 : i32
        %dma_start3A_834 = tpu.memref_slice %arg11[%add3A_832, %dma_start3A_833] : memref<10240x64xf32, #tpu.memory_space<hbm>> -> memref<80x64xf32, #tpu.memory_space<hbm>>
        %dma_start3A_835 = arith.constant 0 : i32
        %dma_start3A_836 = tpu.memref_slice %arg11[%add3A_832, %dma_start3A_835] : memref<10240x64xf32, #tpu.memory_space<hbm>> -> memref<80x64xf32, #tpu.memory_space<hbm>>
        tpu.enqueue_dma source(%arg17 : memref<80x64xf32, #tpu.memory_space<vmem>>) target(%dma_start3A_836 : memref<80x64xf32, #tpu.memory_space<hbm>>) target_semaphore(%run_scoped3A : memref<!tpu.dma_semaphore, #tpu.memory_space<semaphore_mem>>)
        %dma_wait3A_837 = arith.constant 0 : i32
        %dma_wait3A_838 = tpu.memref_slice %arg11[%add3A_832, %dma_wait3A_837] : memref<10240x64xf32, #tpu.memory_space<hbm>> -> memref<80x64xf32, #tpu.memory_space<hbm>>
        %dma_wait3A_839 = arith.constant 0 : i32
        %dma_wait3A_840 = tpu.memref_slice %arg11[%add3A_832, %dma_wait3A_839] : memref<10240x64xf32, #tpu.memory_space<hbm>> -> memref<80x64xf32, #tpu.memory_space<hbm>>
        tpu.wait_dma2 semaphore(%run_scoped3A : memref<!tpu.dma_semaphore, #tpu.memory_space<semaphore_mem>>) src(%arg17 : memref<80x64xf32, #tpu.memory_space<vmem>>) dst(%dma_wait3A_840 : memref<80x64xf32, #tpu.memory_space<hbm>>)
        tpu.yield
      }) : () -> ()
    } else {
    }
    %eq3A_790 = arith.constant 1 : i32
    %eq3A_791 = arith.cmpi eq, %arg0, %eq3A_790 : i32
    %convert_element_type3A_792 = arith.extui %eq3A_791 : i1 to i32
    %cond3A_793 = arith.constant 0 : i32
    %cond3A_794 = arith.cmpi ne, %convert_element_type3A_792, %cond3A_793 : i32
    scf.if %cond3A_794 {
      %add3A_831 = arith.constant 320 : i32
      %add3A_832 = arith.addi %mul3A_0, %add3A_831 : i32
      "tpu.region"() ({
        %run_scoped3A = tpu.sem_alloc : memref<!tpu.dma_semaphore, #tpu.memory_space<semaphore_mem>>
        %dma_start3A_833 = arith.constant 0 : i32
        %dma_start3A_834 = tpu.memref_slice %arg13[%add3A_832, %dma_start3A_833] : memref<10240x64xf32, #tpu.memory_space<hbm>> -> memref<80x64xf32, #tpu.memory_space<hbm>>
        %dma_start3A_835 = arith.constant 0 : i32
        %dma_start3A_836 = tpu.memref_slice %arg13[%add3A_832, %dma_start3A_835] : memref<10240x64xf32, #tpu.memory_space<hbm>> -> memref<80x64xf32, #tpu.memory_space<hbm>>
        tpu.enqueue_dma source(%arg17 : memref<80x64xf32, #tpu.memory_space<vmem>>) target(%dma_start3A_836 : memref<80x64xf32, #tpu.memory_space<hbm>>) target_semaphore(%run_scoped3A : memref<!tpu.dma_semaphore, #tpu.memory_space<semaphore_mem>>)
        %dma_wait3A_837 = arith.constant 0 : i32
        %dma_wait3A_838 = tpu.memref_slice %arg13[%add3A_832, %dma_wait3A_837] : memref<10240x64xf32, #tpu.memory_space<hbm>> -> memref<80x64xf32, #tpu.memory_space<hbm>>
        %dma_wait3A_839 = arith.constant 0 : i32
        %dma_wait3A_840 = tpu.memref_slice %arg13[%add3A_832, %dma_wait3A_839] : memref<10240x64xf32, #tpu.memory_space<hbm>> -> memref<80x64xf32, #tpu.memory_space<hbm>>
        tpu.wait_dma2 semaphore(%run_scoped3A : memref<!tpu.dma_semaphore, #tpu.memory_space<semaphore_mem>>) src(%arg17 : memref<80x64xf32, #tpu.memory_space<vmem>>) dst(%dma_wait3A_840 : memref<80x64xf32, #tpu.memory_space<hbm>>)
        tpu.yield
      }) : () -> ()
    } else {
    }
    %add3A_795 = arith.constant 400 : i32
    %add3A_796 = arith.addi %mul3A_0, %add3A_795 : i32
    "tpu.region"() ({
      %run_scoped3A = tpu.sem_alloc : memref<!tpu.dma_semaphore, #tpu.memory_space<semaphore_mem>>
      %dma_start3A_831 = arith.constant 0 : i32
      %dma_start3A_832 = tpu.memref_slice %arg21[%add3A_796, %dma_start3A_831] : memref<10240x64xf32, #tpu.memory_space<vmem_shared>> -> memref<80x64xf32, #tpu.memory_space<vmem_shared>>
      %dma_start3A_833 = arith.constant 0 : i32
      %dma_start3A_834 = tpu.memref_slice %arg21[%add3A_796, %dma_start3A_833] : memref<10240x64xf32, #tpu.memory_space<vmem_shared>> -> memref<80x64xf32, #tpu.memory_space<vmem_shared>>
      tpu.enqueue_dma source(%dma_start3A_834 : memref<80x64xf32, #tpu.memory_space<vmem_shared>>) target(%arg17 : memref<80x64xf32, #tpu.memory_space<vmem>>) target_semaphore(%run_scoped3A : memref<!tpu.dma_semaphore, #tpu.memory_space<semaphore_mem>>)
      %dma_wait3A_835 = arith.constant 0 : i32
      %dma_wait3A_836 = tpu.memref_slice %arg21[%add3A_796, %dma_wait3A_835] : memref<10240x64xf32, #tpu.memory_space<vmem_shared>> -> memref<80x64xf32, #tpu.memory_space<vmem_shared>>
      %dma_wait3A_837 = arith.constant 0 : i32
      %dma_wait3A_838 = tpu.memref_slice %arg21[%add3A_796, %dma_wait3A_837] : memref<10240x64xf32, #tpu.memory_space<vmem_shared>> -> memref<80x64xf32, #tpu.memory_space<vmem_shared>>
      tpu.wait_dma2 semaphore(%run_scoped3A : memref<!tpu.dma_semaphore, #tpu.memory_space<semaphore_mem>>) src(%dma_wait3A_838 : memref<80x64xf32, #tpu.memory_space<vmem_shared>>) dst(%arg17 : memref<80x64xf32, #tpu.memory_space<vmem>>)
      tpu.yield
    }) : () -> ()
    %eq3A_797 = arith.constant 0 : i32
    %eq3A_798 = arith.cmpi eq, %arg0, %eq3A_797 : i32
    %convert_element_type3A_799 = arith.extui %eq3A_798 : i1 to i32
    %cond3A_800 = arith.constant 0 : i32
    %cond3A_801 = arith.cmpi ne, %convert_element_type3A_799, %cond3A_800 : i32
    scf.if %cond3A_801 {
      %add3A_831 = arith.constant 400 : i32
      %add3A_832 = arith.addi %mul3A_0, %add3A_831 : i32
      "tpu.region"() ({
        %run_scoped3A = tpu.sem_alloc : memref<!tpu.dma_semaphore, #tpu.memory_space<semaphore_mem>>
        %dma_start3A_833 = arith.constant 0 : i32
        %dma_start3A_834 = tpu.memref_slice %arg11[%add3A_832, %dma_start3A_833] : memref<10240x64xf32, #tpu.memory_space<hbm>> -> memref<80x64xf32, #tpu.memory_space<hbm>>
        %dma_start3A_835 = arith.constant 0 : i32
        %dma_start3A_836 = tpu.memref_slice %arg11[%add3A_832, %dma_start3A_835] : memref<10240x64xf32, #tpu.memory_space<hbm>> -> memref<80x64xf32, #tpu.memory_space<hbm>>
        tpu.enqueue_dma source(%arg17 : memref<80x64xf32, #tpu.memory_space<vmem>>) target(%dma_start3A_836 : memref<80x64xf32, #tpu.memory_space<hbm>>) target_semaphore(%run_scoped3A : memref<!tpu.dma_semaphore, #tpu.memory_space<semaphore_mem>>)
        %dma_wait3A_837 = arith.constant 0 : i32
        %dma_wait3A_838 = tpu.memref_slice %arg11[%add3A_832, %dma_wait3A_837] : memref<10240x64xf32, #tpu.memory_space<hbm>> -> memref<80x64xf32, #tpu.memory_space<hbm>>
        %dma_wait3A_839 = arith.constant 0 : i32
        %dma_wait3A_840 = tpu.memref_slice %arg11[%add3A_832, %dma_wait3A_839] : memref<10240x64xf32, #tpu.memory_space<hbm>> -> memref<80x64xf32, #tpu.memory_space<hbm>>
        tpu.wait_dma2 semaphore(%run_scoped3A : memref<!tpu.dma_semaphore, #tpu.memory_space<semaphore_mem>>) src(%arg17 : memref<80x64xf32, #tpu.memory_space<vmem>>) dst(%dma_wait3A_840 : memref<80x64xf32, #tpu.memory_space<hbm>>)
        tpu.yield
      }) : () -> ()
    } else {
    }
    %eq3A_802 = arith.constant 1 : i32
    %eq3A_803 = arith.cmpi eq, %arg0, %eq3A_802 : i32
    %convert_element_type3A_804 = arith.extui %eq3A_803 : i1 to i32
    %cond3A_805 = arith.constant 0 : i32
    %cond3A_806 = arith.cmpi ne, %convert_element_type3A_804, %cond3A_805 : i32
    scf.if %cond3A_806 {
      %add3A_831 = arith.constant 400 : i32
      %add3A_832 = arith.addi %mul3A_0, %add3A_831 : i32
      "tpu.region"() ({
        %run_scoped3A = tpu.sem_alloc : memref<!tpu.dma_semaphore, #tpu.memory_space<semaphore_mem>>
        %dma_start3A_833 = arith.constant 0 : i32
        %dma_start3A_834 = tpu.memref_slice %arg13[%add3A_832, %dma_start3A_833] : memref<10240x64xf32, #tpu.memory_space<hbm>> -> memref<80x64xf32, #tpu.memory_space<hbm>>
        %dma_start3A_835 = arith.constant 0 : i32
        %dma_start3A_836 = tpu.memref_slice %arg13[%add3A_832, %dma_start3A_835] : memref<10240x64xf32, #tpu.memory_space<hbm>> -> memref<80x64xf32, #tpu.memory_space<hbm>>
        tpu.enqueue_dma source(%arg17 : memref<80x64xf32, #tpu.memory_space<vmem>>) target(%dma_start3A_836 : memref<80x64xf32, #tpu.memory_space<hbm>>) target_semaphore(%run_scoped3A : memref<!tpu.dma_semaphore, #tpu.memory_space<semaphore_mem>>)
        %dma_wait3A_837 = arith.constant 0 : i32
        %dma_wait3A_838 = tpu.memref_slice %arg13[%add3A_832, %dma_wait3A_837] : memref<10240x64xf32, #tpu.memory_space<hbm>> -> memref<80x64xf32, #tpu.memory_space<hbm>>
        %dma_wait3A_839 = arith.constant 0 : i32
        %dma_wait3A_840 = tpu.memref_slice %arg13[%add3A_832, %dma_wait3A_839] : memref<10240x64xf32, #tpu.memory_space<hbm>> -> memref<80x64xf32, #tpu.memory_space<hbm>>
        tpu.wait_dma2 semaphore(%run_scoped3A : memref<!tpu.dma_semaphore, #tpu.memory_space<semaphore_mem>>) src(%arg17 : memref<80x64xf32, #tpu.memory_space<vmem>>) dst(%dma_wait3A_840 : memref<80x64xf32, #tpu.memory_space<hbm>>)
        tpu.yield
      }) : () -> ()
    } else {
    }
    %add3A_807 = arith.constant 480 : i32
    %add3A_808 = arith.addi %mul3A_0, %add3A_807 : i32
    "tpu.region"() ({
      %run_scoped3A = tpu.sem_alloc : memref<!tpu.dma_semaphore, #tpu.memory_space<semaphore_mem>>
      %dma_start3A_831 = arith.constant 0 : i32
      %dma_start3A_832 = tpu.memref_slice %arg21[%add3A_808, %dma_start3A_831] : memref<10240x64xf32, #tpu.memory_space<vmem_shared>> -> memref<80x64xf32, #tpu.memory_space<vmem_shared>>
      %dma_start3A_833 = arith.constant 0 : i32
      %dma_start3A_834 = tpu.memref_slice %arg21[%add3A_808, %dma_start3A_833] : memref<10240x64xf32, #tpu.memory_space<vmem_shared>> -> memref<80x64xf32, #tpu.memory_space<vmem_shared>>
      tpu.enqueue_dma source(%dma_start3A_834 : memref<80x64xf32, #tpu.memory_space<vmem_shared>>) target(%arg17 : memref<80x64xf32, #tpu.memory_space<vmem>>) target_semaphore(%run_scoped3A : memref<!tpu.dma_semaphore, #tpu.memory_space<semaphore_mem>>)
      %dma_wait3A_835 = arith.constant 0 : i32
      %dma_wait3A_836 = tpu.memref_slice %arg21[%add3A_808, %dma_wait3A_835] : memref<10240x64xf32, #tpu.memory_space<vmem_shared>> -> memref<80x64xf32, #tpu.memory_space<vmem_shared>>
      %dma_wait3A_837 = arith.constant 0 : i32
      %dma_wait3A_838 = tpu.memref_slice %arg21[%add3A_808, %dma_wait3A_837] : memref<10240x64xf32, #tpu.memory_space<vmem_shared>> -> memref<80x64xf32, #tpu.memory_space<vmem_shared>>
      tpu.wait_dma2 semaphore(%run_scoped3A : memref<!tpu.dma_semaphore, #tpu.memory_space<semaphore_mem>>) src(%dma_wait3A_838 : memref<80x64xf32, #tpu.memory_space<vmem_shared>>) dst(%arg17 : memref<80x64xf32, #tpu.memory_space<vmem>>)
      tpu.yield
    }) : () -> ()
    %eq3A_809 = arith.constant 0 : i32
    %eq3A_810 = arith.cmpi eq, %arg0, %eq3A_809 : i32
    %convert_element_type3A_811 = arith.extui %eq3A_810 : i1 to i32
    %cond3A_812 = arith.constant 0 : i32
    %cond3A_813 = arith.cmpi ne, %convert_element_type3A_811, %cond3A_812 : i32
    scf.if %cond3A_813 {
      %add3A_831 = arith.constant 480 : i32
      %add3A_832 = arith.addi %mul3A_0, %add3A_831 : i32
      "tpu.region"() ({
        %run_scoped3A = tpu.sem_alloc : memref<!tpu.dma_semaphore, #tpu.memory_space<semaphore_mem>>
        %dma_start3A_833 = arith.constant 0 : i32
        %dma_start3A_834 = tpu.memref_slice %arg11[%add3A_832, %dma_start3A_833] : memref<10240x64xf32, #tpu.memory_space<hbm>> -> memref<80x64xf32, #tpu.memory_space<hbm>>
        %dma_start3A_835 = arith.constant 0 : i32
        %dma_start3A_836 = tpu.memref_slice %arg11[%add3A_832, %dma_start3A_835] : memref<10240x64xf32, #tpu.memory_space<hbm>> -> memref<80x64xf32, #tpu.memory_space<hbm>>
        tpu.enqueue_dma source(%arg17 : memref<80x64xf32, #tpu.memory_space<vmem>>) target(%dma_start3A_836 : memref<80x64xf32, #tpu.memory_space<hbm>>) target_semaphore(%run_scoped3A : memref<!tpu.dma_semaphore, #tpu.memory_space<semaphore_mem>>)
        %dma_wait3A_837 = arith.constant 0 : i32
        %dma_wait3A_838 = tpu.memref_slice %arg11[%add3A_832, %dma_wait3A_837] : memref<10240x64xf32, #tpu.memory_space<hbm>> -> memref<80x64xf32, #tpu.memory_space<hbm>>
        %dma_wait3A_839 = arith.constant 0 : i32
        %dma_wait3A_840 = tpu.memref_slice %arg11[%add3A_832, %dma_wait3A_839] : memref<10240x64xf32, #tpu.memory_space<hbm>> -> memref<80x64xf32, #tpu.memory_space<hbm>>
        tpu.wait_dma2 semaphore(%run_scoped3A : memref<!tpu.dma_semaphore, #tpu.memory_space<semaphore_mem>>) src(%arg17 : memref<80x64xf32, #tpu.memory_space<vmem>>) dst(%dma_wait3A_840 : memref<80x64xf32, #tpu.memory_space<hbm>>)
        tpu.yield
      }) : () -> ()
    } else {
    }
    %eq3A_814 = arith.constant 1 : i32
    %eq3A_815 = arith.cmpi eq, %arg0, %eq3A_814 : i32
    %convert_element_type3A_816 = arith.extui %eq3A_815 : i1 to i32
    %cond3A_817 = arith.constant 0 : i32
    %cond3A_818 = arith.cmpi ne, %convert_element_type3A_816, %cond3A_817 : i32
    scf.if %cond3A_818 {
      %add3A_831 = arith.constant 480 : i32
      %add3A_832 = arith.addi %mul3A_0, %add3A_831 : i32
      "tpu.region"() ({
        %run_scoped3A = tpu.sem_alloc : memref<!tpu.dma_semaphore, #tpu.memory_space<semaphore_mem>>
        %dma_start3A_833 = arith.constant 0 : i32
        %dma_start3A_834 = tpu.memref_slice %arg13[%add3A_832, %dma_start3A_833] : memref<10240x64xf32, #tpu.memory_space<hbm>> -> memref<80x64xf32, #tpu.memory_space<hbm>>
        %dma_start3A_835 = arith.constant 0 : i32
        %dma_start3A_836 = tpu.memref_slice %arg13[%add3A_832, %dma_start3A_835] : memref<10240x64xf32, #tpu.memory_space<hbm>> -> memref<80x64xf32, #tpu.memory_space<hbm>>
        tpu.enqueue_dma source(%arg17 : memref<80x64xf32, #tpu.memory_space<vmem>>) target(%dma_start3A_836 : memref<80x64xf32, #tpu.memory_space<hbm>>) target_semaphore(%run_scoped3A : memref<!tpu.dma_semaphore, #tpu.memory_space<semaphore_mem>>)
        %dma_wait3A_837 = arith.constant 0 : i32
        %dma_wait3A_838 = tpu.memref_slice %arg13[%add3A_832, %dma_wait3A_837] : memref<10240x64xf32, #tpu.memory_space<hbm>> -> memref<80x64xf32, #tpu.memory_space<hbm>>
        %dma_wait3A_839 = arith.constant 0 : i32
        %dma_wait3A_840 = tpu.memref_slice %arg13[%add3A_832, %dma_wait3A_839] : memref<10240x64xf32, #tpu.memory_space<hbm>> -> memref<80x64xf32, #tpu.memory_space<hbm>>
        tpu.wait_dma2 semaphore(%run_scoped3A : memref<!tpu.dma_semaphore, #tpu.memory_space<semaphore_mem>>) src(%arg17 : memref<80x64xf32, #tpu.memory_space<vmem>>) dst(%dma_wait3A_840 : memref<80x64xf32, #tpu.memory_space<hbm>>)
        tpu.yield
      }) : () -> ()
    } else {
    }
    %add3A_819 = arith.constant 560 : i32
    %add3A_820 = arith.addi %mul3A_0, %add3A_819 : i32
    "tpu.region"() ({
      %run_scoped3A = tpu.sem_alloc : memref<!tpu.dma_semaphore, #tpu.memory_space<semaphore_mem>>
      %dma_start3A_831 = arith.constant 0 : i32
      %dma_start3A_832 = tpu.memref_slice %arg21[%add3A_820, %dma_start3A_831] : memref<10240x64xf32, #tpu.memory_space<vmem_shared>> -> memref<80x64xf32, #tpu.memory_space<vmem_shared>>
      %dma_start3A_833 = arith.constant 0 : i32
      %dma_start3A_834 = tpu.memref_slice %arg21[%add3A_820, %dma_start3A_833] : memref<10240x64xf32, #tpu.memory_space<vmem_shared>> -> memref<80x64xf32, #tpu.memory_space<vmem_shared>>
      tpu.enqueue_dma source(%dma_start3A_834 : memref<80x64xf32, #tpu.memory_space<vmem_shared>>) target(%arg17 : memref<80x64xf32, #tpu.memory_space<vmem>>) target_semaphore(%run_scoped3A : memref<!tpu.dma_semaphore, #tpu.memory_space<semaphore_mem>>)
      %dma_wait3A_835 = arith.constant 0 : i32
      %dma_wait3A_836 = tpu.memref_slice %arg21[%add3A_820, %dma_wait3A_835] : memref<10240x64xf32, #tpu.memory_space<vmem_shared>> -> memref<80x64xf32, #tpu.memory_space<vmem_shared>>
      %dma_wait3A_837 = arith.constant 0 : i32
      %dma_wait3A_838 = tpu.memref_slice %arg21[%add3A_820, %dma_wait3A_837] : memref<10240x64xf32, #tpu.memory_space<vmem_shared>> -> memref<80x64xf32, #tpu.memory_space<vmem_shared>>
      tpu.wait_dma2 semaphore(%run_scoped3A : memref<!tpu.dma_semaphore, #tpu.memory_space<semaphore_mem>>) src(%dma_wait3A_838 : memref<80x64xf32, #tpu.memory_space<vmem_shared>>) dst(%arg17 : memref<80x64xf32, #tpu.memory_space<vmem>>)
      tpu.yield
    }) : () -> ()
    %eq3A_821 = arith.constant 0 : i32
    %eq3A_822 = arith.cmpi eq, %arg0, %eq3A_821 : i32
    %convert_element_type3A_823 = arith.extui %eq3A_822 : i1 to i32
    %cond3A_824 = arith.constant 0 : i32
    %cond3A_825 = arith.cmpi ne, %convert_element_type3A_823, %cond3A_824 : i32
    scf.if %cond3A_825 {
      %add3A_831 = arith.constant 560 : i32
      %add3A_832 = arith.addi %mul3A_0, %add3A_831 : i32
      "tpu.region"() ({
        %run_scoped3A = tpu.sem_alloc : memref<!tpu.dma_semaphore, #tpu.memory_space<semaphore_mem>>
        %dma_start3A_833 = arith.constant 0 : i32
        %dma_start3A_834 = tpu.memref_slice %arg11[%add3A_832, %dma_start3A_833] : memref<10240x64xf32, #tpu.memory_space<hbm>> -> memref<80x64xf32, #tpu.memory_space<hbm>>
        %dma_start3A_835 = arith.constant 0 : i32
        %dma_start3A_836 = tpu.memref_slice %arg11[%add3A_832, %dma_start3A_835] : memref<10240x64xf32, #tpu.memory_space<hbm>> -> memref<80x64xf32, #tpu.memory_space<hbm>>
        tpu.enqueue_dma source(%arg17 : memref<80x64xf32, #tpu.memory_space<vmem>>) target(%dma_start3A_836 : memref<80x64xf32, #tpu.memory_space<hbm>>) target_semaphore(%run_scoped3A : memref<!tpu.dma_semaphore, #tpu.memory_space<semaphore_mem>>)
        %dma_wait3A_837 = arith.constant 0 : i32
        %dma_wait3A_838 = tpu.memref_slice %arg11[%add3A_832, %dma_wait3A_837] : memref<10240x64xf32, #tpu.memory_space<hbm>> -> memref<80x64xf32, #tpu.memory_space<hbm>>
        %dma_wait3A_839 = arith.constant 0 : i32
        %dma_wait3A_840 = tpu.memref_slice %arg11[%add3A_832, %dma_wait3A_839] : memref<10240x64xf32, #tpu.memory_space<hbm>> -> memref<80x64xf32, #tpu.memory_space<hbm>>
        tpu.wait_dma2 semaphore(%run_scoped3A : memref<!tpu.dma_semaphore, #tpu.memory_space<semaphore_mem>>) src(%arg17 : memref<80x64xf32, #tpu.memory_space<vmem>>) dst(%dma_wait3A_840 : memref<80x64xf32, #tpu.memory_space<hbm>>)
        tpu.yield
      }) : () -> ()
    } else {
    }
    %eq3A_826 = arith.constant 1 : i32
    %eq3A_827 = arith.cmpi eq, %arg0, %eq3A_826 : i32
    %convert_element_type3A_828 = arith.extui %eq3A_827 : i1 to i32
    %cond3A_829 = arith.constant 0 : i32
    %cond3A_830 = arith.cmpi ne, %convert_element_type3A_828, %cond3A_829 : i32
    scf.if %cond3A_830 {
      %add3A_831 = arith.constant 560 : i32
      %add3A_832 = arith.addi %mul3A_0, %add3A_831 : i32
      "tpu.region"() ({
        %run_scoped3A = tpu.sem_alloc : memref<!tpu.dma_semaphore, #tpu.memory_space<semaphore_mem>>
        %dma_start3A_833 = arith.constant 0 : i32
        %dma_start3A_834 = tpu.memref_slice %arg13[%add3A_832, %dma_start3A_833] : memref<10240x64xf32, #tpu.memory_space<hbm>> -> memref<80x64xf32, #tpu.memory_space<hbm>>
        %dma_start3A_835 = arith.constant 0 : i32
        %dma_start3A_836 = tpu.memref_slice %arg13[%add3A_832, %dma_start3A_835] : memref<10240x64xf32, #tpu.memory_space<hbm>> -> memref<80x64xf32, #tpu.memory_space<hbm>>
        tpu.enqueue_dma source(%arg17 : memref<80x64xf32, #tpu.memory_space<vmem>>) target(%dma_start3A_836 : memref<80x64xf32, #tpu.memory_space<hbm>>) target_semaphore(%run_scoped3A : memref<!tpu.dma_semaphore, #tpu.memory_space<semaphore_mem>>)
        %dma_wait3A_837 = arith.constant 0 : i32
        %dma_wait3A_838 = tpu.memref_slice %arg13[%add3A_832, %dma_wait3A_837] : memref<10240x64xf32, #tpu.memory_space<hbm>> -> memref<80x64xf32, #tpu.memory_space<hbm>>
        %dma_wait3A_839 = arith.constant 0 : i32
        %dma_wait3A_840 = tpu.memref_slice %arg13[%add3A_832, %dma_wait3A_839] : memref<10240x64xf32, #tpu.memory_space<hbm>> -> memref<80x64xf32, #tpu.memory_space<hbm>>
        tpu.wait_dma2 semaphore(%run_scoped3A : memref<!tpu.dma_semaphore, #tpu.memory_space<semaphore_mem>>) src(%arg17 : memref<80x64xf32, #tpu.memory_space<vmem>>) dst(%dma_wait3A_840 : memref<80x64xf32, #tpu.memory_space<hbm>>)
        tpu.yield
      }) : () -> ()
    } else {
    }
    return
  }
}

module attributes {stable_mosaic.version = 14 : i64} {
  func.func @_tc_self_body(%arg0: i32, %arg1: memref<1000x256xf32, #tpu.memory_space<vmem>>, %arg2: memref<256x256xf32, #tpu.memory_space<vmem>>, %arg3: memref<1x256xf32, #tpu.memory_space<vmem>>, %arg4: memref<1000x256xf32, #tpu.memory_space<vmem>>) attributes {dimension_semantics = [#tpu.dimension_semantics<arbitrary>], iteration_bounds = array<i64: 10>, scalar_prefetch = 0 : i64, scratch_operands = 0 : i64, tpu.core_type = #tpu.core_type<tc>, window_params = [{transform_indices = @transform_0, window_bounds = array<i64: 1000, 256>}, {pipeline_mode = #tpu.pipeline_mode<synchronous>, transform_indices = @transform_1, window_bounds = array<i64: 256, 256>}, {pipeline_mode = #tpu.pipeline_mode<synchronous>, transform_indices = @transform_2, window_bounds = array<i64: 1, 256>}, {transform_indices = @transform_3, window_bounds = array<i64: 1000, 256>}]} {
    %get3A = arith.constant 0 : index
    %get3A_0 = arith.constant 0 : index
    %get3A_1 = vector.load %arg1[%get3A, %get3A_0] : memref<1000x256xf32, #tpu.memory_space<vmem>>, vector<1000x256xf32>
    %get3A_2 = arith.constant 0 : index
    %get3A_3 = arith.constant 0 : index
    %get3A_4 = vector.load %arg2[%get3A_2, %get3A_3] : memref<256x256xf32, #tpu.memory_space<vmem>>, vector<256x256xf32>
    %dot_general3A = arith.constant dense<0.000000e+00> : vector<1000x256xf32>
    %dot_general3A_5 = tpu.matmul %get3A_1, %get3A_4, %dot_general3A {dimension_numbers = #tpu.dot_dimension_numbers<[1], [0], [0], [1], [0, 0, 1, 1], [], []>, transpose_lhs_hint = false} : vector<1000x256xf32>, vector<256x256xf32>, vector<1000x256xf32> -> vector<1000x256xf32>
    %get3A_6 = arith.constant 0 : index
    %get3A_7 = arith.constant 0 : index
    %get3A_8 = vector.load %arg3[%get3A_6, %get3A_7] : memref<1x256xf32, #tpu.memory_space<vmem>>, vector<1x256xf32>
    %add3A = vector.broadcast %get3A_8 : vector<1x256xf32> to vector<1000x256xf32>
    %add3A_9 = arith.addf %dot_general3A_5, %add3A : vector<1000x256xf32>
    %swap3A = arith.constant 0 : index
    %swap3A_10 = arith.constant 0 : index
    %swap3A_11 = vector.load %arg4[%swap3A, %swap3A_10] : memref<1000x256xf32, #tpu.memory_space<vmem>>, vector<1000x256xf32>
    tpu.vector_store %arg4[%swap3A, %swap3A_10], %add3A_9 {strides = array<i32>} : memref<1000x256xf32, #tpu.memory_space<vmem>>, vector<1000x256xf32>,
    return
  }
  func.func @transform_0(%arg0: i32) -> (i32, i32) {
    %c0_i32 = arith.constant 0 : i32
    %c0_i32_0 = arith.constant 0 : i32
    return %arg0, %c0_i32 : i32, i32
  }
  func.func @transform_1(%arg0: i32) -> (i32, i32) {
    %c0_i32 = arith.constant 0 : i32
    %c0_i32_0 = arith.constant 0 : i32
    %c0_i32_1 = arith.constant 0 : i32
    return %c0_i32, %c0_i32_0 : i32, i32
  }
  func.func @transform_2(%arg0: i32) -> (i32, i32) {
    %c0_i32 = arith.constant 0 : i32
    %c0_i32_0 = arith.constant 0 : i32
    %c0_i32_1 = arith.constant 0 : i32
    return %c0_i32, %c0_i32_0 : i32, i32
  }
  func.func @transform_3(%arg0: i32) -> (i32, i32) {
    %c0_i32 = arith.constant 0 : i32
    %c0_i32_0 = arith.constant 0 : i32
    return %arg0, %c0_i32 : i32, i32
  }
}

module attributes {stable_mosaic.version = 14 : i64} {
  func.func @_tc_neigh_body(%arg0: i32, %arg1: memref<1000x256xf32, #tpu.memory_space<vmem>>, %arg2: memref<1000x64xf32, #tpu.memory_space<vmem>>, %arg3: memref<1000x64xf32, #tpu.memory_space<vmem>>, %arg4: memref<1000x64xf32, #tpu.memory_space<vmem>>, %arg5: memref<1000x64xf32, #tpu.memory_space<vmem>>, %arg6: memref<1000x1xf32, #tpu.memory_space<vmem>>, %arg7: memref<64x256xf32, #tpu.memory_space<vmem>>, %arg8: memref<64x256xf32, #tpu.memory_space<vmem>>, %arg9: memref<64x256xf32, #tpu.memory_space<vmem>>, %arg10: memref<64x256xf32, #tpu.memory_space<vmem>>, %arg11: memref<1000x256xf32, #tpu.memory_space<vmem>>) attributes {dimension_semantics = [#tpu.dimension_semantics<arbitrary>], iteration_bounds = array<i64: 10>, scalar_prefetch = 0 : i64, scratch_operands = 0 : i64, tpu.core_type = #tpu.core_type<tc>, window_params = [{transform_indices = @transform_0, window_bounds = array<i64: 1000, 256>}, {transform_indices = @transform_1, window_bounds = array<i64: 1000, 64>}, {transform_indices = @transform_2, window_bounds = array<i64: 1000, 64>}, {transform_indices = @transform_3, window_bounds = array<i64: 1000, 64>}, {transform_indices = @transform_4, window_bounds = array<i64: 1000, 64>}, {transform_indices = @transform_5, window_bounds = array<i64: 1000, 1>}, {pipeline_mode = #tpu.pipeline_mode<synchronous>, transform_indices = @transform_6, window_bounds = array<i64: 64, 256>}, {pipeline_mode = #tpu.pipeline_mode<synchronous>, transform_indices = @transform_7, window_bounds = array<i64: 64, 256>}, {pipeline_mode = #tpu.pipeline_mode<synchronous>, transform_indices = @transform_8, window_bounds = array<i64: 64, 256>}, {pipeline_mode = #tpu.pipeline_mode<synchronous>, transform_indices = @transform_9, window_bounds = array<i64: 64, 256>}, {transform_indices = @transform_10, window_bounds = array<i64: 1000, 256>}]} {
    %get3A = arith.constant 0 : index
    %get3A_0 = arith.constant 0 : index
    %get3A_1 = vector.load %arg6[%get3A, %get3A_0] : memref<1000x1xf32, #tpu.memory_space<vmem>>, vector<1000x1xf32>
    %max3A = arith.constant 1.000000e+00 : f32
    %max3A_2 = vector.broadcast %max3A : f32 to vector<1000x1xf32>
    %max3A_3 = arith.maximumf %get3A_1, %max3A_2 : vector<1000x1xf32>
    %div3A = arith.constant 1.000000e+00 : f32
    %div3A_4 = vector.broadcast %div3A : f32 to vector<1000x1xf32>
    %div3A_5 = arith.divf %div3A_4, %max3A_3 : vector<1000x1xf32>
    %get3A_6 = arith.constant 0 : index
    %get3A_7 = arith.constant 0 : index
    %get3A_8 = vector.load %arg1[%get3A_6, %get3A_7] : memref<1000x256xf32, #tpu.memory_space<vmem>>, vector<1000x256xf32>
    %get3A_9 = arith.constant 0 : index
    %get3A_10 = arith.constant 0 : index
    %get3A_11 = vector.load %arg2[%get3A_9, %get3A_10] : memref<1000x64xf32, #tpu.memory_space<vmem>>, vector<1000x64xf32>
    %mul3A = vector.broadcast %div3A_5 : vector<1000x1xf32> to vector<1000x64xf32>
    %mul3A_12 = arith.mulf %get3A_11, %mul3A : vector<1000x64xf32>
    %get3A_13 = arith.constant 0 : index
    %get3A_14 = arith.constant 0 : index
    %get3A_15 = vector.load %arg7[%get3A_13, %get3A_14] : memref<64x256xf32, #tpu.memory_space<vmem>>, vector<64x256xf32>
    %dot_general3A = arith.constant dense<0.000000e+00> : vector<1000x256xf32>
    %dot_general3A_16 = tpu.matmul %mul3A_12, %get3A_15, %dot_general3A {dimension_numbers = #tpu.dot_dimension_numbers<[1], [0], [0], [1], [0, 0, 1, 1], [], []>, transpose_lhs_hint = false} : vector<1000x64xf32>, vector<64x256xf32>, vector<1000x256xf32> -> vector<1000x256xf32>
    %add3A = arith.addf %get3A_8, %dot_general3A_16 : vector<1000x256xf32>
    %get3A_17 = arith.constant 0 : index
    %get3A_18 = arith.constant 0 : index
    %get3A_19 = vector.load %arg3[%get3A_17, %get3A_18] : memref<1000x64xf32, #tpu.memory_space<vmem>>, vector<1000x64xf32>
    %mul3A_20 = vector.broadcast %div3A_5 : vector<1000x1xf32> to vector<1000x64xf32>
    %mul3A_21 = arith.mulf %get3A_19, %mul3A_20 : vector<1000x64xf32>
    %get3A_22 = arith.constant 0 : index
    %get3A_23 = arith.constant 0 : index
    %get3A_24 = vector.load %arg8[%get3A_22, %get3A_23] : memref<64x256xf32, #tpu.memory_space<vmem>>, vector<64x256xf32>
    %dot_general3A_25 = arith.constant dense<0.000000e+00> : vector<1000x256xf32>
    %dot_general3A_26 = tpu.matmul %mul3A_21, %get3A_24, %dot_general3A_25 {dimension_numbers = #tpu.dot_dimension_numbers<[1], [0], [0], [1], [0, 0, 1, 1], [], []>, transpose_lhs_hint = false} : vector<1000x64xf32>, vector<64x256xf32>, vector<1000x256xf32> -> vector<1000x256xf32>
    %add3A_27 = arith.addf %add3A, %dot_general3A_26 : vector<1000x256xf32>
    %get3A_28 = arith.constant 0 : index
    %get3A_29 = arith.constant 0 : index
    %get3A_30 = vector.load %arg4[%get3A_28, %get3A_29] : memref<1000x64xf32, #tpu.memory_space<vmem>>, vector<1000x64xf32>
    %mul3A_31 = vector.broadcast %div3A_5 : vector<1000x1xf32> to vector<1000x64xf32>
    %mul3A_32 = arith.mulf %get3A_30, %mul3A_31 : vector<1000x64xf32>
    %get3A_33 = arith.constant 0 : index
    %get3A_34 = arith.constant 0 : index
    %get3A_35 = vector.load %arg9[%get3A_33, %get3A_34] : memref<64x256xf32, #tpu.memory_space<vmem>>, vector<64x256xf32>
    %dot_general3A_36 = arith.constant dense<0.000000e+00> : vector<1000x256xf32>
    %dot_general3A_37 = tpu.matmul %mul3A_32, %get3A_35, %dot_general3A_36 {dimension_numbers = #tpu.dot_dimension_numbers<[1], [0], [0], [1], [0, 0, 1, 1], [], []>, transpose_lhs_hint = false} : vector<1000x64xf32>, vector<64x256xf32>, vector<1000x256xf32> -> vector<1000x256xf32>
    %add3A_38 = arith.addf %add3A_27, %dot_general3A_37 : vector<1000x256xf32>
    %get3A_39 = arith.constant 0 : index
    %get3A_40 = arith.constant 0 : index
    %get3A_41 = vector.load %arg5[%get3A_39, %get3A_40] : memref<1000x64xf32, #tpu.memory_space<vmem>>, vector<1000x64xf32>
    %mul3A_42 = vector.broadcast %div3A_5 : vector<1000x1xf32> to vector<1000x64xf32>
    %mul3A_43 = arith.mulf %get3A_41, %mul3A_42 : vector<1000x64xf32>
    %get3A_44 = arith.constant 0 : index
    %get3A_45 = arith.constant 0 : index
    %get3A_46 = vector.load %arg10[%get3A_44, %get3A_45] : memref<64x256xf32, #tpu.memory_space<vmem>>, vector<64x256xf32>
    %dot_general3A_47 = arith.constant dense<0.000000e+00> : vector<1000x256xf32>
    %dot_general3A_48 = tpu.matmul %mul3A_43, %get3A_46, %dot_general3A_47 {dimension_numbers = #tpu.dot_dimension_numbers<[1], [0], [0], [1], [0, 0, 1, 1], [], []>, transpose_lhs_hint = false} : vector<1000x64xf32>, vector<64x256xf32>, vector<1000x256xf32> -> vector<1000x256xf32>
    %add3A_49 = arith.addf %add3A_38, %dot_general3A_48 : vector<1000x256xf32>
    %swap3A = arith.constant 0 : index
    %swap3A_50 = arith.constant 0 : index
    %swap3A_51 = vector.load %arg11[%swap3A, %swap3A_50] : memref<1000x256xf32, #tpu.memory_space<vmem>>, vector<1000x256xf32>
    tpu.vector_store %arg11[%swap3A, %swap3A_50], %add3A_49 {strides = array<i32>} : memref<1000x256xf32, #tpu.memory_space<vmem>>, vector<1000x256xf32>,
    return
  }
  func.func @transform_0(%arg0: i32) -> (i32, i32) {
    %c0_i32 = arith.constant 0 : i32
    %c0_i32_0 = arith.constant 0 : i32
    return %arg0, %c0_i32 : i32, i32
  }
  func.func @transform_1(%arg0: i32) -> (i32, i32) {
    %c0_i32 = arith.constant 0 : i32
    %c0_i32_0 = arith.constant 0 : i32
    return %arg0, %c0_i32 : i32, i32
  }
  func.func @transform_2(%arg0: i32) -> (i32, i32) {
    %c0_i32 = arith.constant 0 : i32
    %c0_i32_0 = arith.constant 0 : i32
    return %arg0, %c0_i32 : i32, i32
  }
  func.func @transform_3(%arg0: i32) -> (i32, i32) {
    %c0_i32 = arith.constant 0 : i32
    %c0_i32_0 = arith.constant 0 : i32
    return %arg0, %c0_i32 : i32, i32
  }
  func.func @transform_4(%arg0: i32) -> (i32, i32) {
    %c0_i32 = arith.constant 0 : i32
    %c0_i32_0 = arith.constant 0 : i32
    return %arg0, %c0_i32 : i32, i32
  }
  func.func @transform_5(%arg0: i32) -> (i32, i32) {
    %c0_i32 = arith.constant 0 : i32
    %c0_i32_0 = arith.constant 0 : i32
    return %arg0, %c0_i32 : i32, i32
  }
  func.func @transform_6(%arg0: i32) -> (i32, i32) {
    %c0_i32 = arith.constant 0 : i32
    %c0_i32_0 = arith.constant 0 : i32
    %c0_i32_1 = arith.constant 0 : i32
    return %c0_i32, %c0_i32_0 : i32, i32
  }
  func.func @transform_7(%arg0: i32) -> (i32, i32) {
    %c0_i32 = arith.constant 0 : i32
    %c0_i32_0 = arith.constant 0 : i32
    %c0_i32_1 = arith.constant 0 : i32
    return %c0_i32, %c0_i32_0 : i32, i32
  }
  func.func @transform_8(%arg0: i32) -> (i32, i32) {
    %c0_i32 = arith.constant 0 : i32
    %c0_i32_0 = arith.constant 0 : i32
    %c0_i32_1 = arith.constant 0 : i32
    return %c0_i32, %c0_i32_0 : i32, i32
  }
  func.func @transform_9(%arg0: i32) -> (i32, i32) {
    %c0_i32 = arith.constant 0 : i32
    %c0_i32_0 = arith.constant 0 : i32
    %c0_i32_1 = arith.constant 0 : i32
    return %c0_i32, %c0_i32_0 : i32, i32
  }
  func.func @transform_10(%arg0: i32) -> (i32, i32) {
    %c0_i32 = arith.constant 0 : i32
    %c0_i32_0 = arith.constant 0 : i32
    return %arg0, %c0_i32 : i32, i32
  }
}

</mosaic_0001>

<sc_bundles>
// kernel: kernel.5.cloned.1.call-start
scs
__scs_entry_jumppad:
0x0: {  	(pc) =	sbr.rel $0x88, $3  }
0x1: {  	(tag) =	ssettag $0x0;
	lr =	simm.s32 $0x1  }
0x2: {  	[smem:$0x3F9B] =	sst lr;
	_ =	strace $0xD0000000  }
0x3: {  	_ = 	snop  }
0x4: {  	_ = 	snop  }
0x5: {  	_ = 	snop  }
0x6: {  	_ = 	snop  }
0x7: {  	_ = 	snop  }
__scs_overlays_trampoline_lowered:
0x8: {  	[smem:$0x3FAA] =	sst s0  }
0x9: {  	[smem:$0x3FAB] =	sst s1  }
0xa: {  	[smem:$0x3FAC] =	sst s2  }
0xb: {  	[smem:$0x3FAD] =	sst s3  }
0xc: {  	[smem:$0x3FAE] =	sst s4  }
0xd: {  	[smem:$0x3FAF] =	sst s5  }
0xe: {  	[smem:$0x3FB0] =	sst s6  }
0xf: {  	[smem:$0x3FB1] =	sst s7  }
0x10: {  	[smem:$0x3FB2] =	sst s8  }
0x11: {  	[smem:$0x3FB3] =	sst s9;
	s0 =	simm.s32 @!p0 $0x0  }
0x12: {  	s1 =	sld [smem:$0x3F99];
	s0 =	simm.s32 @p0 $0x1  }
0x13: {  	[smem:$0x3FB4] =	sst s0;
	s0 =	simm.s32 @!p1 $0x0  }
0x14: {  	s2 =	sld [smem:$0x3F98];
	s0 =	simm.s32 @p1 $0x1  }
0x15: {  	[smem:$0x3FB5] =	sst s0;
	s0 =	simm.s32 @!p2 $0x0  }
0x16: {  	s3 =	sld [smem:$0x3FDB];
	s0 =	simm.s32 @p2 $0x1  }
0x17: {  	s4 =	simm.s32 $0x1BF5;
	[smem:$0x3FB7] =	sst s0  }
0x18: {  	s0 =	sld [smem:$0x3F9A];
	_ =	swait.ge [sflag:s4], $0x0  }
0x19: {  	s7 =	sld [smem:$0x3F9B]  }
0x1a: {  	s8 =	sadd.s32 $0xFFFFE003, lr  }
0x1b: {  	s9 =	sadd.s32 $0xFFFFFEF7, lr;
	s5 =	simm.s32 $0xFFFFFFFF;
	p2 =	slt.u32 s8, $0xFFFFF086  }
0x1c: {  	p1 =	slt.u32 s9, $0xF7A;
	s5 =	simm.s32 @!p2 $0x0  }
0x1d: {  	s5 =	simm.s32 @p1 $0x1;
	p0 =	seq.s32 s7, s2  }
0x1e: {  	s7 =	smul.u32 @!p0 $0xF7A, s2;
	p2 =	seq.s32 @!p0 s5, $0x0  }
0x1f: {  	s9 =	smul.u32 $0xF7A, s1;
	s8 =	simm.s32 @!p0 $0x1BF5;
	p2 =	por !p2, p0  }
0x20: {  	[sflag:s8] =	ssyncset.s32 @!p0 $0xFFFFF086;
	s6 =	sadd.s32 @!p0 s3, s7;
	s7 =	simm.s32 @!p0 $0x108  }
0x21: {  	s3 =	sadd.s32 s3, s9;
	s6 =	sadd.s32 @!p0 $0x88, s6;
	s7 =	simm.s32 @p2 $0x1082  }
0x22: {  	[simem:s7], [sflag:s8] =	dma.local @!p0 [hbm:s6], $0xF7A  }
0x23: {  	s9 =	sor.u32 $0xD0000000, s2;
	s6 =	simm.s32 $0x108;
	_ =	swait.ge @!p0 [sflag:s8], $0x0  }
0x24: {  	s3 =	sadd.s32 $0x88, s3;
	s6 =	simm.s32 @!p1 $0x1082;
	[sflag:s4] =	ssyncset.s32 $0xFFFFF086  }
0x25: {  	[simem:s6], [sflag:s4] =	dma.local [hbm:s3], $0xF7A  }
0x26: {  	[smem:$0x3F9B] =	sst s1;
	(tag) =	ssettag s2;
	_ =	strace s9  }
0x27: {  	s1 =	sld [smem:$0x3FAB]  }
0x28: {  	s2 =	sld [smem:$0x3FAC]  }
0x29: {  	s4 =	sld [smem:$0x3FAE]  }
0x2a: {  	p0 =	seq.s32 s5, $0x0;
	s5 =	sld [smem:$0x3FAF]  }
0x2b: {  	s6 =	sld [smem:$0x3FB0]  }
0x2c: {  	s7 =	sld [smem:$0x3FB1]  }
0x2d: {  	s3 =	simm.s32 $0x108;
	s8 =	sld [smem:$0x3FB2]  }
0x2e: {  	s3 =	simm.s32 @!p0 $0x1082;
	s9 =	sld [smem:$0x3FB3]  }
0x2f: {  	lr =	sadd.s32 s0, s3;
	s0 =	sld [smem:$0x3FAA]  }
0x30: {  	s3 =	sld [smem:$0x3FAD]  }
0x31: {  	[smem:$0x3FB6] =	sst s10  }
0x32: {  	s10 =	sld [smem:$0x3FB4];
	_ =	sdelay $0x3  }
0x33: {  	p0 =	seq.s32 s10, $0x1;
	s10 =	sld [smem:$0x3FB6];
	_ =	sdelay $0x3  }
0x34: {  	[smem:$0x3FB6] =	sst s10  }
0x35: {  	s10 =	sld [smem:$0x3FB5];
	_ =	sdelay $0x3  }
0x36: {  	p1 =	seq.s32 s10, $0x1;
	s10 =	sld [smem:$0x3FB6];
	_ =	sdelay $0x3  }
0x37: {  	[smem:$0x3FB6] =	sst s10  }
0x38: {  	s10 =	sld [smem:$0x3FB7]  }
0x39: {  	_ = 	snop;
	(pc) =	sbr.ind lr, $3  }
0x3a: {  	_ = 	snop  }
0x3b: {  	_ = 	snop  }
0x3c: {  	p2 =	seq.s32 s10, $0x1;
	s10 =	sld [smem:$0x3FB6]  }
0x3d: {  	_ =	shalt  }
0x3e: {  	_ =	shalt  }
0x3f: {  	_ =	shalt  }
0x40: {  	_ =	shalt  }
0x41: {  	_ =	shalt  }
0x42: {  	_ =	shalt  }
0x43: {  	_ =	shalt  }
0x44: {  	_ =	shalt  }
0x45: {  	_ =	shalt  }
0x46: {  	_ =	shalt  }
0x47: {  	_ =	shalt  }
0x48: {  	_ =	shalt  }
0x49: {  	_ =	shalt  }
0x4a: {  	_ =	shalt  }
0x4b: {  	_ =	shalt  }
0x4c: {  	_ =	shalt  }
0x4d: {  	_ =	shalt  }
0x4e: {  	_ =	shalt  }
0x4f: {  	_ =	shalt  }
0x50: {  	_ =	shalt  }
0x51: {  	_ =	shalt  }
0x52: {  	_ =	shalt  }
0x53: {  	_ =	shalt  }
0x54: {  	_ =	shalt  }
0x55: {  	_ =	shalt  }
0x56: {  	_ =	shalt  }
0x57: {  	_ =	shalt  }
0x58: {  	_ =	shalt  }
0x59: {  	_ =	shalt  }
0x5a: {  	_ =	shalt  }
0x5b: {  	_ =	shalt  }
0x5c: {  	_ =	shalt  }
0x5d: {  	_ =	shalt  }
0x5e: {  	_ =	shalt  }
0x5f: {  	_ =	shalt  }
0x60: {  	_ =	shalt  }
0x61: {  	_ =	shalt  }
0x62: {  	_ =	shalt  }
0x63: {  	_ =	shalt  }
0x64: {  	_ =	shalt  }
0x65: {  	_ =	shalt  }
0x66: {  	_ =	shalt  }
0x67: {  	_ =	shalt  }
0x68: {  	_ =	shalt  }
0x69: {  	_ =	shalt  }
0x6a: {  	_ =	shalt  }
0x6b: {  	_ =	shalt  }
0x6c: {  	_ =	shalt  }
0x6d: {  	_ =	shalt  }
0x6e: {  	_ =	shalt  }
0x6f: {  	_ =	shalt  }
0x70: {  	_ =	shalt  }
0x71: {  	_ =	shalt  }
0x72: {  	_ =	shalt  }
0x73: {  	_ =	shalt  }
0x74: {  	_ =	shalt  }
0x75: {  	_ =	shalt  }
0x76: {  	_ =	shalt  }
0x77: {  	_ =	shalt  }
0x78: {  	_ =	shalt  }
0x79: {  	_ =	shalt  }
0x7a: {  	_ =	shalt  }
0x7b: {  	_ =	shalt  }
0x7c: {  	_ =	shalt  }
0x7d: {  	_ =	shalt  }
0x7e: {  	_ =	shalt  }
0x7f: {  	_ =	shalt  }
0x80: {  	_ =	shalt  }
0x81: {  	_ =	shalt  }
0x82: {  	_ =	shalt  }
0x83: {  	_ =	shalt  }
0x84: {  	_ =	shalt  }
0x85: {  	_ =	shalt  }
0x86: {  	_ =	shalt  }
0x87: {  	_ =	shalt  }
.Lfunc_end0:
.L_simem_size_0:
called_computation_lowered:
.L_overlay_start_0:
0x88: {  	s2 =	sld [smem:$0x3FD9]  }
0x89: {  	s3 =	sld [smem:$0x3FFE];
	_ =	sdelay $0x1  }
0x8a: {  	s1 =	srdreg.scid  }
0x8b: {  	s0 =	sand.u32 $0x1, s1  }
0x8c: {  	s17 =	sshll.u32 s0, $0xA;
	s2 =	sadd.s32 s3, s2  }
0x8d: {  	s2 =	sadd.s32 s2, s17  }
0x8e: {  	[smem:$0x3FC2] =	sst s2  }
0x8f: {  	_ = 	snop  }
0x90: {  	s2 =	sld [smem:$0x3FD0];
	(tm) =	ssettm $0x1  }
0x91: {  	s18 =	sld [smem:$0x3FFB];
	_ =	sdelay $0x3  }
0x92: {  	_ =	strace s18  }
0x93: {  	s3 =	sld [smem:$0x3FFC];
	_ =	sdelay $0x3  }
0x94: {  	_ =	strace s3  }
0x95: {  	s3 =	sld [smem:$0x3FFD];
	_ =	sdelay $0x3  }
0x96: {  	_ =	strace s3  }
0x97: {  	_ =	strace $0x8FFFFFFF  }
0x98: {  	s19 =	sld [smem:$0x3FDB];
	_ =	sdelay $0x1  }
0x99: {  	s4 =	simm.s32 $_scs_section_size  }
0x9a: {  	s5 =	simm.s32 $_size__tile_overlayer_lowered;
	s6 =	simm.s32 $_tile_overlayer_lowered  }
0x9b: {  	s22 =	simm.s32 $0x1BFF;
	s21 =	sshll.u32 s6, $0x1;
	s3 =	sadd.s32 s4, s19  }
0x9c: {  	s7 =	simm.s32 $0x0;
	s20 =	sshll.u32 s5, $0x1;
	s5 =	sadd.s32 s21, s3  }
0x9d: {  	[timem:s7], [sflag:s22] =	dma.local [hbm:s5], s20  }
0x9e: {  	_ =	swait.ge [sflag:s22], s20  }
0x9f: {  	s4 =	ssub.s32 $0x0, s20;
	[sflag:s22] =	ssyncset.done $0x0  }
0xa0: {  	[sflag:s22] =	ssyncadd.s32 s4;
	_ =	sdelay $0x1  }
0xa1: {  	s23 =	simm.s32 $0x1B8B  }
0xa2: {  	_ =	swait.ge [sflag:s23], $0x1  }
0xa3: {  	[sflag:s23] =	ssyncset.done $0x0  }
0xa4: {  	s25 =	simm.s32 $0x1B8E;
	s24 =	sld [smem:$0x3FFE];
	[sflag:s23] =	ssyncadd.s32 $0xFFFFFFFF  }
0xa5: {  	s26 =	simm.s32 $execute0_lowered;
	[smem:$0x3FD2] =	sst s25  }
0xa6: {  	s5 =	sshll.u32 s26, $0x1;
	_ =	strace $0x80000046;
	[dreg:$0x1] =	wrdreg $0xFFFFFFFF  }
0xa7: {  	s28 =	simm.s32 $_size_execute0_lowered;
	s3 =	sadd.s32 s3, s5;
	[dreg:$0x0] =	wrdreg $0x0  }
0xa8: {  	s5 =	sshll.u32 s28, $0x1;
	[dreg:$0x2] =	wrdreg s3  }
0xa9: {  	[dreg:$0x3] =	wrdreg s5  }
0xaa: {  	[dreg:$0x4] =	wrdreg $0xC0  }
0xab: {  	_ =	task [dreg:s7], $0x5FFFF  }
0xac: {  	[dreg:$0x1] =	wrdreg $0xFFFFFFFF  }
0xad: {  	[dreg:$0x0] =	wrdreg $0x60  }
0xae: {  	[dreg:$0x2] =	wrdreg s2  }
0xaf: {  	[dreg:$0x3] =	wrdreg s24  }
0xb0: {  	[dreg:$0x4] =	wrdreg $0x143200  }
0xb1: {  	[dreg:$0x5] =	wrdreg $0xA3200  }
0xb2: {  	[dreg:$0x6] =	wrdreg $0x9  }
0xb3: {  	_ =	task.clear_ibuf [dreg:s7], $0x7FFFF;
	_ =	strace $0x90000046  }
0xb4: {  	s29 =	simm.s32 $0x9;
	_ =	strace $0x80000048  }
0xb5: {  	_ =	swait.ge [sflag:s29], $0x1  }
0xb6: {  	[sflag:s29] =	ssyncadd.s32 $0xFFFFFFFF  }
0xb7: {  	_ =	strace $0x90000048  }
0xb8: {  	_ =	sfence  }
0xb9: {  	s30 =	sld [smem:$0x0];
	_ =	sdelay $0x2  }
0xba: {  	s31 =	sshll.u32 s1, $0xD;
	s1 =	sshrl.u32 s1, $0x2  }
0xbb: {  	s3 =	sand.u32 $0x4000, s31;
	s1 =	sadd.s32 s1, s30  }
0xbc: {  	s0 =	sor.u32 s3, s0;
	s1 =	sshll.u32 s1, $0x11  }
0xbd: {  	s0 =	sor.u32 s1, s0  }
0xbe: {  	s0 =	sadd.s32 $0x8F2B, s0  }
0xbf: {  	[sflag:s0] =	ssyncadd.remote.s32 $0x1  }
0xc0: {  	_ =	sfence.sel $0xFFFF  }
0xc1: {  	[dreg:$0x0] =	wrdreg $0xFFFFFFFF;
	(pc) =	sbr.abs _section_cstart, $3  }
0xc2: {  	[dreg:$0x1] =	wrdreg $0xFFFFFFFF  }
0xc3: {  	_ =	task.clear_ibuf [dreg:s7], $0x2FFFF;
	_ =	strace $0x9FFFFFFF  }
0xc4: {  	(tm) =	ssettm $0x7FFFFFFF  }
0xc5: {  	_ =	shalt  }
tec
execute0_lowered:
.L_overlay_start_1:
0x0: {  	(tag) =	ssettag $0x1  }
0x1: {  	s1 =	rddreg [dreg:$0x1];
	s0 =	simm.s32 $0x0;
	s4 =	srdreg.scid  }
0x2: {  	s25 =	stileid.u32;
	[smem:$0x7FF] =	sst s0  }
0x3: {  	s2 =	sadd.s32 $0x7800, s1;
	s3 =	sadd.s32 $0x16800, s1;
	s5 =	sadd.s32 $0x35200, s1  }
0x4: {  	s4 =	sand.u32 $0x1, s4;
	s7 =	sadd.s32 $0x21200, s1;
	s8 =	smul.u32 $0xA000, s25  }
0x5: {  	s9 =	sadd.s32 $0x5D200, s1;
	s10 =	sadd.s32 $0x49200, s1;
	s6 =	ssub.s32 $0x2, s4  }
0x6: {  	p0 =	seq.s32 s4, $0x0;
	s11 =	sshrl.u32 s6, $0x1;
	s12 =	sadd.s32 $0x2800, s8  }
0x7: {  	s14 =	sadd.s32 $0x3C00, s8;
	s16 =	sadd.s32 $0x5000, s8;
	s18 =	sadd.s32 $0x6400, s8  }
0x8: {  	s19 =	sadd.s32 $0x7800, s8;
	s21 =	sadd.s32 $0x8C00, s8;
	s13 =	sshrl.u32 s8, $0x3  }
0x9: {  	s3 =	smov.u32 @p0 s2;
	s10 =	smov.u32 @p0 s7;
	s23 =	sshrl.u32 s21, $0x3  }
0xa: {  	s6 =	ssub.s32 s6, s11;
	s11 =	sor.u32 $0x1400, s8;
	s26 =	sadd.s32 s9, s23  }
0xb: {  	s9 =	smov.u32 @p0 s5;
	s5 =	sadd.s32 s5, s23;
	[dreg:$0x5] =	wrdreg s26  }
0xc: {  	s15 =	sshrl.u32 s11, $0x3;
	[dreg:$0x6] =	wrdreg s5;
	s7 =	sadd.s32 s9, s13  }
0xd: {  	s17 =	sshrl.u32 s12, $0x3;
	s26 =	sadd.s32 s9, s15;
	[dreg:$0x7] =	wrdreg s7  }
0xe: {  	s20 =	sshrl.u32 s14, $0x3;
	s5 =	sadd.s32 s9, s17;
	[dreg:$0x8] =	wrdreg s26  }
0xf: {  	s22 =	sshrl.u32 s16, $0x3;
	[dreg:$0x9] =	wrdreg s5;
	s7 =	sadd.s32 s9, s20  }
0x10: {  	s24 =	sshrl.u32 s18, $0x3;
	s26 =	sadd.s32 s9, s22;
	[dreg:$0xa] =	wrdreg s7  }
0x11: {  	s2 =	sshrl.u32 s19, $0x3;
	s5 =	sadd.s32 s9, s24;
	[dreg:$0xb] =	wrdreg s26  }
0x12: {  	[dreg:$0xc] =	wrdreg s5;
	s7 =	sadd.s32 s9, s2  }
0x13: {  	s9 =	sadd.s32 s10, s13;
	[dreg:$0xd] =	wrdreg s7  }
0x14: {  	s13 =	sadd.s32 s10, s15;
	[dreg:$0xe] =	wrdreg s9  }
0x15: {  	[dreg:$0xf] =	wrdreg s13  }
0x16: {  	s15 =	sadd.s32 s10, s17;
	s13 =	rddreg [dreg:$0x0]  }
0x17: {  	s17 =	sadd.s32 s10, s20;
	[dreg:$0x10] =	wrdreg s15  }
0x18: {  	s28 =	simm.s32 $0x6;
	s29 =	simm.s32 $0x4DD0;
	[dreg:$0x11] =	wrdreg s17  }
0x19: {  	p0 =	sne.s32 s4, $0x0;
	s20 =	sadd.s32 s10, s22;
	s17 =	rddreg [dreg:$0x2]  }
0x1a: {  	s4 =	sadd.s32 $0xC800, s1;
	s22 =	sadd.s32 s10, s24;
	[dreg:$0x12] =	wrdreg s20  }
0x1b: {  	s6 =	smax.u32 s6, $0x1;
	s2 =	sadd.s32 s10, s2;
	[dreg:$0x13] =	wrdreg s22  }
0x1c: {  	s24 =	smul.u32 $0x4E2, s25;
	s5 =	sadd.s32 $0x11800, s1;
	s20 =	rddreg [dreg:$0x3]  }
0x1d: {  	s25 =	smul.u32 $0x2800, s25;
	s26 =	sadd.s32 s10, s23;
	[dreg:$0x14] =	wrdreg s2  }
0x1e: {  	s23 =	sadd.s32 $0x1BE00, s1;
	[dreg:$0x15] =	wrdreg s26;
	s4 =	smov.u32 @p0 s5  }
0x1f: {  	s9 =	simm.s32 $0x7;
	_ =	strace $0x80000047;
	s3 =	sadd.s32 s3, s24  }
0x20: {  	s10 =	sadd.s32 s4, s24;
	s15 =	sshrl.u32 s25, $0x3;
	s2 =	sadd.s32 s24, s1  }
0x21: {  	[dreg:$0x1c] =	wrdreg s23;
	s25 =	sadd.s32 s25, s17;
	s30 =	sadd.s32 s8, s20  }
0x22: {  	s31 =	sadd.s32 s11, s20;
	s4 =	sadd.s32 s19, s20;
	s5 =	sadd.s32 s21, s20  }
0x23: {  	[dreg:$0x1b] =	wrdreg s6;
	s8 =	simm.s32 $0x2710;
	s11 =	simm.s32 $0x4E20  }
0x24: {  	s19 =	simm.s32 $0x2;
	s23 =	simm.s32 $0x5;
	[dreg:$0x16] =	wrdreg s3  }
0x25: {  	s6 =	simm.s32 $0x0;
	[dreg:$0x17] =	wrdreg s10;
	s22 =	sadd.s32 s15, s1  }
0x26: {  	s1 =	sadd.s32 $0x1B800, s1;
	s24 =	sadd.s32 $0x2800, s2;
	[dreg:$0x1d] =	wrdreg s25  }
0x27: {  	s15 =	sadd.s32 s12, s20;
	s2 =	sadd.s32 s16, s20;
	s3 =	sadd.s32 s18, s20  }
0x28: {  	s12 =	simm.s32 $0x50;
	s16 =	simm.s32 $0x7620;
	[dreg:$0x18] =	wrdreg s1  }
0x29: {  	s18 =	simm.s32 $0x6220;
	s25 =	simm.s32 $0x2760;
	[dreg:$0x19] =	wrdreg s24  }
0x2a: {  	s1 =	sadd.s32 s14, s20;
	s26 =	sadd.s32 $0x1C200, s22;
	s14 =	simm.s32 $0x1  }
0x2b: {  	v0 =	vimm.f32 $1.000000000e+00;
	s22 =	simm.s32 $0x3;
	[dreg:$0x1a] =	wrdreg s26;
	s26 =	simm.s32 $0x4  }
.LBB2_1:
0x2c: {  	[tilespmem:$0x7620] =	vst v0  }
0x2d: {  	[tilespmem:$0x7630] =	vst v0  }
0x2e: {  	[tilespmem:$0x7640] =	vst v0  }
0x2f: {  	[tilespmem:$0x7650] =	vst v0  }
0x30: {  	[tilespmem:$0x7660] =	vst v0  }
0x31: {  	[tilespmem:$0x7670] =	vst v0  }
0x32: {  	[tilespmem:$0x7680] =	vst v0  }
0x33: {  	[tilespmem:$0x7690] =	vst v0  }
0x34: {  	[tilespmem:$0x76A0] =	vst v0  }
0x35: {  	[tilespmem:$0x76B0] =	vst v0  }
0x36: {  	[tilespmem:$0x76C0] =	vst v0  }
0x37: {  	[tilespmem:$0x76D0] =	vst v0  }
0x38: {  	[tilespmem:$0x76E0] =	vst v0  }
0x39: {  	[tilespmem:$0x76F0] =	vst v0  }
0x3a: {  	[tilespmem:$0x7700] =	vst v0  }
0x3b: {  	[tilespmem:$0x7710] =	vst v0  }
0x3c: {  	[tilespmem:$0x7720] =	vst v0  }
0x3d: {  	[tilespmem:$0x7730] =	vst v0  }
0x3e: {  	[tilespmem:$0x7740] =	vst v0  }
0x3f: {  	[tilespmem:$0x7750] =	vst v0  }
0x40: {  	[tilespmem:$0x7760] =	vst v0  }
0x41: {  	[tilespmem:$0x7770] =	vst v0  }
0x42: {  	[tilespmem:$0x7780] =	vst v0  }
0x43: {  	[tilespmem:$0x7790] =	vst v0  }
0x44: {  	[tilespmem:$0x77A0] =	vst v0  }
0x45: {  	[tilespmem:$0x77B0] =	vst v0  }
0x46: {  	[tilespmem:$0x77C0] =	vst v0  }
0x47: {  	[tilespmem:$0x77D0] =	vst v0  }
0x48: {  	[tilespmem:$0x77E0] =	vst v0  }
0x49: {  	[tilespmem:$0x77F0] =	vst v0  }
0x4a: {  	[tilespmem:$0x7800] =	vst v0  }
0x4b: {  	[tilespmem:$0x7810] =	vst v0  }
0x4c: {  	[tilespmem:$0x7820] =	vst v0  }
0x4d: {  	[tilespmem:$0x7830] =	vst v0  }
0x4e: {  	[tilespmem:$0x7840] =	vst v0  }
0x4f: {  	[tilespmem:$0x7850] =	vst v0  }
0x50: {  	[tilespmem:$0x7860] =	vst v0  }
0x51: {  	[tilespmem:$0x7870] =	vst v0  }
0x52: {  	[tilespmem:$0x7880] =	vst v0  }
0x53: {  	[tilespmem:$0x7890] =	vst v0  }
0x54: {  	[tilespmem:$0x78A0] =	vst v0  }
0x55: {  	[tilespmem:$0x78B0] =	vst v0  }
0x56: {  	[tilespmem:$0x78C0] =	vst v0  }
0x57: {  	[tilespmem:$0x78D0] =	vst v0  }
0x58: {  	[tilespmem:$0x78E0] =	vst v0  }
0x59: {  	[tilespmem:$0x78F0] =	vst v0  }
0x5a: {  	[tilespmem:$0x7900] =	vst v0  }
0x5b: {  	[tilespmem:$0x7910] =	vst v0  }
0x5c: {  	[tilespmem:$0x7920] =	vst v0  }
0x5d: {  	[tilespmem:$0x7930] =	vst v0  }
0x5e: {  	[tilespmem:$0x7940] =	vst v0  }
0x5f: {  	[tilespmem:$0x7950] =	vst v0  }
0x60: {  	[tilespmem:$0x7960] =	vst v0  }
0x61: {  	[tilespmem:$0x7970] =	vst v0  }
0x62: {  	[tilespmem:$0x7980] =	vst v0  }
0x63: {  	[tilespmem:$0x7990] =	vst v0  }
0x64: {  	[tilespmem:$0x79A0] =	vst v0  }
0x65: {  	[tilespmem:$0x79B0] =	vst v0  }
0x66: {  	[tilespmem:$0x79C0] =	vst v0  }
0x67: {  	[tilespmem:$0x79D0] =	vst v0  }
0x68: {  	[tilespmem:$0x79E0] =	vst v0  }
0x69: {  	[tilespmem:$0x79F0] =	vst v0  }
0x6a: {  	[tilespmem:$0x7A00] =	vst v0  }
0x6b: {  	[tilespmem:$0x7A10] =	vst v0  }
0x6c: {  	[tilespmem:$0x7A20] =	vst v0  }
0x6d: {  	[tilespmem:$0x7A30] =	vst v0  }
0x6e: {  	[tilespmem:$0x7A40] =	vst v0  }
0x6f: {  	[tilespmem:$0x7A50] =	vst v0  }
0x70: {  	[tilespmem:$0x7A60] =	vst v0  }
0x71: {  	[tilespmem:$0x7A70] =	vst v0  }
0x72: {  	[tilespmem:$0x7A80] =	vst v0  }
0x73: {  	[tilespmem:$0x7A90] =	vst v0  }
0x74: {  	[tilespmem:$0x7AA0] =	vst v0  }
0x75: {  	[tilespmem:$0x7AB0] =	vst v0  }
0x76: {  	[tilespmem:$0x7AC0] =	vst v0  }
0x77: {  	[tilespmem:$0x7AD0] =	vst v0  }
0x78: {  	[tilespmem:$0x7AE0] =	vst v0  }
0x79: {  	[tilespmem:$0x7AF0] =	vst v0  }
0x7a: {  	[tilespmem:$0x7B00] =	vst v0  }
0x7b: {  	[tilespmem:$0x7B10] =	vst v0;
	s7 =	rddreg [dreg:$0x19]  }
0x7c: {  	[tilespmem:s8], [sflag:$0x7] =	stream.linear.gather [hbm4b:s7+s0], $0x2710, $0x38;
	[tilespmem:$0x16B20] =	vst v63  }
0x7d: {  	_ =	swait.ge [sflag:s9], $0x2710  }
0x7e: {  	[sflag:s9] =	ssyncset.done $0x0  }
0x7f: {  	s10 =	simm.s32 $0x7B20;
	s24 =	rddreg [dreg:$0x18];
	[sflag:s9] =	ssyncadd.s32 $0xFFFFD8F0  }
0x80: {  	[tilespmem:s10], [sflag:$0x7] =	stream.linear.gather [hbm4b:s24+s0], $0x2800, $0x38;
	[tilespmem:$0x16B20] =	vst v63  }
0x81: {  	_ =	swait.ge [sflag:s9], $0x2800  }
0x82: {  	[sflag:s9] =	ssyncset.done $0x0  }
0x83: {  	s21 =	rddreg [dreg:$0x1d];
	[sflag:s9] =	ssyncadd.s32 $0xFFFFD800  }
0x84: {  	[spmem:s21] =	stream.linear.scatter [tilespmem:s10], [sflag:$0x7], $0x2800, $0x38;
	[tilespmem:$0x16B20] =	vst v63  }
0x85: {  	_ =	swait.ge [sflag:s9], $0x2800  }
0x86: {  	[sflag:s9] =	ssyncset.done $0x0  }
0x87: {  	s24 =	rddreg [dreg:$0x16];
	[sflag:s9] =	ssyncadd.s32 $0xFFFFD800  }
0x88: {  	[tilespmem:s0], [sflag:$0x7] =	stream.linear.gather [hbm4b:s24+s0], $0x2710, $0x38;
	[tilespmem:$0x16B20] =	vst v63  }
0x89: {  	_ =	swait.ge [sflag:s9], $0x2710  }
0x8a: {  	[sflag:s9] =	ssyncset.done $0x0  }
0x8b: {  	s10 =	rddreg [dreg:$0x1c];
	[sflag:s9] =	ssyncadd.s32 $0xFFFFD8F0  }
0x8c: {  	[tilespmem:s11], [sflag:$0x7] =	stream.linear.gather [hbm4b:s10+s0], $0x1400, $0x38;
	[tilespmem:$0x16B20] =	vst v63  }
0x8d: {  	_ =	swait.ge [sflag:s9], $0x1400  }
0x8e: {  	[sflag:s9] =	ssyncset.done $0x0  }
0x8f: {  	[sflag:s9] =	ssyncadd.s32 $0xFFFFEC00  }
0x90: {  	[spmem:s30] =	stream.linear.scatter [tilespmem:s11], [sflag:$0x7], $0x1400, $0x38;
	[tilespmem:$0x16B20] =	vst v63  }
0x91: {  	_ =	swait.ge [sflag:s9], $0x1400  }
0x92: {  	[sflag:s9] =	ssyncset.done $0x0  }
0x93: {  	[sflag:s9] =	ssyncadd.s32 $0xFFFFEC00  }
0x94: {  	[spmem:s31] =	stream.linear.scatter [tilespmem:s11], [sflag:$0x7], $0x1400, $0x38;
	[tilespmem:$0x16B20] =	vst v63  }
0x95: {  	_ =	swait.ge [sflag:s9], $0x1400  }
0x96: {  	[sflag:s9] =	ssyncset.done $0x0  }
0x97: {  	[sflag:s9] =	ssyncadd.s32 $0xFFFFEC00  }
0x98: {  	[spmem:s15] =	stream.linear.scatter [tilespmem:s11], [sflag:$0x7], $0x1400, $0x38;
	[tilespmem:$0x16B20] =	vst v63  }
0x99: {  	_ =	swait.ge [sflag:s9], $0x1400  }
0x9a: {  	[sflag:s9] =	ssyncset.done $0x0  }
0x9b: {  	[sflag:s9] =	ssyncadd.s32 $0xFFFFEC00  }
0x9c: {  	[spmem:s1] =	stream.linear.scatter [tilespmem:s11], [sflag:$0x7], $0x1400, $0x38;
	[tilespmem:$0x16B20] =	vst v63  }
0x9d: {  	_ =	swait.ge [sflag:s9], $0x1400  }
0x9e: {  	[sflag:s9] =	ssyncset.done $0x0  }
0x9f: {  	[sflag:s9] =	ssyncadd.s32 $0xFFFFEC00  }
0xa0: {  	[spmem:s2] =	stream.linear.scatter [tilespmem:s11], [sflag:$0x7], $0x1400, $0x38;
	[tilespmem:$0x16B20] =	vst v63  }
0xa1: {  	_ =	swait.ge [sflag:s9], $0x1400  }
0xa2: {  	[sflag:s9] =	ssyncset.done $0x0  }
0xa3: {  	[sflag:s9] =	ssyncadd.s32 $0xFFFFEC00  }
0xa4: {  	[spmem:s3] =	stream.linear.scatter [tilespmem:s11], [sflag:$0x7], $0x1400, $0x38;
	[tilespmem:$0x16B20] =	vst v63  }
0xa5: {  	_ =	swait.ge [sflag:s9], $0x1400  }
0xa6: {  	[sflag:s9] =	ssyncset.done $0x0  }
0xa7: {  	[sflag:s9] =	ssyncadd.s32 $0xFFFFEC00  }
0xa8: {  	[spmem:s4] =	stream.linear.scatter [tilespmem:s11], [sflag:$0x7], $0x1400, $0x38;
	[tilespmem:$0x16B20] =	vst v63  }
0xa9: {  	_ =	swait.ge [sflag:s9], $0x1400  }
0xaa: {  	[sflag:s9] =	ssyncset.done $0x0  }
0xab: {  	[sflag:s9] =	ssyncadd.s32 $0xFFFFEC00  }
0xac: {  	[spmem:s5] =	stream.linear.scatter [tilespmem:s11], [sflag:$0x7], $0x1400, $0x38;
	[tilespmem:$0x16B20] =	vst v63  }
0xad: {  	_ =	swait.ge [sflag:s9], $0x1400  }
0xae: {  	[sflag:s9] =	ssyncset.done $0x0  }
0xaf: {  	[sflag:s9] =	ssyncadd.s32 $0xFFFFEC00  }
0xb0: {  	[bflag:$0x0] =	sbarrier.arrive $0xFFFF  }
0xb1: {  	[tilespmem:s11], [sflag:$0x1] =	stream.indirect.gather [hbm4b:s13+s12], $0x40, s0, s12, $0xb8;
	[tilespmem:$0x16B20] =	vst v63  }
0xb2: {  	_ =	swait.ge [sflag:s14], $0x1400  }
0xb3: {  	[sflag:s14] =	ssyncset.done $0x0  }
0xb4: {  	[sflag:s14] =	ssyncadd.s32 $0xFFFFEC00  }
0xb5: {  	[spmem:s20] =	stream.indirect.scatter.add.f32 [tilespmem:s11], [sflag:$0x3], $0x40, s8, s12, $0xb8;
	[tilespmem:$0x16B20] =	vst v63  }
0xb6: {  	_ = 	snop  }
0xb7: {  	[spmem:s17] =	stream.indirect.scatter.add.f32 [tilespmem:s16], [sflag:$0x5], $0x10, s8, s12, $0xb8;
	[tilespmem:$0x16B20] =	vst v63  }
0xb8: {  	_ = 	snop  }
0xb9: {  	[tilespmem:s18], [sflag:$0x2] =	stream.indirect.gather [hbm4b:s13+s12], $0x40, s12, s12, $0xb8;
	[tilespmem:$0x16B20] =	vst v63  }
0xba: {  	_ =	swait.ge [sflag:s19], $0x1400  }
0xbb: {  	[sflag:s19] =	ssyncset.done $0x0  }
0xbc: {  	s21 =	simm.s32 $0x2760;
	[sflag:s19] =	ssyncadd.s32 $0xFFFFEC00  }
0xbd: {  	[spmem:s20] =	stream.indirect.scatter.add.f32 [tilespmem:s18], [sflag:$0x4], $0x40, s21, s12, $0xb8;
	[tilespmem:$0x16B20] =	vst v63  }
0xbe: {  	_ = 	snop  }
0xbf: {  	[spmem:s17] =	stream.indirect.scatter.add.f32 [tilespmem:s16], [sflag:$0x6], $0x10, s21, s12, $0xb8;
	[tilespmem:$0x16B20] =	vst v63  }
0xc0: {  	_ =	swait.ge [sflag:s22], $0x1400  }
0xc1: {  	[sflag:s22] =	ssyncset.done $0x0  }
0xc2: {  	[sflag:s22] =	ssyncadd.s32 $0xFFFFEC00  }
0xc3: {  	_ =	swait.ge [sflag:s23], $0x500  }
0xc4: {  	[sflag:s23] =	ssyncset.done $0x0  }
0xc5: {  	s24 =	simm.s32 $0xA0;
	[sflag:s23] =	ssyncadd.s32 $0xFFFFFB00  }
0xc6: {  	[tilespmem:s11], [sflag:$0x1] =	stream.indirect.gather [hbm4b:s13+s12], $0x40, s24, s12, $0xb8;
	[tilespmem:$0x16B20] =	vst v63  }
0xc7: {  	_ =	swait.ge [sflag:s14], $0x1400  }
0xc8: {  	[sflag:s14] =	ssyncset.done $0x0  }
0xc9: {  	s10 =	simm.s32 $0x27B0;
	[sflag:s14] =	ssyncadd.s32 $0xFFFFEC00  }
0xca: {  	[spmem:s20] =	stream.indirect.scatter.add.f32 [tilespmem:s11], [sflag:$0x3], $0x40, s10, s12, $0xb8;
	[tilespmem:$0x16B20] =	vst v63  }
0xcb: {  	_ = 	snop  }
0xcc: {  	[spmem:s17] =	stream.indirect.scatter.add.f32 [tilespmem:s16], [sflag:$0x5], $0x10, s10, s12, $0xb8;
	[tilespmem:$0x16B20] =	vst v63  }
0xcd: {  	_ =	swait.ge [sflag:s26], $0x1400  }
0xce: {  	[sflag:s26] =	ssyncset.done $0x0  }
0xcf: {  	[sflag:s26] =	ssyncadd.s32 $0xFFFFEC00  }
0xd0: {  	_ =	swait.ge [sflag:s28], $0x500  }
0xd1: {  	[sflag:s28] =	ssyncset.done $0x0  }
0xd2: {  	s21 =	simm.s32 $0xF0;
	[sflag:s28] =	ssyncadd.s32 $0xFFFFFB00  }
0xd3: {  	[tilespmem:s18], [sflag:$0x2] =	stream.indirect.gather [hbm4b:s13+s12], $0x40, s21, s12, $0xb8;
	[tilespmem:$0x16B20] =	vst v63  }
0xd4: {  	_ =	swait.ge [sflag:s19], $0x1400  }
0xd5: {  	[sflag:s19] =	ssyncset.done $0x0  }
0xd6: {  	s24 =	simm.s32 $0x2800;
	[sflag:s19] =	ssyncadd.s32 $0xFFFFEC00  }
0xd7: {  	[spmem:s20] =	stream.indirect.scatter.add.f32 [tilespmem:s18], [sflag:$0x4], $0x40, s24, s12, $0xb8;
	[tilespmem:$0x16B20] =	vst v63  }
0xd8: {  	_ = 	snop  }
0xd9: {  	[spmem:s17] =	stream.indirect.scatter.add.f32 [tilespmem:s16], [sflag:$0x6], $0x10, s24, s12, $0xb8;
	[tilespmem:$0x16B20] =	vst v63  }
0xda: {  	_ =	swait.ge [sflag:s22], $0x1400  }
0xdb: {  	[sflag:s22] =	ssyncset.done $0x0  }
0xdc: {  	[sflag:s22] =	ssyncadd.s32 $0xFFFFEC00  }
0xdd: {  	_ =	swait.ge [sflag:s23], $0x500  }
0xde: {  	[sflag:s23] =	ssyncset.done $0x0  }
0xdf: {  	s7 =	simm.s32 $0xFFFF6A00;
	s24 =	simm.s32 $0x140;
	[sflag:s23] =	ssyncadd.s32 $0xFFFFFB00  }
.LBB2_2:
0xe0: {  	[tilespmem:s11], [sflag:$0x1] =	stream.indirect.gather [hbm4b:s13+s12], $0x40, s24, s12, $0xb8;
	[tilespmem:$0x16B20] =	vst v63  }
0xe1: {  	s24 =	smov.u32 s7  }
0xe2: {  	p1 =	sne.s32 s7, $0xFFFFFD80;
	s7 =	sadd.s32 $0x280, s7;
	_ =	swait.ge [sflag:s14], $0x1400  }
0xe3: {  	s24 =	sshra.s32 s24, $0x2;
	[sflag:s14] =	ssyncset.done $0x0  }
0xe4: {  	s21 =	sadd.s32 $0x4DD0, s24;
	[sflag:s14] =	ssyncadd.s32 $0xFFFFEC00  }
0xe5: {  	[spmem:s20] =	stream.indirect.scatter.add.f32 [tilespmem:s11], [sflag:$0x3], $0x40, s21, s12, $0xb8;
	[tilespmem:$0x16B20] =	vst v63  }
0xe6: {  	_ = 	snop  }
0xe7: {  	[spmem:s17] =	stream.indirect.scatter.add.f32 [tilespmem:s16], [sflag:$0x5], $0x10, s21, s12, $0xb8;
	[tilespmem:$0x16B20] =	vst v63  }
0xe8: {  	_ =	swait.ge [sflag:s26], $0x1400  }
0xe9: {  	[sflag:s26] =	ssyncset.done $0x0  }
0xea: {  	[sflag:s26] =	ssyncadd.s32 $0xFFFFEC00  }
0xeb: {  	_ =	swait.ge [sflag:s28], $0x500  }
0xec: {  	[sflag:s28] =	ssyncset.done $0x0  }
0xed: {  	s21 =	sadd.s32 $0x2710, s24;
	[sflag:s28] =	ssyncadd.s32 $0xFFFFFB00  }
0xee: {  	[tilespmem:s18], [sflag:$0x2] =	stream.indirect.gather [hbm4b:s13+s12], $0x40, s21, s12, $0xb8;
	[tilespmem:$0x16B20] =	vst v63  }
0xef: {  	_ =	swait.ge [sflag:s19], $0x1400  }
0xf0: {  	[sflag:s19] =	ssyncset.done $0x0  }
0xf1: {  	s21 =	sadd.s32 $0x4E20, s24;
	[sflag:s19] =	ssyncadd.s32 $0xFFFFEC00  }
0xf2: {  	[spmem:s20] =	stream.indirect.scatter.add.f32 [tilespmem:s18], [sflag:$0x4], $0x40, s21, s12, $0xb8;
	[tilespmem:$0x16B20] =	vst v63  }
0xf3: {  	_ = 	snop  }
0xf4: {  	[spmem:s17] =	stream.indirect.scatter.add.f32 [tilespmem:s16], [sflag:$0x6], $0x10, s21, s12, $0xb8;
	[tilespmem:$0x16B20] =	vst v63  }
0xf5: {  	_ =	swait.ge [sflag:s22], $0x1400  }
.Ltmp0:
0xf6: {  	[sflag:s22] =	ssyncset.done $0x0;
	(pc) =	sbr.rel @p1 .LBB2_2-.Ltmp0, $4  }
0xf7: {  	[sflag:s22] =	ssyncadd.s32 $0xFFFFEC00  }
0xf8: {  	_ =	swait.ge [sflag:s23], $0x500  }
0xf9: {  	[sflag:s23] =	ssyncset.done $0x0  }
0xfa: {  	s24 =	sadd.s32 $0x2760, s24;
	[sflag:s23] =	ssyncadd.s32 $0xFFFFFB00  }
0xfb: {  	[tilespmem:s11], [sflag:$0x1] =	stream.indirect.gather [hbm4b:s13+s12], $0x40, s24, s12, $0xb8;
	[tilespmem:$0x16B20] =	vst v63  }
0xfc: {  	_ =	swait.ge [sflag:s14], $0x1400  }
0xfd: {  	[sflag:s14] =	ssyncset.done $0x0  }
0xfe: {  	s7 =	simm.s32 $0x4DD0;
	[sflag:s14] =	ssyncadd.s32 $0xFFFFEC00  }
0xff: {  	[spmem:s20] =	stream.indirect.scatter.add.f32 [tilespmem:s11], [sflag:$0x3], $0x40, s7, s12, $0xb8;
	[tilespmem:$0x16B20] =	vst v63  }
0x100: {  	_ = 	snop  }
0x101: {  	[spmem:s17] =	stream.indirect.scatter.add.f32 [tilespmem:s16], [sflag:$0x5], $0x10, s7, s12, $0xb8;
	[tilespmem:$0x16B20] =	vst v63  }
0x102: {  	_ =	swait.ge [sflag:s26], $0x1400  }
0x103: {  	[sflag:s26] =	ssyncset.done $0x0  }
0x104: {  	[sflag:s26] =	ssyncadd.s32 $0xFFFFEC00  }
0x105: {  	_ =	swait.ge [sflag:s28], $0x500  }
0x106: {  	[sflag:s28] =	ssyncset.done $0x0  }
0x107: {  	[sflag:s28] =	ssyncadd.s32 $0xFFFFFB00  }
0x108: {  	_ =	swait.ge [sflag:s22], $0x1400  }
0x109: {  	[sflag:s22] =	ssyncset.done $0x0  }
0x10a: {  	[sflag:s22] =	ssyncadd.s32 $0xFFFFEC00  }
0x10b: {  	_ =	swait.ge [sflag:s23], $0x500  }
0x10c: {  	[sflag:s23] =	ssyncset.done $0x0  }
0x10d: {  	[sflag:s23] =	ssyncadd.s32 $0xFFFFFB00  }
0x10e: {  	[bflag:$0x0] =	sbarrier.arrive $0xFFFF  }
0x10f: {  	[tilespmem:s11], [sflag:$0x7] =	stream.linear.gather [spmem:s30], $0x1400, $0x38;
	[tilespmem:$0x16B20] =	vst v63  }
0x110: {  	_ =	swait.ge [sflag:s9], $0x1400  }
0x111: {  	[sflag:s9] =	ssyncset.done $0x0  }
0x112: {  	s24 =	rddreg [dreg:$0x7];
	[sflag:s9] =	ssyncadd.s32 $0xFFFFEC00  }
0x113: {  	[hbm4b:s24+s0] =	stream.linear.scatter [tilespmem:s11], [sflag:$0x7], $0x1400, $0x38;
	[tilespmem:$0x16B20] =	vst v63  }
0x114: {  	_ =	swait.ge [sflag:s9], $0x1400  }
0x115: {  	[sflag:s9] =	ssyncset.done $0x0  }
0x116: {  	[sflag:s9] =	ssyncadd.s32 $0xFFFFEC00  }
0x117: {  	[tilespmem:s11], [sflag:$0x7] =	stream.linear.gather [spmem:s31], $0x1400, $0x38;
	[tilespmem:$0x16B20] =	vst v63  }
0x118: {  	_ =	swait.ge [sflag:s9], $0x1400  }
0x119: {  	[sflag:s9] =	ssyncset.done $0x0  }
0x11a: {  	s10 =	rddreg [dreg:$0x8];
	[sflag:s9] =	ssyncadd.s32 $0xFFFFEC00  }
0x11b: {  	[hbm4b:s10+s0] =	stream.linear.scatter [tilespmem:s11], [sflag:$0x7], $0x1400, $0x38;
	[tilespmem:$0x16B20] =	vst v63  }
0x11c: {  	_ =	swait.ge [sflag:s9], $0x1400  }
0x11d: {  	[sflag:s9] =	ssyncset.done $0x0  }
0x11e: {  	[sflag:s9] =	ssyncadd.s32 $0xFFFFEC00  }
0x11f: {  	[tilespmem:s11], [sflag:$0x7] =	stream.linear.gather [spmem:s15], $0x1400, $0x38;
	[tilespmem:$0x16B20] =	vst v63  }
0x120: {  	_ =	swait.ge [sflag:s9], $0x1400  }
0x121: {  	[sflag:s9] =	ssyncset.done $0x0  }
0x122: {  	s21 =	rddreg [dreg:$0x9];
	[sflag:s9] =	ssyncadd.s32 $0xFFFFEC00  }
0x123: {  	[hbm4b:s21+s0] =	stream.linear.scatter [tilespmem:s11], [sflag:$0x7], $0x1400, $0x38;
	[tilespmem:$0x16B20] =	vst v63  }
0x124: {  	_ =	swait.ge [sflag:s9], $0x1400  }
0x125: {  	[sflag:s9] =	ssyncset.done $0x0  }
0x126: {  	[sflag:s9] =	ssyncadd.s32 $0xFFFFEC00  }
0x127: {  	[tilespmem:s11], [sflag:$0x7] =	stream.linear.gather [spmem:s1], $0x1400, $0x38;
	[tilespmem:$0x16B20] =	vst v63  }
0x128: {  	_ =	swait.ge [sflag:s9], $0x1400  }
0x129: {  	[sflag:s9] =	ssyncset.done $0x0  }
0x12a: {  	s24 =	rddreg [dreg:$0xa];
	[sflag:s9] =	ssyncadd.s32 $0xFFFFEC00  }
0x12b: {  	[hbm4b:s24+s0] =	stream.linear.scatter [tilespmem:s11], [sflag:$0x7], $0x1400, $0x38;
	[tilespmem:$0x16B20] =	vst v63  }
0x12c: {  	_ =	swait.ge [sflag:s9], $0x1400  }
0x12d: {  	[sflag:s9] =	ssyncset.done $0x0  }
0x12e: {  	[sflag:s9] =	ssyncadd.s32 $0xFFFFEC00  }
0x12f: {  	[tilespmem:s11], [sflag:$0x7] =	stream.linear.gather [spmem:s2], $0x1400, $0x38;
	[tilespmem:$0x16B20] =	vst v63  }
0x130: {  	_ =	swait.ge [sflag:s9], $0x1400  }
0x131: {  	[sflag:s9] =	ssyncset.done $0x0  }
0x132: {  	s10 =	rddreg [dreg:$0xb];
	[sflag:s9] =	ssyncadd.s32 $0xFFFFEC00  }
0x133: {  	[hbm4b:s10+s0] =	stream.linear.scatter [tilespmem:s11], [sflag:$0x7], $0x1400, $0x38;
	[tilespmem:$0x16B20] =	vst v63  }
0x134: {  	_ =	swait.ge [sflag:s9], $0x1400  }
0x135: {  	[sflag:s9] =	ssyncset.done $0x0  }
0x136: {  	[sflag:s9] =	ssyncadd.s32 $0xFFFFEC00  }
0x137: {  	[tilespmem:s11], [sflag:$0x7] =	stream.linear.gather [spmem:s3], $0x1400, $0x38;
	[tilespmem:$0x16B20] =	vst v63  }
0x138: {  	_ =	swait.ge [sflag:s9], $0x1400  }
0x139: {  	[sflag:s9] =	ssyncset.done $0x0  }
0x13a: {  	s21 =	rddreg [dreg:$0xc];
	[sflag:s9] =	ssyncadd.s32 $0xFFFFEC00  }
0x13b: {  	[hbm4b:s21+s0] =	stream.linear.scatter [tilespmem:s11], [sflag:$0x7], $0x1400, $0x38;
	[tilespmem:$0x16B20] =	vst v63  }
0x13c: {  	_ =	swait.ge [sflag:s9], $0x1400  }
0x13d: {  	[sflag:s9] =	ssyncset.done $0x0  }
0x13e: {  	[sflag:s9] =	ssyncadd.s32 $0xFFFFEC00  }
0x13f: {  	[tilespmem:s11], [sflag:$0x7] =	stream.linear.gather [spmem:s4], $0x1400, $0x38;
	[tilespmem:$0x16B20] =	vst v63  }
0x140: {  	_ =	swait.ge [sflag:s9], $0x1400  }
0x141: {  	[sflag:s9] =	ssyncset.done $0x0  }
0x142: {  	s24 =	rddreg [dreg:$0xd];
	[sflag:s9] =	ssyncadd.s32 $0xFFFFEC00  }
0x143: {  	[hbm4b:s24+s0] =	stream.linear.scatter [tilespmem:s11], [sflag:$0x7], $0x1400, $0x38;
	[tilespmem:$0x16B20] =	vst v63  }
0x144: {  	_ =	swait.ge [sflag:s9], $0x1400  }
0x145: {  	[sflag:s9] =	ssyncset.done $0x0  }
0x146: {  	[sflag:s9] =	ssyncadd.s32 $0xFFFFEC00  }
0x147: {  	[tilespmem:s11], [sflag:$0x7] =	stream.linear.gather [spmem:s5], $0x1400, $0x38;
	[tilespmem:$0x16B20] =	vst v63  }
0x148: {  	_ =	swait.ge [sflag:s9], $0x1400  }
0x149: {  	s7 =	simm.s32 @p0 $0x0;
	[sflag:s9] =	ssyncset.done $0x0  }
0x14a: {  	s21 =	simm.s32 @p0 $0x4E20;
	s24 =	rddreg [dreg:$0x5];
	[sflag:s9] =	ssyncadd.s32 $0xFFFFEC00  }
0x14b: {  	[hbm4b:s24+s7] =	stream.linear.scatter @p0 [tilespmem:s21], [sflag:$0x7], $0x1400, $0x38;
	[tilespmem:$0x16B20] =	vst v63  }
0x14c: {  	s7 =	simm.s32 @p0 $0x7  }
0x14d: {  	_ =	swait.ge @p0 [sflag:s7], $0x1400  }
0x14e: {  	s21 =	simm.s32 @!p0 $0x4E20;
	[sflag:s7] =	ssyncset.done @p0 $0x0  }
0x14f: {  	s24 =	rddreg [dreg:$0x6];
	[sflag:s7] =	ssyncadd.s32 @p0 $0xFFFFEC00;
	s7 =	simm.s32 @!p0 $0x0  }
0x150: {  	[hbm4b:s24+s7] =	stream.linear.scatter @!p0 [tilespmem:s21], [sflag:$0x7], $0x1400, $0x38;
	[tilespmem:$0x16B20] =	vst v63  }
0x151: {  	s21 =	simm.s32 @!p0 $0x7  }
0x152: {  	_ =	swait.ge @!p0 [sflag:s21], $0x1400  }
0x153: {  	[sflag:s21] =	ssyncset.done @!p0 $0x0  }
0x154: {  	s24 =	simm.s32 @!p0 $0x7B20;
	s10 =	rddreg [dreg:$0x1d];
	[sflag:s21] =	ssyncadd.s32 @!p0 $0xFFFFEC00  }
0x155: {  	[tilespmem:s24], [sflag:$0x7] =	stream.linear.gather @!p0 [spmem:s10], $0x2800, $0x38;
	[tilespmem:$0x16B20] =	vst v63  }
0x156: {  	_ =	swait.ge @!p0 [sflag:s21], $0x2800  }
0x157: {  	[sflag:s21] =	ssyncset.done @!p0 $0x0  }
0x158: {  	s10 =	rddreg [dreg:$0x1a];
	[sflag:s21] =	ssyncadd.s32 @!p0 $0xFFFFD800  }
0x159: {  	[hbm4b:s10+s7] =	stream.linear.scatter @!p0 [tilespmem:s24], [sflag:$0x7], $0x2800, $0x38;
	[tilespmem:$0x16B20] =	vst v63  }
0x15a: {  	_ =	swait.ge @!p0 [sflag:s21], $0x2800  }
0x15b: {  	[sflag:s21] =	ssyncset.done @!p0 $0x0  }
0x15c: {  	s10 =	rddreg [dreg:$0x17];
	[sflag:s21] =	ssyncadd.s32 @!p0 $0xFFFFD800  }
0x15d: {  	[tilespmem:s0], [sflag:$0x7] =	stream.linear.gather [hbm4b:s10+s0], $0x2710, $0x38;
	[tilespmem:$0x16B20] =	vst v63  }
0x15e: {  	_ =	swait.ge [sflag:s9], $0x2710  }
0x15f: {  	[sflag:s9] =	ssyncset.done $0x0  }
0x160: {  	s21 =	rddreg [dreg:$0x1c];
	[sflag:s9] =	ssyncadd.s32 $0xFFFFD8F0  }
0x161: {  	[tilespmem:s11], [sflag:$0x7] =	stream.linear.gather [hbm4b:s21+s0], $0x1400, $0x38;
	[tilespmem:$0x16B20] =	vst v63  }
0x162: {  	_ =	swait.ge [sflag:s9], $0x1400  }
0x163: {  	[sflag:s9] =	ssyncset.done $0x0  }
0x164: {  	[sflag:s9] =	ssyncadd.s32 $0xFFFFEC00  }
0x165: {  	[spmem:s30] =	stream.linear.scatter [tilespmem:s11], [sflag:$0x7], $0x1400, $0x38;
	[tilespmem:$0x16B20] =	vst v63  }
0x166: {  	_ =	swait.ge [sflag:s9], $0x1400  }
0x167: {  	[sflag:s9] =	ssyncset.done $0x0  }
0x168: {  	[sflag:s9] =	ssyncadd.s32 $0xFFFFEC00  }
0x169: {  	[spmem:s31] =	stream.linear.scatter [tilespmem:s11], [sflag:$0x7], $0x1400, $0x38;
	[tilespmem:$0x16B20] =	vst v63  }
0x16a: {  	_ =	swait.ge [sflag:s9], $0x1400  }
0x16b: {  	[sflag:s9] =	ssyncset.done $0x0  }
0x16c: {  	[sflag:s9] =	ssyncadd.s32 $0xFFFFEC00  }
0x16d: {  	[spmem:s15] =	stream.linear.scatter [tilespmem:s11], [sflag:$0x7], $0x1400, $0x38;
	[tilespmem:$0x16B20] =	vst v63  }
0x16e: {  	_ =	swait.ge [sflag:s9], $0x1400  }
0x16f: {  	[sflag:s9] =	ssyncset.done $0x0  }
0x170: {  	[sflag:s9] =	ssyncadd.s32 $0xFFFFEC00  }
0x171: {  	[spmem:s1] =	stream.linear.scatter [tilespmem:s11], [sflag:$0x7], $0x1400, $0x38;
	[tilespmem:$0x16B20] =	vst v63  }
0x172: {  	_ =	swait.ge [sflag:s9], $0x1400  }
0x173: {  	[sflag:s9] =	ssyncset.done $0x0  }
0x174: {  	[sflag:s9] =	ssyncadd.s32 $0xFFFFEC00  }
0x175: {  	[spmem:s2] =	stream.linear.scatter [tilespmem:s11], [sflag:$0x7], $0x1400, $0x38;
	[tilespmem:$0x16B20] =	vst v63  }
0x176: {  	_ =	swait.ge [sflag:s9], $0x1400  }
0x177: {  	[sflag:s9] =	ssyncset.done $0x0  }
0x178: {  	[sflag:s9] =	ssyncadd.s32 $0xFFFFEC00  }
0x179: {  	[spmem:s3] =	stream.linear.scatter [tilespmem:s11], [sflag:$0x7], $0x1400, $0x38;
	[tilespmem:$0x16B20] =	vst v63  }
0x17a: {  	_ =	swait.ge [sflag:s9], $0x1400  }
0x17b: {  	[sflag:s9] =	ssyncset.done $0x0  }
0x17c: {  	[sflag:s9] =	ssyncadd.s32 $0xFFFFEC00  }
0x17d: {  	[spmem:s4] =	stream.linear.scatter [tilespmem:s11], [sflag:$0x7], $0x1400, $0x38;
	[tilespmem:$0x16B20] =	vst v63  }
0x17e: {  	_ =	swait.ge [sflag:s9], $0x1400  }
0x17f: {  	[sflag:s9] =	ssyncset.done $0x0  }
0x180: {  	[sflag:s9] =	ssyncadd.s32 $0xFFFFEC00  }
0x181: {  	[spmem:s5] =	stream.linear.scatter [tilespmem:s11], [sflag:$0x7], $0x1400, $0x38;
	[tilespmem:$0x16B20] =	vst v63  }
0x182: {  	_ =	swait.ge [sflag:s9], $0x1400  }
0x183: {  	[sflag:s9] =	ssyncset.done $0x0  }
0x184: {  	[sflag:s9] =	ssyncadd.s32 $0xFFFFEC00  }
0x185: {  	[bflag:$0x0] =	sbarrier.arrive $0xFFFF  }
0x186: {  	[tilespmem:s11], [sflag:$0x1] =	stream.indirect.gather [hbm4b:s13+s12], $0x40, s0, s12, $0xb8;
	[tilespmem:$0x16B20] =	vst v63  }
0x187: {  	_ =	swait.ge [sflag:s14], $0x1400  }
0x188: {  	[sflag:s14] =	ssyncset.done $0x0  }
0x189: {  	[sflag:s14] =	ssyncadd.s32 $0xFFFFEC00  }
0x18a: {  	[spmem:s20] =	stream.indirect.scatter.add.f32 [tilespmem:s11], [sflag:$0x3], $0x40, s8, s12, $0xb8;
	[tilespmem:$0x16B20] =	vst v63  }
0x18b: {  	_ = 	snop  }
0x18c: {  	[tilespmem:s18], [sflag:$0x2] =	stream.indirect.gather [hbm4b:s13+s12], $0x40, s12, s12, $0xb8;
	[tilespmem:$0x16B20] =	vst v63  }
0x18d: {  	_ =	swait.ge [sflag:s19], $0x1400  }
0x18e: {  	[sflag:s19] =	ssyncset.done $0x0  }
0x18f: {  	[sflag:s19] =	ssyncadd.s32 $0xFFFFEC00  }
0x190: {  	[spmem:s20] =	stream.indirect.scatter.add.f32 [tilespmem:s18], [sflag:$0x4], $0x40, s25, s12, $0xb8;
	[tilespmem:$0x16B20] =	vst v63  }
0x191: {  	_ =	swait.ge [sflag:s22], $0x1400  }
0x192: {  	[sflag:s22] =	ssyncset.done $0x0  }
0x193: {  	s24 =	simm.s32 $0xA0;
	[sflag:s22] =	ssyncadd.s32 $0xFFFFEC00  }
0x194: {  	[tilespmem:s11], [sflag:$0x1] =	stream.indirect.gather [hbm4b:s13+s12], $0x40, s24, s12, $0xb8;
	[tilespmem:$0x16B20] =	vst v63  }
0x195: {  	_ =	swait.ge [sflag:s14], $0x1400  }
0x196: {  	[sflag:s14] =	ssyncset.done $0x0  }
0x197: {  	s10 =	simm.s32 $0x27B0;
	[sflag:s14] =	ssyncadd.s32 $0xFFFFEC00  }
0x198: {  	[spmem:s20] =	stream.indirect.scatter.add.f32 [tilespmem:s11], [sflag:$0x3], $0x40, s10, s12, $0xb8;
	[tilespmem:$0x16B20] =	vst v63  }
0x199: {  	_ =	swait.ge [sflag:s26], $0x1400  }
0x19a: {  	[sflag:s26] =	ssyncset.done $0x0  }
0x19b: {  	s21 =	simm.s32 $0xF0;
	[sflag:s26] =	ssyncadd.s32 $0xFFFFEC00  }
0x19c: {  	[tilespmem:s18], [sflag:$0x2] =	stream.indirect.gather [hbm4b:s13+s12], $0x40, s21, s12, $0xb8;
	[tilespmem:$0x16B20] =	vst v63  }
0x19d: {  	_ =	swait.ge [sflag:s19], $0x1400  }
0x19e: {  	[sflag:s19] =	ssyncset.done $0x0  }
0x19f: {  	s24 =	simm.s32 $0x2800;
	[sflag:s19] =	ssyncadd.s32 $0xFFFFEC00  }
0x1a0: {  	[spmem:s20] =	stream.indirect.scatter.add.f32 [tilespmem:s18], [sflag:$0x4], $0x40, s24, s12, $0xb8;
	[tilespmem:$0x16B20] =	vst v63  }
0x1a1: {  	_ =	swait.ge [sflag:s22], $0x1400  }
0x1a2: {  	[sflag:s22] =	ssyncset.done $0x0  }
0x1a3: {  	s7 =	simm.s32 $0xFFFF6A00;
	s24 =	simm.s32 $0x140;
	[sflag:s22] =	ssyncadd.s32 $0xFFFFEC00  }
.LBB2_4:
0x1a4: {  	[tilespmem:s11], [sflag:$0x1] =	stream.indirect.gather [hbm4b:s13+s12], $0x40, s24, s12, $0xb8;
	[tilespmem:$0x16B20] =	vst v63  }
0x1a5: {  	s21 =	smov.u32 s7  }
0x1a6: {  	p1 =	sne.s32 s7, $0xFFFFFD80;
	s7 =	sadd.s32 $0x280, s7;
	_ =	swait.ge [sflag:s14], $0x1400  }
0x1a7: {  	s21 =	sshra.s32 s21, $0x2;
	[sflag:s14] =	ssyncset.done $0x0  }
0x1a8: {  	s24 =	sadd.s32 $0x4DD0, s21;
	[sflag:s14] =	ssyncadd.s32 $0xFFFFEC00  }
0x1a9: {  	[spmem:s20] =	stream.indirect.scatter.add.f32 [tilespmem:s11], [sflag:$0x3], $0x40, s24, s12, $0xb8;
	[tilespmem:$0x16B20] =	vst v63  }
0x1aa: {  	_ =	swait.ge [sflag:s26], $0x1400  }
0x1ab: {  	[sflag:s26] =	ssyncset.done $0x0  }
0x1ac: {  	s24 =	sadd.s32 $0x2710, s21;
	[sflag:s26] =	ssyncadd.s32 $0xFFFFEC00  }
0x1ad: {  	[tilespmem:s18], [sflag:$0x2] =	stream.indirect.gather [hbm4b:s13+s12], $0x40, s24, s12, $0xb8;
	[tilespmem:$0x16B20] =	vst v63  }
0x1ae: {  	_ =	swait.ge [sflag:s19], $0x1400  }
0x1af: {  	[sflag:s19] =	ssyncset.done $0x0  }
.Ltmp1:
0x1b0: {  	s24 =	sadd.s32 $0x4E20, s21;
	[sflag:s19] =	ssyncadd.s32 $0xFFFFEC00;
	(pc) =	sbr.rel @p1 .LBB2_4-.Ltmp1, $4  }
0x1b1: {  	[spmem:s20] =	stream.indirect.scatter.add.f32 [tilespmem:s18], [sflag:$0x4], $0x40, s24, s12, $0xb8;
	[tilespmem:$0x16B20] =	vst v63  }
0x1b2: {  	_ =	swait.ge [sflag:s22], $0x1400  }
0x1b3: {  	[sflag:s22] =	ssyncset.done $0x0  }
0x1b4: {  	s24 =	sadd.s32 $0x2760, s21;
	[sflag:s22] =	ssyncadd.s32 $0xFFFFEC00  }
0x1b5: {  	[tilespmem:s11], [sflag:$0x1] =	stream.indirect.gather [hbm4b:s13+s12], $0x40, s24, s12, $0xb8;
	[tilespmem:$0x16B20] =	vst v63  }
0x1b6: {  	_ =	swait.ge [sflag:s14], $0x1400  }
0x1b7: {  	[sflag:s14] =	ssyncset.done $0x0  }
0x1b8: {  	[sflag:s14] =	ssyncadd.s32 $0xFFFFEC00  }
0x1b9: {  	[spmem:s20] =	stream.indirect.scatter.add.f32 [tilespmem:s11], [sflag:$0x3], $0x40, s29, s12, $0xb8;
	[tilespmem:$0x16B20] =	vst v63  }
0x1ba: {  	_ =	swait.ge [sflag:s26], $0x1400  }
0x1bb: {  	[sflag:s26] =	ssyncset.done $0x0  }
0x1bc: {  	[sflag:s26] =	ssyncadd.s32 $0xFFFFEC00  }
0x1bd: {  	_ =	swait.ge [sflag:s22], $0x1400  }
0x1be: {  	[sflag:s22] =	ssyncset.done $0x0  }
0x1bf: {  	[sflag:s22] =	ssyncadd.s32 $0xFFFFEC00  }
0x1c0: {  	[bflag:$0x0] =	sbarrier.arrive $0xFFFF  }
0x1c1: {  	[tilespmem:s11], [sflag:$0x7] =	stream.linear.gather [spmem:s30], $0x1400, $0x38;
	[tilespmem:$0x16B20] =	vst v63  }
0x1c2: {  	_ =	swait.ge [sflag:s9], $0x1400  }
0x1c3: {  	[sflag:s9] =	ssyncset.done $0x0  }
0x1c4: {  	s7 =	rddreg [dreg:$0xe];
	[sflag:s9] =	ssyncadd.s32 $0xFFFFEC00  }
0x1c5: {  	[hbm4b:s7+s0] =	stream.linear.scatter [tilespmem:s11], [sflag:$0x7], $0x1400, $0x38;
	[tilespmem:$0x16B20] =	vst v63  }
0x1c6: {  	_ =	swait.ge [sflag:s9], $0x1400  }
0x1c7: {  	[sflag:s9] =	ssyncset.done $0x0  }
0x1c8: {  	[sflag:s9] =	ssyncadd.s32 $0xFFFFEC00  }
0x1c9: {  	[tilespmem:s11], [sflag:$0x7] =	stream.linear.gather [spmem:s31], $0x1400, $0x38;
	[tilespmem:$0x16B20] =	vst v63  }
0x1ca: {  	_ =	swait.ge [sflag:s9], $0x1400  }
0x1cb: {  	[sflag:s9] =	ssyncset.done $0x0  }
0x1cc: {  	s21 =	rddreg [dreg:$0xf];
	[sflag:s9] =	ssyncadd.s32 $0xFFFFEC00  }
0x1cd: {  	[hbm4b:s21+s0] =	stream.linear.scatter [tilespmem:s11], [sflag:$0x7], $0x1400, $0x38;
	[tilespmem:$0x16B20] =	vst v63  }
0x1ce: {  	_ =	swait.ge [sflag:s9], $0x1400  }
0x1cf: {  	[sflag:s9] =	ssyncset.done $0x0  }
0x1d0: {  	[sflag:s9] =	ssyncadd.s32 $0xFFFFEC00  }
0x1d1: {  	[tilespmem:s11], [sflag:$0x7] =	stream.linear.gather [spmem:s15], $0x1400, $0x38;
	[tilespmem:$0x16B20] =	vst v63  }
0x1d2: {  	_ =	swait.ge [sflag:s9], $0x1400  }
0x1d3: {  	[sflag:s9] =	ssyncset.done $0x0  }
0x1d4: {  	s24 =	rddreg [dreg:$0x10];
	[sflag:s9] =	ssyncadd.s32 $0xFFFFEC00  }
0x1d5: {  	[hbm4b:s24+s0] =	stream.linear.scatter [tilespmem:s11], [sflag:$0x7], $0x1400, $0x38;
	[tilespmem:$0x16B20] =	vst v63  }
0x1d6: {  	_ =	swait.ge [sflag:s9], $0x1400  }
0x1d7: {  	[sflag:s9] =	ssyncset.done $0x0  }
0x1d8: {  	[sflag:s9] =	ssyncadd.s32 $0xFFFFEC00  }
0x1d9: {  	[tilespmem:s11], [sflag:$0x7] =	stream.linear.gather [spmem:s1], $0x1400, $0x38;
	[tilespmem:$0x16B20] =	vst v63  }
0x1da: {  	_ =	swait.ge [sflag:s9], $0x1400  }
0x1db: {  	[sflag:s9] =	ssyncset.done $0x0  }
0x1dc: {  	s10 =	rddreg [dreg:$0x11];
	[sflag:s9] =	ssyncadd.s32 $0xFFFFEC00  }
0x1dd: {  	[hbm4b:s10+s0] =	stream.linear.scatter [tilespmem:s11], [sflag:$0x7], $0x1400, $0x38;
	[tilespmem:$0x16B20] =	vst v63  }
0x1de: {  	_ =	swait.ge [sflag:s9], $0x1400  }
0x1df: {  	[sflag:s9] =	ssyncset.done $0x0  }
0x1e0: {  	[sflag:s9] =	ssyncadd.s32 $0xFFFFEC00  }
0x1e1: {  	[tilespmem:s11], [sflag:$0x7] =	stream.linear.gather [spmem:s2], $0x1400, $0x38;
	[tilespmem:$0x16B20] =	vst v63  }
0x1e2: {  	_ =	swait.ge [sflag:s9], $0x1400  }
0x1e3: {  	[sflag:s9] =	ssyncset.done $0x0  }
0x1e4: {  	s21 =	rddreg [dreg:$0x12];
	[sflag:s9] =	ssyncadd.s32 $0xFFFFEC00  }
0x1e5: {  	[hbm4b:s21+s0] =	stream.linear.scatter [tilespmem:s11], [sflag:$0x7], $0x1400, $0x38;
	[tilespmem:$0x16B20] =	vst v63  }
0x1e6: {  	_ =	swait.ge [sflag:s9], $0x1400  }
0x1e7: {  	[sflag:s9] =	ssyncset.done $0x0  }
0x1e8: {  	[sflag:s9] =	ssyncadd.s32 $0xFFFFEC00  }
0x1e9: {  	[tilespmem:s11], [sflag:$0x7] =	stream.linear.gather [spmem:s3], $0x1400, $0x38;
	[tilespmem:$0x16B20] =	vst v63  }
0x1ea: {  	_ =	swait.ge [sflag:s9], $0x1400  }
0x1eb: {  	[sflag:s9] =	ssyncset.done $0x0  }
0x1ec: {  	s24 =	rddreg [dreg:$0x13];
	[sflag:s9] =	ssyncadd.s32 $0xFFFFEC00  }
0x1ed: {  	[hbm4b:s24+s0] =	stream.linear.scatter [tilespmem:s11], [sflag:$0x7], $0x1400, $0x38;
	[tilespmem:$0x16B20] =	vst v63  }
0x1ee: {  	_ =	swait.ge [sflag:s9], $0x1400  }
0x1ef: {  	[sflag:s9] =	ssyncset.done $0x0  }
0x1f0: {  	[sflag:s9] =	ssyncadd.s32 $0xFFFFEC00  }
0x1f1: {  	[tilespmem:s11], [sflag:$0x7] =	stream.linear.gather [spmem:s4], $0x1400, $0x38;
	[tilespmem:$0x16B20] =	vst v63  }
0x1f2: {  	_ =	swait.ge [sflag:s9], $0x1400  }
0x1f3: {  	[sflag:s9] =	ssyncset.done $0x0  }
0x1f4: {  	s10 =	rddreg [dreg:$0x14];
	[sflag:s9] =	ssyncadd.s32 $0xFFFFEC00  }
0x1f5: {  	[hbm4b:s10+s0] =	stream.linear.scatter [tilespmem:s11], [sflag:$0x7], $0x1400, $0x38;
	[tilespmem:$0x16B20] =	vst v63  }
0x1f6: {  	_ =	swait.ge [sflag:s9], $0x1400  }
0x1f7: {  	[sflag:s9] =	ssyncset.done $0x0  }
0x1f8: {  	[sflag:s9] =	ssyncadd.s32 $0xFFFFEC00  }
0x1f9: {  	[tilespmem:s11], [sflag:$0x7] =	stream.linear.gather [spmem:s5], $0x1400, $0x38;
	[tilespmem:$0x16B20] =	vst v63  }
0x1fa: {  	_ =	swait.ge [sflag:s9], $0x1400  }
0x1fb: {  	[sflag:s9] =	ssyncset.done $0x0  }
0x1fc: {  	s21 =	rddreg [dreg:$0x15];
	[sflag:s9] =	ssyncadd.s32 $0xFFFFEC00  }
0x1fd: {  	[hbm4b:s21+s0] =	stream.linear.scatter [tilespmem:s11], [sflag:$0x7], $0x1400, $0x38;
	[tilespmem:$0x16B20] =	vst v63  }
0x1fe: {  	_ =	swait.ge [sflag:s9], $0x1400  }
0x1ff: {  	s6 =	sadd.s32 $0x1, s6;
	s24 =	rddreg [dreg:$0x1b]  }
0x200: {  	p1 =	sne.s32 s6, s24  }
.Ltmp2:
0x201: {  	_ = 	snop;
	(pc) =	sbr.rel @p1 .LBB2_1-.Ltmp2, $3  }
0x202: {  	_ =	sdelay $0x1  }
0x203: {  	[sflag:s9] =	ssyncset.done $0x0  }
0x204: {  	[sflag:s9] =	ssyncadd.s32 $0xFFFFEC00  }
0x205: {  	_ =	sfence.sel $0x180000  }
0x206: {  	[bflag:$0x0] =	sbarrier.arrive $0xFFFF  }
0x207: {  	_ =	strace $0x90000047  }
0x208: {  	s0 =	stileid.u32;
	[bflag:$0x2] =	sbarrier.arrive $0xFFFF  }
0x209: {  	p0 =	sne.s32 s0, $0x0;
	s0 =	rddreg [dreg:$0x4]  }
0x20a: {  	s0 =	sadd.s32 @!p0 $0x100000, s0  }
0x20b: {  	[sflag:s0] =	ssyncadd.tile.s32 @!p0 $0x1;
	_ =	shalt  }
.Lfunc_end2:
_tile_overlayer_lowered:
.L_overlay_start_2:
0x20c: {  	(tag) =	ssettag $0x2  }
0x20d: {  	s0 =	rddreg [dreg:$0x0];
	s2 =	stileid.u32  }
0x20e: {  	s1 =	rddreg [dreg:$0x1];
	p0 =	sne.s32 s2, $0x0  }
0x20f: {  	s3 =	rddreg [dreg:$0x2];
	[bflag:$0x3] =	sbarrier.arrive $0xFFFF;
	s2 =	simm.s32 @!p0 $0x1C07  }
0x210: {  	[timem:s3], [sflag:s2] =	dma.local @!p0 [hbm:s0], s1  }
0x211: {  	s0 =	simm.s32 @!p0 $0x7  }
0x212: {  	_ =	swait.ge @!p0 [sflag:s0], s1  }
0x213: {  	s1 =	ssub.s32 @!p0 $0x0, s1;
	[sflag:s0] =	ssyncset.done @!p0 $0x0  }
0x214: {  	[sflag:s0] =	ssyncadd.s32 @!p0 s1  }
0x215: {  	[bflag:$0x3] =	sbarrier.arrive $0xFFFF  }
0x216: {  	_ =	shalt  }

</sc_bundles>
